<compile_context>
chip_gen: v7x
topology: tpu7x:2x2x1
jax: 0.10.2.dev20260603
libtpu: 0.0.44.dev20260713+nightly
codegen_flags: <defaults>
</compile_context>

<pallas_src>
import functools

import jax
import jax.numpy as jnp
from jax import lax
from jax.experimental import pallas as pl
from jax.experimental.pallas import tpu as pltpu
from jax.experimental.pallas import tpu_sc as plsc

_NBUF = 2


def _eye128():
    r = lax.broadcasted_iota(jnp.int32, (128, 128), 0)
    c = lax.broadcasted_iota(jnp.int32, (128, 128), 1)
    return jnp.where(r == c, 1.0, 0.0).astype(jnp.float32)


def _mxu_t(x, ident):
    return lax.dot_general(
        ident, x, (((1,), (1,)), ((), ())), preferred_element_type=jnp.float32
    )


def _pack_table(wT, V, D):
    CI = 65536
    NB = (V + CI - 1) // CI
    NQ = CI // 512

    def body(x_ref, o_ref):
        x = x_ref[...]
        ident = _eye128()
        zs = []
        for q in range(NQ):
            v = jnp.concatenate(
                [
                    x[:, 128 * (4 * q + k) : 128 * (4 * q + k) + 128]
                    for k in range(4)
                ],
                axis=0,
            )
            zs.append(_mxu_t(v, ident) if q % 2 == 0 else v.T)
        o_ref[...] = jnp.concatenate(zs, axis=0)

    return pl.pallas_call(
        body,
        grid=(NB,),
        in_specs=[pl.BlockSpec((D, CI), lambda i: (0, i))],
        out_specs=pl.BlockSpec((CI // 4, 4 * D), lambda i: (i, 0)),
        out_shape=jax.ShapeDtypeStruct((NB * CI // 4, 4 * D), jnp.float32),
    )(wT)


def _prep_idx(idxT, Bt, F, FP):
    def body(x_ref, o_ref):
        x = x_ref[...]
        t = x - (x % 512) + 4 * (x % 128) + (x // 128) % 4
        o_ref[...] = t.reshape(F, Bt // 128, 128)

    return pl.pallas_call(
        body,
        grid=(1,),
        in_specs=[pl.BlockSpec((F, Bt), lambda i: (0, 0))],
        out_specs=pl.BlockSpec((F, Bt // 128, 128), lambda i: (0, 0, 0)),
        out_shape=jax.ShapeDtypeStruct((F, Bt // 128, 128), jnp.int32),
    )(idxT)


def _gather_fn_out(B, BPAD, D, VR, CH, num_ch, b_per_w, num_cores):
    mesh = plsc.VectorSubcoreMesh(core_axis_name="c", subcore_axis_name="s")

    @functools.partial(
        pl.kernel,
        mesh=mesh,
        out_type=jax.ShapeDtypeStruct((BPAD, D), jnp.float32),
        scratch_types=[
            pltpu.VMEM((b_per_w,), jnp.int32),
            [pltpu.VMEM((CH, D), jnp.float32) for _ in range(_NBUF)],
            [pltpu.VMEM((CH,), jnp.int32) for _ in range(_NBUF)],
            [pltpu.SemaphoreType.DMA for _ in range(_NBUF)],
            [pltpu.SemaphoreType.DMA for _ in range(_NBUF)],
        ],
        compiler_params=pltpu.CompilerParams(use_tc_tiling_on_sc=False),
    )
    def k(idx_hbm, table_hbm, out_hbm, idx_v, rows, sidxs, g_sems, s_sems):
        wid = lax.axis_index("s") * num_cores + lax.axis_index("c")
        base = wid * b_per_w
        pltpu.sync_copy(idx_hbm.at[pl.ds(base, b_per_w)], idx_v)

        gathers = [None] * num_ch
        stores = [None] * num_ch

        def fire_gather(i):
            s = i % _NBUF
            gathers[i] = pltpu.async_copy(
                table_hbm.at[idx_v.at[pl.ds(i * CH, CH)]], rows[s], g_sems[s]
            )
            p0 = base + i * CH

            def sv(v, _):
                p = lax.iota(jnp.int32, 16) + (p0 + v * 16)
                f = p >> 14
                b = p & 16383
                sidx = ((f >> 2) << 16) + (b << 2) + (f & 3)
                sidxs[s][pl.ds(v * 16, 16)] = sidx
                return _

            lax.fori_loop(0, CH // 16, sv, 0)

        for b in range(min(_NBUF, num_ch)):
            fire_gather(b)
        for i in range(num_ch):
            s = i % _NBUF
            gathers[i].wait()
            stores[i] = pltpu.async_copy(
                rows[s], out_hbm.at[sidxs[s]], s_sems[s]
            )
            nxt = i + _NBUF
            if nxt < num_ch:
                stores[i].wait()
                fire_gather(nxt)
        for i in range(max(0, num_ch - _NBUF), num_ch):
            stores[i].wait()

    return k


def _to_native_out(x7, Bt, F, D):
    BB = 8192
    FD = F * D
    NBLK = Bt // BB

    def body(x_ref, o_ref):
        x = x_ref[...]
        o_ref[...] = x.T

    return pl.pallas_call(
        body,
        grid=(7, NBLK),
        in_specs=[pl.BlockSpec((BB, 128), lambda s, i: (s * NBLK + i, 0))],
        out_specs=pl.BlockSpec((128, BB), lambda s, i: (s, i)),
        out_shape=jax.ShapeDtypeStruct((FD, Bt), jnp.float32),
    )(x7)


def kernel(indices, weights):
    Bt, F = indices.shape
    V, D = weights.shape
    FP = 28
    B2 = Bt * F
    BPAD = Bt * FP

    t4 = _pack_table(weights.T, V, D)
    VR = t4.shape[0] * 4
    table = t4.reshape(VR, D)

    idx_flat = _prep_idx(indices.T.astype(jnp.int32), Bt, F, FP).reshape(B2)

    info = plsc.get_sparse_core_info()
    NW = info.num_cores * info.num_subcores
    b_per_w = B2 // NW
    CH = 832
    num_ch = b_per_w // CH
    assert b_per_w % CH == 0 and B2 % NW == 0

    flat = _gather_fn_out(
        B2, BPAD, D, VR, CH, num_ch, b_per_w, info.num_cores
    )(idx_flat, table)

    phys = _to_native_out(flat.reshape(7 * Bt, 128), Bt, F, D)
    return jnp.transpose(phys.reshape(F, D, Bt), (2, 0, 1))

# --- scband reference (transcript-rebuilt; emitter-appended) ---
"""Pipeline reference for scband-multi-embedding-25245817765921 (READ-ONLY COPY).

The authoritative reference and input builder live on the scoring server;
editing this copy changes nothing except your own understanding.
"""

import jax, jax.numpy as jnp
import numpy as np

EMBED_CT = 1000000
DIM = 32
OTHER_DIM = 1
ROW_DIM = DIM * OTHER_DIM
BATCH = 16384
FIELDS = 26

def setup_inputs(seed: int = 0) -> dict:
    key = jax.random.key(seed)
    k_idx, k_w = jax.random.split(key)
    indices = jax.random.randint(k_idx, (BATCH, FIELDS), 0, EMBED_CT, dtype=jnp.int64 if jax.config.read('jax_enable_x64') else jnp.int32)
    # xavier_normal init: std = sqrt(2 / (fan_in + fan_out)) for weight of shape (embed_ct, row_dim)
    std = (2.0 / (EMBED_CT + ROW_DIM)) ** 0.5
    weights = jax.random.normal(k_w, (EMBED_CT, ROW_DIM), dtype=jnp.float32) * std
    return {"indices": indices, "weights": weights}

def reference(indices, weights):
    # Faithful to F.embedding(indices, self.weights): gather rows of the table
    return jnp.take(weights, indices, axis=0)

if __name__ == "__main__":
    import jax
    _d = setup_inputs()
    print(jax.jit(kernel)(*tuple(_d.values())))

</pallas_src>

<mosaic_0001>
#map = affine_map<(d0, d1) -> (0)>
#map1 = affine_map<(d0, d1) -> (0, 0)>
module attributes {stable_mosaic.version = 14 : i64} {
  func.func @k(%arg0: i32, %arg1: i32, %arg2: memref<425984xi32, #tpu.memory_space<hbm>>, %arg3: memref<1048576x32xf32, #tpu.memory_space<hbm>>, %arg4: memref<458752x32xf32, #tpu.memory_space<hbm>>, %arg5: memref<13312xi32, #tpu.memory_space<vmem>>, %arg6: memref<832x32xf32, #tpu.memory_space<vmem>>, %arg7: memref<832x32xf32, #tpu.memory_space<vmem>>, %arg8: memref<832xi32, #tpu.memory_space<vmem>>, %arg9: memref<832xi32, #tpu.memory_space<vmem>>, %arg10: memref<!tpu.dma_semaphore, #tpu.memory_space<semaphore_mem>>, %arg11: memref<!tpu.dma_semaphore, #tpu.memory_space<semaphore_mem>>, %arg12: memref<!tpu.dma_semaphore, #tpu.memory_space<semaphore_mem>>, %arg13: memref<!tpu.dma_semaphore, #tpu.memory_space<semaphore_mem>>) attributes {dimension_semantics = [#tpu.dimension_semantics<core_parallel>, #tpu.dimension_semantics<subcore_parallel>], iteration_bounds = array<i64: 2, 16>, scalar_prefetch = 0 : i64, scratch_operands = 9 : i64, tpu.core_type = #tpu.core_type<sc_vector_subcore>, window_params = [{transform_indices = #map}, {transform_indices = #map1}, {transform_indices = #map1}]} {
    %mul3A = arith.constant 2 : i32
    %mul3A_0 = arith.muli %arg1, %mul3A : i32
    %add3A = arith.addi %mul3A_0, %arg0 : i32
    %mul3A_1 = arith.constant 13312 : i32
    %mul3A_2 = arith.muli %add3A, %mul3A_1 : i32
    "tpu.region"() ({
      %run_scoped3A = tpu.sem_alloc : memref<!tpu.dma_semaphore, #tpu.memory_space<semaphore_mem>>
      %dma_start3A_384 = tpu.memref_slice %arg2[%mul3A_2] : memref<425984xi32, #tpu.memory_space<hbm>> -> memref<13312xi32, #tpu.memory_space<hbm>>
      %dma_start3A_385 = tpu.memref_slice %arg2[%mul3A_2] : memref<425984xi32, #tpu.memory_space<hbm>> -> memref<13312xi32, #tpu.memory_space<hbm>>
      tpu.enqueue_dma source(%dma_start3A_385 : memref<13312xi32, #tpu.memory_space<hbm>>) target(%arg5 : memref<13312xi32, #tpu.memory_space<vmem>>) target_semaphore(%run_scoped3A : memref<!tpu.dma_semaphore, #tpu.memory_space<semaphore_mem>>)
      %dma_wait3A_386 = tpu.memref_slice %arg2[%mul3A_2] : memref<425984xi32, #tpu.memory_space<hbm>> -> memref<13312xi32, #tpu.memory_space<hbm>>
      %dma_wait3A_387 = tpu.memref_slice %arg2[%mul3A_2] : memref<425984xi32, #tpu.memory_space<hbm>> -> memref<13312xi32, #tpu.memory_space<hbm>>
      tpu.wait_dma2 semaphore(%run_scoped3A : memref<!tpu.dma_semaphore, #tpu.memory_space<semaphore_mem>>) src(%dma_wait3A_387 : memref<13312xi32, #tpu.memory_space<hbm>>) dst(%arg5 : memref<13312xi32, #tpu.memory_space<vmem>>)
      tpu.yield
    }) : () -> ()
    %dma_start3A = arith.constant 0 : i32
    %dma_start3A_3 = tpu.memref_slice %arg5[%dma_start3A] : memref<13312xi32, #tpu.memory_space<vmem>> -> memref<832xi32, #tpu.memory_space<vmem>>
    %dma_start3A_4 = arith.constant 0 : i32
    %dma_start3A_5 = arith.constant 0 : i32
    %dma_start3A_6 = tpu.memref_slice %arg3[%dma_start3A_4, %dma_start3A_5] : memref<1048576x32xf32, #tpu.memory_space<hbm>> -> memref<1048576x32xf32, #tpu.memory_space<hbm>>
    tpu.enqueue_indirect_dma source(%dma_start3A_6 : memref<1048576x32xf32, #tpu.memory_space<hbm>>) target(%arg6 : memref<832x32xf32, #tpu.memory_space<vmem>>) offsets(%dma_start3A_3 : memref<832xi32, #tpu.memory_space<vmem>>) semaphore(%arg10 : memref<!tpu.dma_semaphore, #tpu.memory_space<semaphore_mem>>)
    %add3A_7 = arith.constant 0 : i32
    %add3A_8 = arith.addi %mul3A_2, %add3A_7 : i32
    %scan3A = arith.constant 0 : i32
    %scan3A_9 = arith.constant 0 : i32
    %scan3A_10 = arith.constant 52 : i32
    %scan3A_11 = arith.addi %scan3A_9, %scan3A_10 : i32
    %scan3A_12 = arith.constant 1 : i32
    scf.for %scan3A_384 = %scan3A_9 to %scan3A_11 step %scan3A_12  : i32 {
      %iota3A = tpu.iota {dimensions = array<i32: 0>} : vector<16xi32>
      %mul3A_385 = arith.constant 16 : i32
      %mul3A_386 = arith.muli %scan3A_384, %mul3A_385 : i32
      %add3A_387 = arith.addi %add3A_8, %mul3A_386 : i32
      %add3A_388 = vector.broadcast %add3A_387 : i32 to vector<16xi32>
      %add3A_389 = arith.addi %iota3A, %add3A_388 : vector<16xi32>
      %shift_right_arithmetic3A = arith.constant 14 : i32
      %shift_right_arithmetic3A_390 = vector.broadcast %shift_right_arithmetic3A : i32 to vector<16xi32>
      %shift_right_arithmetic3A_391 = arith.shrsi %add3A_389, %shift_right_arithmetic3A_390 : vector<16xi32>
      %and3A = arith.constant 16383 : i32
      %and3A_392 = vector.broadcast %and3A : i32 to vector<16xi32>
      %and3A_393 = arith.andi %add3A_389, %and3A_392 : vector<16xi32>
      %shift_right_arithmetic3A_394 = arith.constant 2 : i32
      %shift_right_arithmetic3A_395 = vector.broadcast %shift_right_arithmetic3A_394 : i32 to vector<16xi32>
      %shift_right_arithmetic3A_396 = arith.shrsi %shift_right_arithmetic3A_391, %shift_right_arithmetic3A_395 : vector<16xi32>
      %shift_left3A = arith.constant 16 : i32
      %shift_left3A_397 = vector.broadcast %shift_left3A : i32 to vector<16xi32>
      %shift_left3A_398 = arith.shli %shift_right_arithmetic3A_396, %shift_left3A_397 : vector<16xi32>
      %shift_left3A_399 = arith.constant 2 : i32
      %shift_left3A_400 = vector.broadcast %shift_left3A_399 : i32 to vector<16xi32>
      %shift_left3A_401 = arith.shli %and3A_393, %shift_left3A_400 : vector<16xi32>
      %add3A_402 = arith.addi %shift_left3A_398, %shift_left3A_401 : vector<16xi32>
      %and3A_403 = arith.constant 3 : i32
      %and3A_404 = vector.broadcast %and3A_403 : i32 to vector<16xi32>
      %and3A_405 = arith.andi %shift_right_arithmetic3A_391, %and3A_404 : vector<16xi32>
      %add3A_406 = arith.addi %add3A_402, %and3A_405 : vector<16xi32>
      %mul3A_407 = arith.constant 16 : i32
      %mul3A_408 = arith.muli %scan3A_384, %mul3A_407 : i32
      %swap3A = arith.index_cast %mul3A_408 : i32 to index
      %swap3A_409 = tpu.vector_load %arg8[%swap3A] {strides = array<i32>} : memref<832xi32, #tpu.memory_space<vmem>>, vector<16xi32>,
      %swap3A_410 = vector.shape_cast %swap3A_409 : vector<16xi32> to vector<16xi32>
      %swap3A_411 = vector.shape_cast %add3A_406 : vector<16xi32> to vector<16xi32>
      tpu.vector_store %arg8[%swap3A], %swap3A_411 {strides = array<i32>} : memref<832xi32, #tpu.memory_space<vmem>>, vector<16xi32>,
    }
    %scan3A_13 = arith.constant 52 : i32
    %dma_start3A_14 = arith.constant 832 : i32
    %dma_start3A_15 = tpu.memref_slice %arg5[%dma_start3A_14] : memref<13312xi32, #tpu.memory_space<vmem>> -> memref<832xi32, #tpu.memory_space<vmem>>
    %dma_start3A_16 = arith.constant 0 : i32
    %dma_start3A_17 = arith.constant 0 : i32
    %dma_start3A_18 = tpu.memref_slice %arg3[%dma_start3A_16, %dma_start3A_17] : memref<1048576x32xf32, #tpu.memory_space<hbm>> -> memref<1048576x32xf32, #tpu.memory_space<hbm>>
    tpu.enqueue_indirect_dma source(%dma_start3A_18 : memref<1048576x32xf32, #tpu.memory_space<hbm>>) target(%arg7 : memref<832x32xf32, #tpu.memory_space<vmem>>) offsets(%dma_start3A_15 : memref<832xi32, #tpu.memory_space<vmem>>) semaphore(%arg11 : memref<!tpu.dma_semaphore, #tpu.memory_space<semaphore_mem>>)
    %add3A_19 = arith.constant 832 : i32
    %add3A_20 = arith.addi %mul3A_2, %add3A_19 : i32
    %scan3A_21 = arith.constant 0 : i32
    %scan3A_22 = arith.constant 0 : i32
    %scan3A_23 = arith.constant 52 : i32
    %scan3A_24 = arith.addi %scan3A_22, %scan3A_23 : i32
    %scan3A_25 = arith.constant 1 : i32
    scf.for %scan3A_384 = %scan3A_22 to %scan3A_24 step %scan3A_25  : i32 {
      %iota3A = tpu.iota {dimensions = array<i32: 0>} : vector<16xi32>
      %mul3A_385 = arith.constant 16 : i32
      %mul3A_386 = arith.muli %scan3A_384, %mul3A_385 : i32
      %add3A_387 = arith.addi %add3A_20, %mul3A_386 : i32
      %add3A_388 = vector.broadcast %add3A_387 : i32 to vector<16xi32>
      %add3A_389 = arith.addi %iota3A, %add3A_388 : vector<16xi32>
      %shift_right_arithmetic3A = arith.constant 14 : i32
      %shift_right_arithmetic3A_390 = vector.broadcast %shift_right_arithmetic3A : i32 to vector<16xi32>
      %shift_right_arithmetic3A_391 = arith.shrsi %add3A_389, %shift_right_arithmetic3A_390 : vector<16xi32>
      %and3A = arith.constant 16383 : i32
      %and3A_392 = vector.broadcast %and3A : i32 to vector<16xi32>
      %and3A_393 = arith.andi %add3A_389, %and3A_392 : vector<16xi32>
      %shift_right_arithmetic3A_394 = arith.constant 2 : i32
      %shift_right_arithmetic3A_395 = vector.broadcast %shift_right_arithmetic3A_394 : i32 to vector<16xi32>
      %shift_right_arithmetic3A_396 = arith.shrsi %shift_right_arithmetic3A_391, %shift_right_arithmetic3A_395 : vector<16xi32>
      %shift_left3A = arith.constant 16 : i32
      %shift_left3A_397 = vector.broadcast %shift_left3A : i32 to vector<16xi32>
      %shift_left3A_398 = arith.shli %shift_right_arithmetic3A_396, %shift_left3A_397 : vector<16xi32>
      %shift_left3A_399 = arith.constant 2 : i32
      %shift_left3A_400 = vector.broadcast %shift_left3A_399 : i32 to vector<16xi32>
      %shift_left3A_401 = arith.shli %and3A_393, %shift_left3A_400 : vector<16xi32>
      %add3A_402 = arith.addi %shift_left3A_398, %shift_left3A_401 : vector<16xi32>
      %and3A_403 = arith.constant 3 : i32
      %and3A_404 = vector.broadcast %and3A_403 : i32 to vector<16xi32>
      %and3A_405 = arith.andi %shift_right_arithmetic3A_391, %and3A_404 : vector<16xi32>
      %add3A_406 = arith.addi %add3A_402, %and3A_405 : vector<16xi32>
      %mul3A_407 = arith.constant 16 : i32
      %mul3A_408 = arith.muli %scan3A_384, %mul3A_407 : i32
      %swap3A = arith.index_cast %mul3A_408 : i32 to index
      %swap3A_409 = tpu.vector_load %arg9[%swap3A] {strides = array<i32>} : memref<832xi32, #tpu.memory_space<vmem>>, vector<16xi32>,
      %swap3A_410 = vector.shape_cast %swap3A_409 : vector<16xi32> to vector<16xi32>
      %swap3A_411 = vector.shape_cast %add3A_406 : vector<16xi32> to vector<16xi32>
      tpu.vector_store %arg9[%swap3A], %swap3A_411 {strides = array<i32>} : memref<832xi32, #tpu.memory_space<vmem>>, vector<16xi32>,
    }
    %scan3A_26 = arith.constant 52 : i32
    %dma_wait3A = arith.constant 0 : i32
    %dma_wait3A_27 = tpu.memref_slice %arg5[%dma_wait3A] : memref<13312xi32, #tpu.memory_space<vmem>> -> memref<832xi32, #tpu.memory_space<vmem>>
    %dma_wait3A_28 = arith.constant 0 : i32
    %dma_wait3A_29 = arith.constant 0 : i32
    %dma_wait3A_30 = tpu.memref_slice %arg3[%dma_wait3A_28, %dma_wait3A_29] : memref<1048576x32xf32, #tpu.memory_space<hbm>> -> memref<1048576x32xf32, #tpu.memory_space<hbm>>
    tpu.wait_indirect_dma semaphore(%arg10 : memref<!tpu.dma_semaphore, #tpu.memory_space<semaphore_mem>>) src(%dma_wait3A_30 : memref<1048576x32xf32, #tpu.memory_space<hbm>>) dst(%arg6 : memref<832x32xf32, #tpu.memory_space<vmem>>)
    %dma_start3A_31 = arith.constant 0 : i32
    %dma_start3A_32 = arith.constant 0 : i32
    %dma_start3A_33 = tpu.memref_slice %arg4[%dma_start3A_31, %dma_start3A_32] : memref<458752x32xf32, #tpu.memory_space<hbm>> -> memref<458752x32xf32, #tpu.memory_space<hbm>>
    tpu.enqueue_indirect_dma source(%arg6 : memref<832x32xf32, #tpu.memory_space<vmem>>) target(%dma_start3A_33 : memref<458752x32xf32, #tpu.memory_space<hbm>>) offsets(%arg8 : memref<832xi32, #tpu.memory_space<vmem>>) semaphore(%arg12 : memref<!tpu.dma_semaphore, #tpu.memory_space<semaphore_mem>>)
    %dma_wait3A_34 = arith.constant 0 : i32
    %dma_wait3A_35 = arith.constant 0 : i32
    %dma_wait3A_36 = tpu.memref_slice %arg4[%dma_wait3A_34, %dma_wait3A_35] : memref<458752x32xf32, #tpu.memory_space<hbm>> -> memref<458752x32xf32, #tpu.memory_space<hbm>>
    tpu.wait_indirect_dma semaphore(%arg12 : memref<!tpu.dma_semaphore, #tpu.memory_space<semaphore_mem>>) src(%arg6 : memref<832x32xf32, #tpu.memory_space<vmem>>) dst(%dma_wait3A_36 : memref<458752x32xf32, #tpu.memory_space<hbm>>)
    %dma_start3A_37 = arith.constant 1664 : i32
    %dma_start3A_38 = tpu.memref_slice %arg5[%dma_start3A_37] : memref<13312xi32, #tpu.memory_space<vmem>> -> memref<832xi32, #tpu.memory_space<vmem>>
    %dma_start3A_39 = arith.constant 0 : i32
    %dma_start3A_40 = arith.constant 0 : i32
    %dma_start3A_41 = tpu.memref_slice %arg3[%dma_start3A_39, %dma_start3A_40] : memref<1048576x32xf32, #tpu.memory_space<hbm>> -> memref<1048576x32xf32, #tpu.memory_space<hbm>>
    tpu.enqueue_indirect_dma source(%dma_start3A_41 : memref<1048576x32xf32, #tpu.memory_space<hbm>>) target(%arg6 : memref<832x32xf32, #tpu.memory_space<vmem>>) offsets(%dma_start3A_38 : memref<832xi32, #tpu.memory_space<vmem>>) semaphore(%arg10 : memref<!tpu.dma_semaphore, #tpu.memory_space<semaphore_mem>>)
    %add3A_42 = arith.constant 1664 : i32
    %add3A_43 = arith.addi %mul3A_2, %add3A_42 : i32
    %scan3A_44 = arith.constant 0 : i32
    %scan3A_45 = arith.constant 0 : i32
    %scan3A_46 = arith.constant 52 : i32
    %scan3A_47 = arith.addi %scan3A_45, %scan3A_46 : i32
    %scan3A_48 = arith.constant 1 : i32
    scf.for %scan3A_384 = %scan3A_45 to %scan3A_47 step %scan3A_48  : i32 {
      %iota3A = tpu.iota {dimensions = array<i32: 0>} : vector<16xi32>
      %mul3A_385 = arith.constant 16 : i32
      %mul3A_386 = arith.muli %scan3A_384, %mul3A_385 : i32
      %add3A_387 = arith.addi %add3A_43, %mul3A_386 : i32
      %add3A_388 = vector.broadcast %add3A_387 : i32 to vector<16xi32>
      %add3A_389 = arith.addi %iota3A, %add3A_388 : vector<16xi32>
      %shift_right_arithmetic3A = arith.constant 14 : i32
      %shift_right_arithmetic3A_390 = vector.broadcast %shift_right_arithmetic3A : i32 to vector<16xi32>
      %shift_right_arithmetic3A_391 = arith.shrsi %add3A_389, %shift_right_arithmetic3A_390 : vector<16xi32>
      %and3A = arith.constant 16383 : i32
      %and3A_392 = vector.broadcast %and3A : i32 to vector<16xi32>
      %and3A_393 = arith.andi %add3A_389, %and3A_392 : vector<16xi32>
      %shift_right_arithmetic3A_394 = arith.constant 2 : i32
      %shift_right_arithmetic3A_395 = vector.broadcast %shift_right_arithmetic3A_394 : i32 to vector<16xi32>
      %shift_right_arithmetic3A_396 = arith.shrsi %shift_right_arithmetic3A_391, %shift_right_arithmetic3A_395 : vector<16xi32>
      %shift_left3A = arith.constant 16 : i32
      %shift_left3A_397 = vector.broadcast %shift_left3A : i32 to vector<16xi32>
      %shift_left3A_398 = arith.shli %shift_right_arithmetic3A_396, %shift_left3A_397 : vector<16xi32>
      %shift_left3A_399 = arith.constant 2 : i32
      %shift_left3A_400 = vector.broadcast %shift_left3A_399 : i32 to vector<16xi32>
      %shift_left3A_401 = arith.shli %and3A_393, %shift_left3A_400 : vector<16xi32>
      %add3A_402 = arith.addi %shift_left3A_398, %shift_left3A_401 : vector<16xi32>
      %and3A_403 = arith.constant 3 : i32
      %and3A_404 = vector.broadcast %and3A_403 : i32 to vector<16xi32>
      %and3A_405 = arith.andi %shift_right_arithmetic3A_391, %and3A_404 : vector<16xi32>
      %add3A_406 = arith.addi %add3A_402, %and3A_405 : vector<16xi32>
      %mul3A_407 = arith.constant 16 : i32
      %mul3A_408 = arith.muli %scan3A_384, %mul3A_407 : i32
      %swap3A = arith.index_cast %mul3A_408 : i32 to index
      %swap3A_409 = tpu.vector_load %arg8[%swap3A] {strides = array<i32>} : memref<832xi32, #tpu.memory_space<vmem>>, vector<16xi32>,
      %swap3A_410 = vector.shape_cast %swap3A_409 : vector<16xi32> to vector<16xi32>
      %swap3A_411 = vector.shape_cast %add3A_406 : vector<16xi32> to vector<16xi32>
      tpu.vector_store %arg8[%swap3A], %swap3A_411 {strides = array<i32>} : memref<832xi32, #tpu.memory_space<vmem>>, vector<16xi32>,
    }
    %scan3A_49 = arith.constant 52 : i32
    %dma_wait3A_50 = arith.constant 832 : i32
    %dma_wait3A_51 = tpu.memref_slice %arg5[%dma_wait3A_50] : memref<13312xi32, #tpu.memory_space<vmem>> -> memref<832xi32, #tpu.memory_space<vmem>>
    %dma_wait3A_52 = arith.constant 0 : i32
    %dma_wait3A_53 = arith.constant 0 : i32
    %dma_wait3A_54 = tpu.memref_slice %arg3[%dma_wait3A_52, %dma_wait3A_53] : memref<1048576x32xf32, #tpu.memory_space<hbm>> -> memref<1048576x32xf32, #tpu.memory_space<hbm>>
    tpu.wait_indirect_dma semaphore(%arg11 : memref<!tpu.dma_semaphore, #tpu.memory_space<semaphore_mem>>) src(%dma_wait3A_54 : memref<1048576x32xf32, #tpu.memory_space<hbm>>) dst(%arg7 : memref<832x32xf32, #tpu.memory_space<vmem>>)
    %dma_start3A_55 = arith.constant 0 : i32
    %dma_start3A_56 = arith.constant 0 : i32
    %dma_start3A_57 = tpu.memref_slice %arg4[%dma_start3A_55, %dma_start3A_56] : memref<458752x32xf32, #tpu.memory_space<hbm>> -> memref<458752x32xf32, #tpu.memory_space<hbm>>
    tpu.enqueue_indirect_dma source(%arg7 : memref<832x32xf32, #tpu.memory_space<vmem>>) target(%dma_start3A_57 : memref<458752x32xf32, #tpu.memory_space<hbm>>) offsets(%arg9 : memref<832xi32, #tpu.memory_space<vmem>>) semaphore(%arg13 : memref<!tpu.dma_semaphore, #tpu.memory_space<semaphore_mem>>)
    %dma_wait3A_58 = arith.constant 0 : i32
    %dma_wait3A_59 = arith.constant 0 : i32
    %dma_wait3A_60 = tpu.memref_slice %arg4[%dma_wait3A_58, %dma_wait3A_59] : memref<458752x32xf32, #tpu.memory_space<hbm>> -> memref<458752x32xf32, #tpu.memory_space<hbm>>
    tpu.wait_indirect_dma semaphore(%arg13 : memref<!tpu.dma_semaphore, #tpu.memory_space<semaphore_mem>>) src(%arg7 : memref<832x32xf32, #tpu.memory_space<vmem>>) dst(%dma_wait3A_60 : memref<458752x32xf32, #tpu.memory_space<hbm>>)
    %dma_start3A_61 = arith.constant 2496 : i32
    %dma_start3A_62 = tpu.memref_slice %arg5[%dma_start3A_61] : memref<13312xi32, #tpu.memory_space<vmem>> -> memref<832xi32, #tpu.memory_space<vmem>>
    %dma_start3A_63 = arith.constant 0 : i32
    %dma_start3A_64 = arith.constant 0 : i32
    %dma_start3A_65 = tpu.memref_slice %arg3[%dma_start3A_63, %dma_start3A_64] : memref<1048576x32xf32, #tpu.memory_space<hbm>> -> memref<1048576x32xf32, #tpu.memory_space<hbm>>
    tpu.enqueue_indirect_dma source(%dma_start3A_65 : memref<1048576x32xf32, #tpu.memory_space<hbm>>) target(%arg7 : memref<832x32xf32, #tpu.memory_space<vmem>>) offsets(%dma_start3A_62 : memref<832xi32, #tpu.memory_space<vmem>>) semaphore(%arg11 : memref<!tpu.dma_semaphore, #tpu.memory_space<semaphore_mem>>)
    %add3A_66 = arith.constant 2496 : i32
    %add3A_67 = arith.addi %mul3A_2, %add3A_66 : i32
    %scan3A_68 = arith.constant 0 : i32
    %scan3A_69 = arith.constant 0 : i32
    %scan3A_70 = arith.constant 52 : i32
    %scan3A_71 = arith.addi %scan3A_69, %scan3A_70 : i32
    %scan3A_72 = arith.constant 1 : i32
    scf.for %scan3A_384 = %scan3A_69 to %scan3A_71 step %scan3A_72  : i32 {
      %iota3A = tpu.iota {dimensions = array<i32: 0>} : vector<16xi32>
      %mul3A_385 = arith.constant 16 : i32
      %mul3A_386 = arith.muli %scan3A_384, %mul3A_385 : i32
      %add3A_387 = arith.addi %add3A_67, %mul3A_386 : i32
      %add3A_388 = vector.broadcast %add3A_387 : i32 to vector<16xi32>
      %add3A_389 = arith.addi %iota3A, %add3A_388 : vector<16xi32>
      %shift_right_arithmetic3A = arith.constant 14 : i32
      %shift_right_arithmetic3A_390 = vector.broadcast %shift_right_arithmetic3A : i32 to vector<16xi32>
      %shift_right_arithmetic3A_391 = arith.shrsi %add3A_389, %shift_right_arithmetic3A_390 : vector<16xi32>
      %and3A = arith.constant 16383 : i32
      %and3A_392 = vector.broadcast %and3A : i32 to vector<16xi32>
      %and3A_393 = arith.andi %add3A_389, %and3A_392 : vector<16xi32>
      %shift_right_arithmetic3A_394 = arith.constant 2 : i32
      %shift_right_arithmetic3A_395 = vector.broadcast %shift_right_arithmetic3A_394 : i32 to vector<16xi32>
      %shift_right_arithmetic3A_396 = arith.shrsi %shift_right_arithmetic3A_391, %shift_right_arithmetic3A_395 : vector<16xi32>
      %shift_left3A = arith.constant 16 : i32
      %shift_left3A_397 = vector.broadcast %shift_left3A : i32 to vector<16xi32>
      %shift_left3A_398 = arith.shli %shift_right_arithmetic3A_396, %shift_left3A_397 : vector<16xi32>
      %shift_left3A_399 = arith.constant 2 : i32
      %shift_left3A_400 = vector.broadcast %shift_left3A_399 : i32 to vector<16xi32>
      %shift_left3A_401 = arith.shli %and3A_393, %shift_left3A_400 : vector<16xi32>
      %add3A_402 = arith.addi %shift_left3A_398, %shift_left3A_401 : vector<16xi32>
      %and3A_403 = arith.constant 3 : i32
      %and3A_404 = vector.broadcast %and3A_403 : i32 to vector<16xi32>
      %and3A_405 = arith.andi %shift_right_arithmetic3A_391, %and3A_404 : vector<16xi32>
      %add3A_406 = arith.addi %add3A_402, %and3A_405 : vector<16xi32>
      %mul3A_407 = arith.constant 16 : i32
      %mul3A_408 = arith.muli %scan3A_384, %mul3A_407 : i32
      %swap3A = arith.index_cast %mul3A_408 : i32 to index
      %swap3A_409 = tpu.vector_load %arg9[%swap3A] {strides = array<i32>} : memref<832xi32, #tpu.memory_space<vmem>>, vector<16xi32>,
      %swap3A_410 = vector.shape_cast %swap3A_409 : vector<16xi32> to vector<16xi32>
      %swap3A_411 = vector.shape_cast %add3A_406 : vector<16xi32> to vector<16xi32>
      tpu.vector_store %arg9[%swap3A], %swap3A_411 {strides = array<i32>} : memref<832xi32, #tpu.memory_space<vmem>>, vector<16xi32>,
    }
    %scan3A_73 = arith.constant 52 : i32
    %dma_wait3A_74 = arith.constant 1664 : i32
    %dma_wait3A_75 = tpu.memref_slice %arg5[%dma_wait3A_74] : memref<13312xi32, #tpu.memory_space<vmem>> -> memref<832xi32, #tpu.memory_space<vmem>>
    %dma_wait3A_76 = arith.constant 0 : i32
    %dma_wait3A_77 = arith.constant 0 : i32
    %dma_wait3A_78 = tpu.memref_slice %arg3[%dma_wait3A_76, %dma_wait3A_77] : memref<1048576x32xf32, #tpu.memory_space<hbm>> -> memref<1048576x32xf32, #tpu.memory_space<hbm>>
    tpu.wait_indirect_dma semaphore(%arg10 : memref<!tpu.dma_semaphore, #tpu.memory_space<semaphore_mem>>) src(%dma_wait3A_78 : memref<1048576x32xf32, #tpu.memory_space<hbm>>) dst(%arg6 : memref<832x32xf32, #tpu.memory_space<vmem>>)
    %dma_start3A_79 = arith.constant 0 : i32
    %dma_start3A_80 = arith.constant 0 : i32
    %dma_start3A_81 = tpu.memref_slice %arg4[%dma_start3A_79, %dma_start3A_80] : memref<458752x32xf32, #tpu.memory_space<hbm>> -> memref<458752x32xf32, #tpu.memory_space<hbm>>
    tpu.enqueue_indirect_dma source(%arg6 : memref<832x32xf32, #tpu.memory_space<vmem>>) target(%dma_start3A_81 : memref<458752x32xf32, #tpu.memory_space<hbm>>) offsets(%arg8 : memref<832xi32, #tpu.memory_space<vmem>>) semaphore(%arg12 : memref<!tpu.dma_semaphore, #tpu.memory_space<semaphore_mem>>)
    %dma_wait3A_82 = arith.constant 0 : i32
    %dma_wait3A_83 = arith.constant 0 : i32
    %dma_wait3A_84 = tpu.memref_slice %arg4[%dma_wait3A_82, %dma_wait3A_83] : memref<458752x32xf32, #tpu.memory_space<hbm>> -> memref<458752x32xf32, #tpu.memory_space<hbm>>
    tpu.wait_indirect_dma semaphore(%arg12 : memref<!tpu.dma_semaphore, #tpu.memory_space<semaphore_mem>>) src(%arg6 : memref<832x32xf32, #tpu.memory_space<vmem>>) dst(%dma_wait3A_84 : memref<458752x32xf32, #tpu.memory_space<hbm>>)
    %dma_start3A_85 = arith.constant 3328 : i32
    %dma_start3A_86 = tpu.memref_slice %arg5[%dma_start3A_85] : memref<13312xi32, #tpu.memory_space<vmem>> -> memref<832xi32, #tpu.memory_space<vmem>>
    %dma_start3A_87 = arith.constant 0 : i32
    %dma_start3A_88 = arith.constant 0 : i32
    %dma_start3A_89 = tpu.memref_slice %arg3[%dma_start3A_87, %dma_start3A_88] : memref<1048576x32xf32, #tpu.memory_space<hbm>> -> memref<1048576x32xf32, #tpu.memory_space<hbm>>
    tpu.enqueue_indirect_dma source(%dma_start3A_89 : memref<1048576x32xf32, #tpu.memory_space<hbm>>) target(%arg6 : memref<832x32xf32, #tpu.memory_space<vmem>>) offsets(%dma_start3A_86 : memref<832xi32, #tpu.memory_space<vmem>>) semaphore(%arg10 : memref<!tpu.dma_semaphore, #tpu.memory_space<semaphore_mem>>)
    %add3A_90 = arith.constant 3328 : i32
    %add3A_91 = arith.addi %mul3A_2, %add3A_90 : i32
    %scan3A_92 = arith.constant 0 : i32
    %scan3A_93 = arith.constant 0 : i32
    %scan3A_94 = arith.constant 52 : i32
    %scan3A_95 = arith.addi %scan3A_93, %scan3A_94 : i32
    %scan3A_96 = arith.constant 1 : i32
    scf.for %scan3A_384 = %scan3A_93 to %scan3A_95 step %scan3A_96  : i32 {
      %iota3A = tpu.iota {dimensions = array<i32: 0>} : vector<16xi32>
      %mul3A_385 = arith.constant 16 : i32
      %mul3A_386 = arith.muli %scan3A_384, %mul3A_385 : i32
      %add3A_387 = arith.addi %add3A_91, %mul3A_386 : i32
      %add3A_388 = vector.broadcast %add3A_387 : i32 to vector<16xi32>
      %add3A_389 = arith.addi %iota3A, %add3A_388 : vector<16xi32>
      %shift_right_arithmetic3A = arith.constant 14 : i32
      %shift_right_arithmetic3A_390 = vector.broadcast %shift_right_arithmetic3A : i32 to vector<16xi32>
      %shift_right_arithmetic3A_391 = arith.shrsi %add3A_389, %shift_right_arithmetic3A_390 : vector<16xi32>
      %and3A = arith.constant 16383 : i32
      %and3A_392 = vector.broadcast %and3A : i32 to vector<16xi32>
      %and3A_393 = arith.andi %add3A_389, %and3A_392 : vector<16xi32>
      %shift_right_arithmetic3A_394 = arith.constant 2 : i32
      %shift_right_arithmetic3A_395 = vector.broadcast %shift_right_arithmetic3A_394 : i32 to vector<16xi32>
      %shift_right_arithmetic3A_396 = arith.shrsi %shift_right_arithmetic3A_391, %shift_right_arithmetic3A_395 : vector<16xi32>
      %shift_left3A = arith.constant 16 : i32
      %shift_left3A_397 = vector.broadcast %shift_left3A : i32 to vector<16xi32>
      %shift_left3A_398 = arith.shli %shift_right_arithmetic3A_396, %shift_left3A_397 : vector<16xi32>
      %shift_left3A_399 = arith.constant 2 : i32
      %shift_left3A_400 = vector.broadcast %shift_left3A_399 : i32 to vector<16xi32>
      %shift_left3A_401 = arith.shli %and3A_393, %shift_left3A_400 : vector<16xi32>
      %add3A_402 = arith.addi %shift_left3A_398, %shift_left3A_401 : vector<16xi32>
      %and3A_403 = arith.constant 3 : i32
      %and3A_404 = vector.broadcast %and3A_403 : i32 to vector<16xi32>
      %and3A_405 = arith.andi %shift_right_arithmetic3A_391, %and3A_404 : vector<16xi32>
      %add3A_406 = arith.addi %add3A_402, %and3A_405 : vector<16xi32>
      %mul3A_407 = arith.constant 16 : i32
      %mul3A_408 = arith.muli %scan3A_384, %mul3A_407 : i32
      %swap3A = arith.index_cast %mul3A_408 : i32 to index
      %swap3A_409 = tpu.vector_load %arg8[%swap3A] {strides = array<i32>} : memref<832xi32, #tpu.memory_space<vmem>>, vector<16xi32>,
      %swap3A_410 = vector.shape_cast %swap3A_409 : vector<16xi32> to vector<16xi32>
      %swap3A_411 = vector.shape_cast %add3A_406 : vector<16xi32> to vector<16xi32>
      tpu.vector_store %arg8[%swap3A], %swap3A_411 {strides = array<i32>} : memref<832xi32, #tpu.memory_space<vmem>>, vector<16xi32>,
    }
    %scan3A_97 = arith.constant 52 : i32
    %dma_wait3A_98 = arith.constant 2496 : i32
    %dma_wait3A_99 = tpu.memref_slice %arg5[%dma_wait3A_98] : memref<13312xi32, #tpu.memory_space<vmem>> -> memref<832xi32, #tpu.memory_space<vmem>>
    %dma_wait3A_100 = arith.constant 0 : i32
    %dma_wait3A_101 = arith.constant 0 : i32
    %dma_wait3A_102 = tpu.memref_slice %arg3[%dma_wait3A_100, %dma_wait3A_101] : memref<1048576x32xf32, #tpu.memory_space<hbm>> -> memref<1048576x32xf32, #tpu.memory_space<hbm>>
    tpu.wait_indirect_dma semaphore(%arg11 : memref<!tpu.dma_semaphore, #tpu.memory_space<semaphore_mem>>) src(%dma_wait3A_102 : memref<1048576x32xf32, #tpu.memory_space<hbm>>) dst(%arg7 : memref<832x32xf32, #tpu.memory_space<vmem>>)
    %dma_start3A_103 = arith.constant 0 : i32
    %dma_start3A_104 = arith.constant 0 : i32
    %dma_start3A_105 = tpu.memref_slice %arg4[%dma_start3A_103, %dma_start3A_104] : memref<458752x32xf32, #tpu.memory_space<hbm>> -> memref<458752x32xf32, #tpu.memory_space<hbm>>
    tpu.enqueue_indirect_dma source(%arg7 : memref<832x32xf32, #tpu.memory_space<vmem>>) target(%dma_start3A_105 : memref<458752x32xf32, #tpu.memory_space<hbm>>) offsets(%arg9 : memref<832xi32, #tpu.memory_space<vmem>>) semaphore(%arg13 : memref<!tpu.dma_semaphore, #tpu.memory_space<semaphore_mem>>)
    %dma_wait3A_106 = arith.constant 0 : i32
    %dma_wait3A_107 = arith.constant 0 : i32
    %dma_wait3A_108 = tpu.memref_slice %arg4[%dma_wait3A_106, %dma_wait3A_107] : memref<458752x32xf32, #tpu.memory_space<hbm>> -> memref<458752x32xf32, #tpu.memory_space<hbm>>
    tpu.wait_indirect_dma semaphore(%arg13 : memref<!tpu.dma_semaphore, #tpu.memory_space<semaphore_mem>>) src(%arg7 : memref<832x32xf32, #tpu.memory_space<vmem>>) dst(%dma_wait3A_108 : memref<458752x32xf32, #tpu.memory_space<hbm>>)
    %dma_start3A_109 = arith.constant 4160 : i32
    %dma_start3A_110 = tpu.memref_slice %arg5[%dma_start3A_109] : memref<13312xi32, #tpu.memory_space<vmem>> -> memref<832xi32, #tpu.memory_space<vmem>>
    %dma_start3A_111 = arith.constant 0 : i32
    %dma_start3A_112 = arith.constant 0 : i32
    %dma_start3A_113 = tpu.memref_slice %arg3[%dma_start3A_111, %dma_start3A_112] : memref<1048576x32xf32, #tpu.memory_space<hbm>> -> memref<1048576x32xf32, #tpu.memory_space<hbm>>
    tpu.enqueue_indirect_dma source(%dma_start3A_113 : memref<1048576x32xf32, #tpu.memory_space<hbm>>) target(%arg7 : memref<832x32xf32, #tpu.memory_space<vmem>>) offsets(%dma_start3A_110 : memref<832xi32, #tpu.memory_space<vmem>>) semaphore(%arg11 : memref<!tpu.dma_semaphore, #tpu.memory_space<semaphore_mem>>)
    %add3A_114 = arith.constant 4160 : i32
    %add3A_115 = arith.addi %mul3A_2, %add3A_114 : i32
    %scan3A_116 = arith.constant 0 : i32
    %scan3A_117 = arith.constant 0 : i32
    %scan3A_118 = arith.constant 52 : i32
    %scan3A_119 = arith.addi %scan3A_117, %scan3A_118 : i32
    %scan3A_120 = arith.constant 1 : i32
    scf.for %scan3A_384 = %scan3A_117 to %scan3A_119 step %scan3A_120  : i32 {
      %iota3A = tpu.iota {dimensions = array<i32: 0>} : vector<16xi32>
      %mul3A_385 = arith.constant 16 : i32
      %mul3A_386 = arith.muli %scan3A_384, %mul3A_385 : i32
      %add3A_387 = arith.addi %add3A_115, %mul3A_386 : i32
      %add3A_388 = vector.broadcast %add3A_387 : i32 to vector<16xi32>
      %add3A_389 = arith.addi %iota3A, %add3A_388 : vector<16xi32>
      %shift_right_arithmetic3A = arith.constant 14 : i32
      %shift_right_arithmetic3A_390 = vector.broadcast %shift_right_arithmetic3A : i32 to vector<16xi32>
      %shift_right_arithmetic3A_391 = arith.shrsi %add3A_389, %shift_right_arithmetic3A_390 : vector<16xi32>
      %and3A = arith.constant 16383 : i32
      %and3A_392 = vector.broadcast %and3A : i32 to vector<16xi32>
      %and3A_393 = arith.andi %add3A_389, %and3A_392 : vector<16xi32>
      %shift_right_arithmetic3A_394 = arith.constant 2 : i32
      %shift_right_arithmetic3A_395 = vector.broadcast %shift_right_arithmetic3A_394 : i32 to vector<16xi32>
      %shift_right_arithmetic3A_396 = arith.shrsi %shift_right_arithmetic3A_391, %shift_right_arithmetic3A_395 : vector<16xi32>
      %shift_left3A = arith.constant 16 : i32
      %shift_left3A_397 = vector.broadcast %shift_left3A : i32 to vector<16xi32>
      %shift_left3A_398 = arith.shli %shift_right_arithmetic3A_396, %shift_left3A_397 : vector<16xi32>
      %shift_left3A_399 = arith.constant 2 : i32
      %shift_left3A_400 = vector.broadcast %shift_left3A_399 : i32 to vector<16xi32>
      %shift_left3A_401 = arith.shli %and3A_393, %shift_left3A_400 : vector<16xi32>
      %add3A_402 = arith.addi %shift_left3A_398, %shift_left3A_401 : vector<16xi32>
      %and3A_403 = arith.constant 3 : i32
      %and3A_404 = vector.broadcast %and3A_403 : i32 to vector<16xi32>
      %and3A_405 = arith.andi %shift_right_arithmetic3A_391, %and3A_404 : vector<16xi32>
      %add3A_406 = arith.addi %add3A_402, %and3A_405 : vector<16xi32>
      %mul3A_407 = arith.constant 16 : i32
      %mul3A_408 = arith.muli %scan3A_384, %mul3A_407 : i32
      %swap3A = arith.index_cast %mul3A_408 : i32 to index
      %swap3A_409 = tpu.vector_load %arg9[%swap3A] {strides = array<i32>} : memref<832xi32, #tpu.memory_space<vmem>>, vector<16xi32>,
      %swap3A_410 = vector.shape_cast %swap3A_409 : vector<16xi32> to vector<16xi32>
      %swap3A_411 = vector.shape_cast %add3A_406 : vector<16xi32> to vector<16xi32>
      tpu.vector_store %arg9[%swap3A], %swap3A_411 {strides = array<i32>} : memref<832xi32, #tpu.memory_space<vmem>>, vector<16xi32>,
    }
    %scan3A_121 = arith.constant 52 : i32
    %dma_wait3A_122 = arith.constant 3328 : i32
    %dma_wait3A_123 = tpu.memref_slice %arg5[%dma_wait3A_122] : memref<13312xi32, #tpu.memory_space<vmem>> -> memref<832xi32, #tpu.memory_space<vmem>>
    %dma_wait3A_124 = arith.constant 0 : i32
    %dma_wait3A_125 = arith.constant 0 : i32
    %dma_wait3A_126 = tpu.memref_slice %arg3[%dma_wait3A_124, %dma_wait3A_125] : memref<1048576x32xf32, #tpu.memory_space<hbm>> -> memref<1048576x32xf32, #tpu.memory_space<hbm>>
    tpu.wait_indirect_dma semaphore(%arg10 : memref<!tpu.dma_semaphore, #tpu.memory_space<semaphore_mem>>) src(%dma_wait3A_126 : memref<1048576x32xf32, #tpu.memory_space<hbm>>) dst(%arg6 : memref<832x32xf32, #tpu.memory_space<vmem>>)
    %dma_start3A_127 = arith.constant 0 : i32
    %dma_start3A_128 = arith.constant 0 : i32
    %dma_start3A_129 = tpu.memref_slice %arg4[%dma_start3A_127, %dma_start3A_128] : memref<458752x32xf32, #tpu.memory_space<hbm>> -> memref<458752x32xf32, #tpu.memory_space<hbm>>
    tpu.enqueue_indirect_dma source(%arg6 : memref<832x32xf32, #tpu.memory_space<vmem>>) target(%dma_start3A_129 : memref<458752x32xf32, #tpu.memory_space<hbm>>) offsets(%arg8 : memref<832xi32, #tpu.memory_space<vmem>>) semaphore(%arg12 : memref<!tpu.dma_semaphore, #tpu.memory_space<semaphore_mem>>)
    %dma_wait3A_130 = arith.constant 0 : i32
    %dma_wait3A_131 = arith.constant 0 : i32
    %dma_wait3A_132 = tpu.memref_slice %arg4[%dma_wait3A_130, %dma_wait3A_131] : memref<458752x32xf32, #tpu.memory_space<hbm>> -> memref<458752x32xf32, #tpu.memory_space<hbm>>
    tpu.wait_indirect_dma semaphore(%arg12 : memref<!tpu.dma_semaphore, #tpu.memory_space<semaphore_mem>>) src(%arg6 : memref<832x32xf32, #tpu.memory_space<vmem>>) dst(%dma_wait3A_132 : memref<458752x32xf32, #tpu.memory_space<hbm>>)
    %dma_start3A_133 = arith.constant 4992 : i32
    %dma_start3A_134 = tpu.memref_slice %arg5[%dma_start3A_133] : memref<13312xi32, #tpu.memory_space<vmem>> -> memref<832xi32, #tpu.memory_space<vmem>>
    %dma_start3A_135 = arith.constant 0 : i32
    %dma_start3A_136 = arith.constant 0 : i32
    %dma_start3A_137 = tpu.memref_slice %arg3[%dma_start3A_135, %dma_start3A_136] : memref<1048576x32xf32, #tpu.memory_space<hbm>> -> memref<1048576x32xf32, #tpu.memory_space<hbm>>
    tpu.enqueue_indirect_dma source(%dma_start3A_137 : memref<1048576x32xf32, #tpu.memory_space<hbm>>) target(%arg6 : memref<832x32xf32, #tpu.memory_space<vmem>>) offsets(%dma_start3A_134 : memref<832xi32, #tpu.memory_space<vmem>>) semaphore(%arg10 : memref<!tpu.dma_semaphore, #tpu.memory_space<semaphore_mem>>)
    %add3A_138 = arith.constant 4992 : i32
    %add3A_139 = arith.addi %mul3A_2, %add3A_138 : i32
    %scan3A_140 = arith.constant 0 : i32
    %scan3A_141 = arith.constant 0 : i32
    %scan3A_142 = arith.constant 52 : i32
    %scan3A_143 = arith.addi %scan3A_141, %scan3A_142 : i32
    %scan3A_144 = arith.constant 1 : i32
    scf.for %scan3A_384 = %scan3A_141 to %scan3A_143 step %scan3A_144  : i32 {
      %iota3A = tpu.iota {dimensions = array<i32: 0>} : vector<16xi32>
      %mul3A_385 = arith.constant 16 : i32
      %mul3A_386 = arith.muli %scan3A_384, %mul3A_385 : i32
      %add3A_387 = arith.addi %add3A_139, %mul3A_386 : i32
      %add3A_388 = vector.broadcast %add3A_387 : i32 to vector<16xi32>
      %add3A_389 = arith.addi %iota3A, %add3A_388 : vector<16xi32>
      %shift_right_arithmetic3A = arith.constant 14 : i32
      %shift_right_arithmetic3A_390 = vector.broadcast %shift_right_arithmetic3A : i32 to vector<16xi32>
      %shift_right_arithmetic3A_391 = arith.shrsi %add3A_389, %shift_right_arithmetic3A_390 : vector<16xi32>
      %and3A = arith.constant 16383 : i32
      %and3A_392 = vector.broadcast %and3A : i32 to vector<16xi32>
      %and3A_393 = arith.andi %add3A_389, %and3A_392 : vector<16xi32>
      %shift_right_arithmetic3A_394 = arith.constant 2 : i32
      %shift_right_arithmetic3A_395 = vector.broadcast %shift_right_arithmetic3A_394 : i32 to vector<16xi32>
      %shift_right_arithmetic3A_396 = arith.shrsi %shift_right_arithmetic3A_391, %shift_right_arithmetic3A_395 : vector<16xi32>
      %shift_left3A = arith.constant 16 : i32
      %shift_left3A_397 = vector.broadcast %shift_left3A : i32 to vector<16xi32>
      %shift_left3A_398 = arith.shli %shift_right_arithmetic3A_396, %shift_left3A_397 : vector<16xi32>
      %shift_left3A_399 = arith.constant 2 : i32
      %shift_left3A_400 = vector.broadcast %shift_left3A_399 : i32 to vector<16xi32>
      %shift_left3A_401 = arith.shli %and3A_393, %shift_left3A_400 : vector<16xi32>
      %add3A_402 = arith.addi %shift_left3A_398, %shift_left3A_401 : vector<16xi32>
      %and3A_403 = arith.constant 3 : i32
      %and3A_404 = vector.broadcast %and3A_403 : i32 to vector<16xi32>
      %and3A_405 = arith.andi %shift_right_arithmetic3A_391, %and3A_404 : vector<16xi32>
      %add3A_406 = arith.addi %add3A_402, %and3A_405 : vector<16xi32>
      %mul3A_407 = arith.constant 16 : i32
      %mul3A_408 = arith.muli %scan3A_384, %mul3A_407 : i32
      %swap3A = arith.index_cast %mul3A_408 : i32 to index
      %swap3A_409 = tpu.vector_load %arg8[%swap3A] {strides = array<i32>} : memref<832xi32, #tpu.memory_space<vmem>>, vector<16xi32>,
      %swap3A_410 = vector.shape_cast %swap3A_409 : vector<16xi32> to vector<16xi32>
      %swap3A_411 = vector.shape_cast %add3A_406 : vector<16xi32> to vector<16xi32>
      tpu.vector_store %arg8[%swap3A], %swap3A_411 {strides = array<i32>} : memref<832xi32, #tpu.memory_space<vmem>>, vector<16xi32>,
    }
    %scan3A_145 = arith.constant 52 : i32
    %dma_wait3A_146 = arith.constant 4160 : i32
    %dma_wait3A_147 = tpu.memref_slice %arg5[%dma_wait3A_146] : memref<13312xi32, #tpu.memory_space<vmem>> -> memref<832xi32, #tpu.memory_space<vmem>>
    %dma_wait3A_148 = arith.constant 0 : i32
    %dma_wait3A_149 = arith.constant 0 : i32
    %dma_wait3A_150 = tpu.memref_slice %arg3[%dma_wait3A_148, %dma_wait3A_149] : memref<1048576x32xf32, #tpu.memory_space<hbm>> -> memref<1048576x32xf32, #tpu.memory_space<hbm>>
    tpu.wait_indirect_dma semaphore(%arg11 : memref<!tpu.dma_semaphore, #tpu.memory_space<semaphore_mem>>) src(%dma_wait3A_150 : memref<1048576x32xf32, #tpu.memory_space<hbm>>) dst(%arg7 : memref<832x32xf32, #tpu.memory_space<vmem>>)
    %dma_start3A_151 = arith.constant 0 : i32
    %dma_start3A_152 = arith.constant 0 : i32
    %dma_start3A_153 = tpu.memref_slice %arg4[%dma_start3A_151, %dma_start3A_152] : memref<458752x32xf32, #tpu.memory_space<hbm>> -> memref<458752x32xf32, #tpu.memory_space<hbm>>
    tpu.enqueue_indirect_dma source(%arg7 : memref<832x32xf32, #tpu.memory_space<vmem>>) target(%dma_start3A_153 : memref<458752x32xf32, #tpu.memory_space<hbm>>) offsets(%arg9 : memref<832xi32, #tpu.memory_space<vmem>>) semaphore(%arg13 : memref<!tpu.dma_semaphore, #tpu.memory_space<semaphore_mem>>)
    %dma_wait3A_154 = arith.constant 0 : i32
    %dma_wait3A_155 = arith.constant 0 : i32
    %dma_wait3A_156 = tpu.memref_slice %arg4[%dma_wait3A_154, %dma_wait3A_155] : memref<458752x32xf32, #tpu.memory_space<hbm>> -> memref<458752x32xf32, #tpu.memory_space<hbm>>
    tpu.wait_indirect_dma semaphore(%arg13 : memref<!tpu.dma_semaphore, #tpu.memory_space<semaphore_mem>>) src(%arg7 : memref<832x32xf32, #tpu.memory_space<vmem>>) dst(%dma_wait3A_156 : memref<458752x32xf32, #tpu.memory_space<hbm>>)
    %dma_start3A_157 = arith.constant 5824 : i32
    %dma_start3A_158 = tpu.memref_slice %arg5[%dma_start3A_157] : memref<13312xi32, #tpu.memory_space<vmem>> -> memref<832xi32, #tpu.memory_space<vmem>>
    %dma_start3A_159 = arith.constant 0 : i32
    %dma_start3A_160 = arith.constant 0 : i32
    %dma_start3A_161 = tpu.memref_slice %arg3[%dma_start3A_159, %dma_start3A_160] : memref<1048576x32xf32, #tpu.memory_space<hbm>> -> memref<1048576x32xf32, #tpu.memory_space<hbm>>
    tpu.enqueue_indirect_dma source(%dma_start3A_161 : memref<1048576x32xf32, #tpu.memory_space<hbm>>) target(%arg7 : memref<832x32xf32, #tpu.memory_space<vmem>>) offsets(%dma_start3A_158 : memref<832xi32, #tpu.memory_space<vmem>>) semaphore(%arg11 : memref<!tpu.dma_semaphore, #tpu.memory_space<semaphore_mem>>)
    %add3A_162 = arith.constant 5824 : i32
    %add3A_163 = arith.addi %mul3A_2, %add3A_162 : i32
    %scan3A_164 = arith.constant 0 : i32
    %scan3A_165 = arith.constant 0 : i32
    %scan3A_166 = arith.constant 52 : i32
    %scan3A_167 = arith.addi %scan3A_165, %scan3A_166 : i32
    %scan3A_168 = arith.constant 1 : i32
    scf.for %scan3A_384 = %scan3A_165 to %scan3A_167 step %scan3A_168  : i32 {
      %iota3A = tpu.iota {dimensions = array<i32: 0>} : vector<16xi32>
      %mul3A_385 = arith.constant 16 : i32
      %mul3A_386 = arith.muli %scan3A_384, %mul3A_385 : i32
      %add3A_387 = arith.addi %add3A_163, %mul3A_386 : i32
      %add3A_388 = vector.broadcast %add3A_387 : i32 to vector<16xi32>
      %add3A_389 = arith.addi %iota3A, %add3A_388 : vector<16xi32>
      %shift_right_arithmetic3A = arith.constant 14 : i32
      %shift_right_arithmetic3A_390 = vector.broadcast %shift_right_arithmetic3A : i32 to vector<16xi32>
      %shift_right_arithmetic3A_391 = arith.shrsi %add3A_389, %shift_right_arithmetic3A_390 : vector<16xi32>
      %and3A = arith.constant 16383 : i32
      %and3A_392 = vector.broadcast %and3A : i32 to vector<16xi32>
      %and3A_393 = arith.andi %add3A_389, %and3A_392 : vector<16xi32>
      %shift_right_arithmetic3A_394 = arith.constant 2 : i32
      %shift_right_arithmetic3A_395 = vector.broadcast %shift_right_arithmetic3A_394 : i32 to vector<16xi32>
      %shift_right_arithmetic3A_396 = arith.shrsi %shift_right_arithmetic3A_391, %shift_right_arithmetic3A_395 : vector<16xi32>
      %shift_left3A = arith.constant 16 : i32
      %shift_left3A_397 = vector.broadcast %shift_left3A : i32 to vector<16xi32>
      %shift_left3A_398 = arith.shli %shift_right_arithmetic3A_396, %shift_left3A_397 : vector<16xi32>
      %shift_left3A_399 = arith.constant 2 : i32
      %shift_left3A_400 = vector.broadcast %shift_left3A_399 : i32 to vector<16xi32>
      %shift_left3A_401 = arith.shli %and3A_393, %shift_left3A_400 : vector<16xi32>
      %add3A_402 = arith.addi %shift_left3A_398, %shift_left3A_401 : vector<16xi32>
      %and3A_403 = arith.constant 3 : i32
      %and3A_404 = vector.broadcast %and3A_403 : i32 to vector<16xi32>
      %and3A_405 = arith.andi %shift_right_arithmetic3A_391, %and3A_404 : vector<16xi32>
      %add3A_406 = arith.addi %add3A_402, %and3A_405 : vector<16xi32>
      %mul3A_407 = arith.constant 16 : i32
      %mul3A_408 = arith.muli %scan3A_384, %mul3A_407 : i32
      %swap3A = arith.index_cast %mul3A_408 : i32 to index
      %swap3A_409 = tpu.vector_load %arg9[%swap3A] {strides = array<i32>} : memref<832xi32, #tpu.memory_space<vmem>>, vector<16xi32>,
      %swap3A_410 = vector.shape_cast %swap3A_409 : vector<16xi32> to vector<16xi32>
      %swap3A_411 = vector.shape_cast %add3A_406 : vector<16xi32> to vector<16xi32>
      tpu.vector_store %arg9[%swap3A], %swap3A_411 {strides = array<i32>} : memref<832xi32, #tpu.memory_space<vmem>>, vector<16xi32>,
    }
    %scan3A_169 = arith.constant 52 : i32
    %dma_wait3A_170 = arith.constant 4992 : i32
    %dma_wait3A_171 = tpu.memref_slice %arg5[%dma_wait3A_170] : memref<13312xi32, #tpu.memory_space<vmem>> -> memref<832xi32, #tpu.memory_space<vmem>>
    %dma_wait3A_172 = arith.constant 0 : i32
    %dma_wait3A_173 = arith.constant 0 : i32
    %dma_wait3A_174 = tpu.memref_slice %arg3[%dma_wait3A_172, %dma_wait3A_173] : memref<1048576x32xf32, #tpu.memory_space<hbm>> -> memref<1048576x32xf32, #tpu.memory_space<hbm>>
    tpu.wait_indirect_dma semaphore(%arg10 : memref<!tpu.dma_semaphore, #tpu.memory_space<semaphore_mem>>) src(%dma_wait3A_174 : memref<1048576x32xf32, #tpu.memory_space<hbm>>) dst(%arg6 : memref<832x32xf32, #tpu.memory_space<vmem>>)
    %dma_start3A_175 = arith.constant 0 : i32
    %dma_start3A_176 = arith.constant 0 : i32
    %dma_start3A_177 = tpu.memref_slice %arg4[%dma_start3A_175, %dma_start3A_176] : memref<458752x32xf32, #tpu.memory_space<hbm>> -> memref<458752x32xf32, #tpu.memory_space<hbm>>
    tpu.enqueue_indirect_dma source(%arg6 : memref<832x32xf32, #tpu.memory_space<vmem>>) target(%dma_start3A_177 : memref<458752x32xf32, #tpu.memory_space<hbm>>) offsets(%arg8 : memref<832xi32, #tpu.memory_space<vmem>>) semaphore(%arg12 : memref<!tpu.dma_semaphore, #tpu.memory_space<semaphore_mem>>)
    %dma_wait3A_178 = arith.constant 0 : i32
    %dma_wait3A_179 = arith.constant 0 : i32
    %dma_wait3A_180 = tpu.memref_slice %arg4[%dma_wait3A_178, %dma_wait3A_179] : memref<458752x32xf32, #tpu.memory_space<hbm>> -> memref<458752x32xf32, #tpu.memory_space<hbm>>
    tpu.wait_indirect_dma semaphore(%arg12 : memref<!tpu.dma_semaphore, #tpu.memory_space<semaphore_mem>>) src(%arg6 : memref<832x32xf32, #tpu.memory_space<vmem>>) dst(%dma_wait3A_180 : memref<458752x32xf32, #tpu.memory_space<hbm>>)
    %dma_start3A_181 = arith.constant 6656 : i32
    %dma_start3A_182 = tpu.memref_slice %arg5[%dma_start3A_181] : memref<13312xi32, #tpu.memory_space<vmem>> -> memref<832xi32, #tpu.memory_space<vmem>>
    %dma_start3A_183 = arith.constant 0 : i32
    %dma_start3A_184 = arith.constant 0 : i32
    %dma_start3A_185 = tpu.memref_slice %arg3[%dma_start3A_183, %dma_start3A_184] : memref<1048576x32xf32, #tpu.memory_space<hbm>> -> memref<1048576x32xf32, #tpu.memory_space<hbm>>
    tpu.enqueue_indirect_dma source(%dma_start3A_185 : memref<1048576x32xf32, #tpu.memory_space<hbm>>) target(%arg6 : memref<832x32xf32, #tpu.memory_space<vmem>>) offsets(%dma_start3A_182 : memref<832xi32, #tpu.memory_space<vmem>>) semaphore(%arg10 : memref<!tpu.dma_semaphore, #tpu.memory_space<semaphore_mem>>)
    %add3A_186 = arith.constant 6656 : i32
    %add3A_187 = arith.addi %mul3A_2, %add3A_186 : i32
    %scan3A_188 = arith.constant 0 : i32
    %scan3A_189 = arith.constant 0 : i32
    %scan3A_190 = arith.constant 52 : i32
    %scan3A_191 = arith.addi %scan3A_189, %scan3A_190 : i32
    %scan3A_192 = arith.constant 1 : i32
    scf.for %scan3A_384 = %scan3A_189 to %scan3A_191 step %scan3A_192  : i32 {
      %iota3A = tpu.iota {dimensions = array<i32: 0>} : vector<16xi32>
      %mul3A_385 = arith.constant 16 : i32
      %mul3A_386 = arith.muli %scan3A_384, %mul3A_385 : i32
      %add3A_387 = arith.addi %add3A_187, %mul3A_386 : i32
      %add3A_388 = vector.broadcast %add3A_387 : i32 to vector<16xi32>
      %add3A_389 = arith.addi %iota3A, %add3A_388 : vector<16xi32>
      %shift_right_arithmetic3A = arith.constant 14 : i32
      %shift_right_arithmetic3A_390 = vector.broadcast %shift_right_arithmetic3A : i32 to vector<16xi32>
      %shift_right_arithmetic3A_391 = arith.shrsi %add3A_389, %shift_right_arithmetic3A_390 : vector<16xi32>
      %and3A = arith.constant 16383 : i32
      %and3A_392 = vector.broadcast %and3A : i32 to vector<16xi32>
      %and3A_393 = arith.andi %add3A_389, %and3A_392 : vector<16xi32>
      %shift_right_arithmetic3A_394 = arith.constant 2 : i32
      %shift_right_arithmetic3A_395 = vector.broadcast %shift_right_arithmetic3A_394 : i32 to vector<16xi32>
      %shift_right_arithmetic3A_396 = arith.shrsi %shift_right_arithmetic3A_391, %shift_right_arithmetic3A_395 : vector<16xi32>
      %shift_left3A = arith.constant 16 : i32
      %shift_left3A_397 = vector.broadcast %shift_left3A : i32 to vector<16xi32>
      %shift_left3A_398 = arith.shli %shift_right_arithmetic3A_396, %shift_left3A_397 : vector<16xi32>
      %shift_left3A_399 = arith.constant 2 : i32
      %shift_left3A_400 = vector.broadcast %shift_left3A_399 : i32 to vector<16xi32>
      %shift_left3A_401 = arith.shli %and3A_393, %shift_left3A_400 : vector<16xi32>
      %add3A_402 = arith.addi %shift_left3A_398, %shift_left3A_401 : vector<16xi32>
      %and3A_403 = arith.constant 3 : i32
      %and3A_404 = vector.broadcast %and3A_403 : i32 to vector<16xi32>
      %and3A_405 = arith.andi %shift_right_arithmetic3A_391, %and3A_404 : vector<16xi32>
      %add3A_406 = arith.addi %add3A_402, %and3A_405 : vector<16xi32>
      %mul3A_407 = arith.constant 16 : i32
      %mul3A_408 = arith.muli %scan3A_384, %mul3A_407 : i32
      %swap3A = arith.index_cast %mul3A_408 : i32 to index
      %swap3A_409 = tpu.vector_load %arg8[%swap3A] {strides = array<i32>} : memref<832xi32, #tpu.memory_space<vmem>>, vector<16xi32>,
      %swap3A_410 = vector.shape_cast %swap3A_409 : vector<16xi32> to vector<16xi32>
      %swap3A_411 = vector.shape_cast %add3A_406 : vector<16xi32> to vector<16xi32>
      tpu.vector_store %arg8[%swap3A], %swap3A_411 {strides = array<i32>} : memref<832xi32, #tpu.memory_space<vmem>>, vector<16xi32>,
    }
    %scan3A_193 = arith.constant 52 : i32
    %dma_wait3A_194 = arith.constant 5824 : i32
    %dma_wait3A_195 = tpu.memref_slice %arg5[%dma_wait3A_194] : memref<13312xi32, #tpu.memory_space<vmem>> -> memref<832xi32, #tpu.memory_space<vmem>>
    %dma_wait3A_196 = arith.constant 0 : i32
    %dma_wait3A_197 = arith.constant 0 : i32
    %dma_wait3A_198 = tpu.memref_slice %arg3[%dma_wait3A_196, %dma_wait3A_197] : memref<1048576x32xf32, #tpu.memory_space<hbm>> -> memref<1048576x32xf32, #tpu.memory_space<hbm>>
    tpu.wait_indirect_dma semaphore(%arg11 : memref<!tpu.dma_semaphore, #tpu.memory_space<semaphore_mem>>) src(%dma_wait3A_198 : memref<1048576x32xf32, #tpu.memory_space<hbm>>) dst(%arg7 : memref<832x32xf32, #tpu.memory_space<vmem>>)
    %dma_start3A_199 = arith.constant 0 : i32
    %dma_start3A_200 = arith.constant 0 : i32
    %dma_start3A_201 = tpu.memref_slice %arg4[%dma_start3A_199, %dma_start3A_200] : memref<458752x32xf32, #tpu.memory_space<hbm>> -> memref<458752x32xf32, #tpu.memory_space<hbm>>
    tpu.enqueue_indirect_dma source(%arg7 : memref<832x32xf32, #tpu.memory_space<vmem>>) target(%dma_start3A_201 : memref<458752x32xf32, #tpu.memory_space<hbm>>) offsets(%arg9 : memref<832xi32, #tpu.memory_space<vmem>>) semaphore(%arg13 : memref<!tpu.dma_semaphore, #tpu.memory_space<semaphore_mem>>)
    %dma_wait3A_202 = arith.constant 0 : i32
    %dma_wait3A_203 = arith.constant 0 : i32
    %dma_wait3A_204 = tpu.memref_slice %arg4[%dma_wait3A_202, %dma_wait3A_203] : memref<458752x32xf32, #tpu.memory_space<hbm>> -> memref<458752x32xf32, #tpu.memory_space<hbm>>
    tpu.wait_indirect_dma semaphore(%arg13 : memref<!tpu.dma_semaphore, #tpu.memory_space<semaphore_mem>>) src(%arg7 : memref<832x32xf32, #tpu.memory_space<vmem>>) dst(%dma_wait3A_204 : memref<458752x32xf32, #tpu.memory_space<hbm>>)
    %dma_start3A_205 = arith.constant 7488 : i32
    %dma_start3A_206 = tpu.memref_slice %arg5[%dma_start3A_205] : memref<13312xi32, #tpu.memory_space<vmem>> -> memref<832xi32, #tpu.memory_space<vmem>>
    %dma_start3A_207 = arith.constant 0 : i32
    %dma_start3A_208 = arith.constant 0 : i32
    %dma_start3A_209 = tpu.memref_slice %arg3[%dma_start3A_207, %dma_start3A_208] : memref<1048576x32xf32, #tpu.memory_space<hbm>> -> memref<1048576x32xf32, #tpu.memory_space<hbm>>
    tpu.enqueue_indirect_dma source(%dma_start3A_209 : memref<1048576x32xf32, #tpu.memory_space<hbm>>) target(%arg7 : memref<832x32xf32, #tpu.memory_space<vmem>>) offsets(%dma_start3A_206 : memref<832xi32, #tpu.memory_space<vmem>>) semaphore(%arg11 : memref<!tpu.dma_semaphore, #tpu.memory_space<semaphore_mem>>)
    %add3A_210 = arith.constant 7488 : i32
    %add3A_211 = arith.addi %mul3A_2, %add3A_210 : i32
    %scan3A_212 = arith.constant 0 : i32
    %scan3A_213 = arith.constant 0 : i32
    %scan3A_214 = arith.constant 52 : i32
    %scan3A_215 = arith.addi %scan3A_213, %scan3A_214 : i32
    %scan3A_216 = arith.constant 1 : i32
    scf.for %scan3A_384 = %scan3A_213 to %scan3A_215 step %scan3A_216  : i32 {
      %iota3A = tpu.iota {dimensions = array<i32: 0>} : vector<16xi32>
      %mul3A_385 = arith.constant 16 : i32
      %mul3A_386 = arith.muli %scan3A_384, %mul3A_385 : i32
      %add3A_387 = arith.addi %add3A_211, %mul3A_386 : i32
      %add3A_388 = vector.broadcast %add3A_387 : i32 to vector<16xi32>
      %add3A_389 = arith.addi %iota3A, %add3A_388 : vector<16xi32>
      %shift_right_arithmetic3A = arith.constant 14 : i32
      %shift_right_arithmetic3A_390 = vector.broadcast %shift_right_arithmetic3A : i32 to vector<16xi32>
      %shift_right_arithmetic3A_391 = arith.shrsi %add3A_389, %shift_right_arithmetic3A_390 : vector<16xi32>
      %and3A = arith.constant 16383 : i32
      %and3A_392 = vector.broadcast %and3A : i32 to vector<16xi32>
      %and3A_393 = arith.andi %add3A_389, %and3A_392 : vector<16xi32>
      %shift_right_arithmetic3A_394 = arith.constant 2 : i32
      %shift_right_arithmetic3A_395 = vector.broadcast %shift_right_arithmetic3A_394 : i32 to vector<16xi32>
      %shift_right_arithmetic3A_396 = arith.shrsi %shift_right_arithmetic3A_391, %shift_right_arithmetic3A_395 : vector<16xi32>
      %shift_left3A = arith.constant 16 : i32
      %shift_left3A_397 = vector.broadcast %shift_left3A : i32 to vector<16xi32>
      %shift_left3A_398 = arith.shli %shift_right_arithmetic3A_396, %shift_left3A_397 : vector<16xi32>
      %shift_left3A_399 = arith.constant 2 : i32
      %shift_left3A_400 = vector.broadcast %shift_left3A_399 : i32 to vector<16xi32>
      %shift_left3A_401 = arith.shli %and3A_393, %shift_left3A_400 : vector<16xi32>
      %add3A_402 = arith.addi %shift_left3A_398, %shift_left3A_401 : vector<16xi32>
      %and3A_403 = arith.constant 3 : i32
      %and3A_404 = vector.broadcast %and3A_403 : i32 to vector<16xi32>
      %and3A_405 = arith.andi %shift_right_arithmetic3A_391, %and3A_404 : vector<16xi32>
      %add3A_406 = arith.addi %add3A_402, %and3A_405 : vector<16xi32>
      %mul3A_407 = arith.constant 16 : i32
      %mul3A_408 = arith.muli %scan3A_384, %mul3A_407 : i32
      %swap3A = arith.index_cast %mul3A_408 : i32 to index
      %swap3A_409 = tpu.vector_load %arg9[%swap3A] {strides = array<i32>} : memref<832xi32, #tpu.memory_space<vmem>>, vector<16xi32>,
      %swap3A_410 = vector.shape_cast %swap3A_409 : vector<16xi32> to vector<16xi32>
      %swap3A_411 = vector.shape_cast %add3A_406 : vector<16xi32> to vector<16xi32>
      tpu.vector_store %arg9[%swap3A], %swap3A_411 {strides = array<i32>} : memref<832xi32, #tpu.memory_space<vmem>>, vector<16xi32>,
    }
    %scan3A_217 = arith.constant 52 : i32
    %dma_wait3A_218 = arith.constant 6656 : i32
    %dma_wait3A_219 = tpu.memref_slice %arg5[%dma_wait3A_218] : memref<13312xi32, #tpu.memory_space<vmem>> -> memref<832xi32, #tpu.memory_space<vmem>>
    %dma_wait3A_220 = arith.constant 0 : i32
    %dma_wait3A_221 = arith.constant 0 : i32
    %dma_wait3A_222 = tpu.memref_slice %arg3[%dma_wait3A_220, %dma_wait3A_221] : memref<1048576x32xf32, #tpu.memory_space<hbm>> -> memref<1048576x32xf32, #tpu.memory_space<hbm>>
    tpu.wait_indirect_dma semaphore(%arg10 : memref<!tpu.dma_semaphore, #tpu.memory_space<semaphore_mem>>) src(%dma_wait3A_222 : memref<1048576x32xf32, #tpu.memory_space<hbm>>) dst(%arg6 : memref<832x32xf32, #tpu.memory_space<vmem>>)
    %dma_start3A_223 = arith.constant 0 : i32
    %dma_start3A_224 = arith.constant 0 : i32
    %dma_start3A_225 = tpu.memref_slice %arg4[%dma_start3A_223, %dma_start3A_224] : memref<458752x32xf32, #tpu.memory_space<hbm>> -> memref<458752x32xf32, #tpu.memory_space<hbm>>
    tpu.enqueue_indirect_dma source(%arg6 : memref<832x32xf32, #tpu.memory_space<vmem>>) target(%dma_start3A_225 : memref<458752x32xf32, #tpu.memory_space<hbm>>) offsets(%arg8 : memref<832xi32, #tpu.memory_space<vmem>>) semaphore(%arg12 : memref<!tpu.dma_semaphore, #tpu.memory_space<semaphore_mem>>)
    %dma_wait3A_226 = arith.constant 0 : i32
    %dma_wait3A_227 = arith.constant 0 : i32
    %dma_wait3A_228 = tpu.memref_slice %arg4[%dma_wait3A_226, %dma_wait3A_227] : memref<458752x32xf32, #tpu.memory_space<hbm>> -> memref<458752x32xf32, #tpu.memory_space<hbm>>
    tpu.wait_indirect_dma semaphore(%arg12 : memref<!tpu.dma_semaphore, #tpu.memory_space<semaphore_mem>>) src(%arg6 : memref<832x32xf32, #tpu.memory_space<vmem>>) dst(%dma_wait3A_228 : memref<458752x32xf32, #tpu.memory_space<hbm>>)
    %dma_start3A_229 = arith.constant 8320 : i32
    %dma_start3A_230 = tpu.memref_slice %arg5[%dma_start3A_229] : memref<13312xi32, #tpu.memory_space<vmem>> -> memref<832xi32, #tpu.memory_space<vmem>>
    %dma_start3A_231 = arith.constant 0 : i32
    %dma_start3A_232 = arith.constant 0 : i32
    %dma_start3A_233 = tpu.memref_slice %arg3[%dma_start3A_231, %dma_start3A_232] : memref<1048576x32xf32, #tpu.memory_space<hbm>> -> memref<1048576x32xf32, #tpu.memory_space<hbm>>
    tpu.enqueue_indirect_dma source(%dma_start3A_233 : memref<1048576x32xf32, #tpu.memory_space<hbm>>) target(%arg6 : memref<832x32xf32, #tpu.memory_space<vmem>>) offsets(%dma_start3A_230 : memref<832xi32, #tpu.memory_space<vmem>>) semaphore(%arg10 : memref<!tpu.dma_semaphore, #tpu.memory_space<semaphore_mem>>)
    %add3A_234 = arith.constant 8320 : i32
    %add3A_235 = arith.addi %mul3A_2, %add3A_234 : i32
    %scan3A_236 = arith.constant 0 : i32
    %scan3A_237 = arith.constant 0 : i32
    %scan3A_238 = arith.constant 52 : i32
    %scan3A_239 = arith.addi %scan3A_237, %scan3A_238 : i32
    %scan3A_240 = arith.constant 1 : i32
    scf.for %scan3A_384 = %scan3A_237 to %scan3A_239 step %scan3A_240  : i32 {
      %iota3A = tpu.iota {dimensions = array<i32: 0>} : vector<16xi32>
      %mul3A_385 = arith.constant 16 : i32
      %mul3A_386 = arith.muli %scan3A_384, %mul3A_385 : i32
      %add3A_387 = arith.addi %add3A_235, %mul3A_386 : i32
      %add3A_388 = vector.broadcast %add3A_387 : i32 to vector<16xi32>
      %add3A_389 = arith.addi %iota3A, %add3A_388 : vector<16xi32>
      %shift_right_arithmetic3A = arith.constant 14 : i32
      %shift_right_arithmetic3A_390 = vector.broadcast %shift_right_arithmetic3A : i32 to vector<16xi32>
      %shift_right_arithmetic3A_391 = arith.shrsi %add3A_389, %shift_right_arithmetic3A_390 : vector<16xi32>
      %and3A = arith.constant 16383 : i32
      %and3A_392 = vector.broadcast %and3A : i32 to vector<16xi32>
      %and3A_393 = arith.andi %add3A_389, %and3A_392 : vector<16xi32>
      %shift_right_arithmetic3A_394 = arith.constant 2 : i32
      %shift_right_arithmetic3A_395 = vector.broadcast %shift_right_arithmetic3A_394 : i32 to vector<16xi32>
      %shift_right_arithmetic3A_396 = arith.shrsi %shift_right_arithmetic3A_391, %shift_right_arithmetic3A_395 : vector<16xi32>
      %shift_left3A = arith.constant 16 : i32
      %shift_left3A_397 = vector.broadcast %shift_left3A : i32 to vector<16xi32>
      %shift_left3A_398 = arith.shli %shift_right_arithmetic3A_396, %shift_left3A_397 : vector<16xi32>
      %shift_left3A_399 = arith.constant 2 : i32
      %shift_left3A_400 = vector.broadcast %shift_left3A_399 : i32 to vector<16xi32>
      %shift_left3A_401 = arith.shli %and3A_393, %shift_left3A_400 : vector<16xi32>
      %add3A_402 = arith.addi %shift_left3A_398, %shift_left3A_401 : vector<16xi32>
      %and3A_403 = arith.constant 3 : i32
      %and3A_404 = vector.broadcast %and3A_403 : i32 to vector<16xi32>
      %and3A_405 = arith.andi %shift_right_arithmetic3A_391, %and3A_404 : vector<16xi32>
      %add3A_406 = arith.addi %add3A_402, %and3A_405 : vector<16xi32>
      %mul3A_407 = arith.constant 16 : i32
      %mul3A_408 = arith.muli %scan3A_384, %mul3A_407 : i32
      %swap3A = arith.index_cast %mul3A_408 : i32 to index
      %swap3A_409 = tpu.vector_load %arg8[%swap3A] {strides = array<i32>} : memref<832xi32, #tpu.memory_space<vmem>>, vector<16xi32>,
      %swap3A_410 = vector.shape_cast %swap3A_409 : vector<16xi32> to vector<16xi32>
      %swap3A_411 = vector.shape_cast %add3A_406 : vector<16xi32> to vector<16xi32>
      tpu.vector_store %arg8[%swap3A], %swap3A_411 {strides = array<i32>} : memref<832xi32, #tpu.memory_space<vmem>>, vector<16xi32>,
    }
    %scan3A_241 = arith.constant 52 : i32
    %dma_wait3A_242 = arith.constant 7488 : i32
    %dma_wait3A_243 = tpu.memref_slice %arg5[%dma_wait3A_242] : memref<13312xi32, #tpu.memory_space<vmem>> -> memref<832xi32, #tpu.memory_space<vmem>>
    %dma_wait3A_244 = arith.constant 0 : i32
    %dma_wait3A_245 = arith.constant 0 : i32
    %dma_wait3A_246 = tpu.memref_slice %arg3[%dma_wait3A_244, %dma_wait3A_245] : memref<1048576x32xf32, #tpu.memory_space<hbm>> -> memref<1048576x32xf32, #tpu.memory_space<hbm>>
    tpu.wait_indirect_dma semaphore(%arg11 : memref<!tpu.dma_semaphore, #tpu.memory_space<semaphore_mem>>) src(%dma_wait3A_246 : memref<1048576x32xf32, #tpu.memory_space<hbm>>) dst(%arg7 : memref<832x32xf32, #tpu.memory_space<vmem>>)
    %dma_start3A_247 = arith.constant 0 : i32
    %dma_start3A_248 = arith.constant 0 : i32
    %dma_start3A_249 = tpu.memref_slice %arg4[%dma_start3A_247, %dma_start3A_248] : memref<458752x32xf32, #tpu.memory_space<hbm>> -> memref<458752x32xf32, #tpu.memory_space<hbm>>
    tpu.enqueue_indirect_dma source(%arg7 : memref<832x32xf32, #tpu.memory_space<vmem>>) target(%dma_start3A_249 : memref<458752x32xf32, #tpu.memory_space<hbm>>) offsets(%arg9 : memref<832xi32, #tpu.memory_space<vmem>>) semaphore(%arg13 : memref<!tpu.dma_semaphore, #tpu.memory_space<semaphore_mem>>)
    %dma_wait3A_250 = arith.constant 0 : i32
    %dma_wait3A_251 = arith.constant 0 : i32
    %dma_wait3A_252 = tpu.memref_slice %arg4[%dma_wait3A_250, %dma_wait3A_251] : memref<458752x32xf32, #tpu.memory_space<hbm>> -> memref<458752x32xf32, #tpu.memory_space<hbm>>
    tpu.wait_indirect_dma semaphore(%arg13 : memref<!tpu.dma_semaphore, #tpu.memory_space<semaphore_mem>>) src(%arg7 : memref<832x32xf32, #tpu.memory_space<vmem>>) dst(%dma_wait3A_252 : memref<458752x32xf32, #tpu.memory_space<hbm>>)
    %dma_start3A_253 = arith.constant 9152 : i32
    %dma_start3A_254 = tpu.memref_slice %arg5[%dma_start3A_253] : memref<13312xi32, #tpu.memory_space<vmem>> -> memref<832xi32, #tpu.memory_space<vmem>>
    %dma_start3A_255 = arith.constant 0 : i32
    %dma_start3A_256 = arith.constant 0 : i32
    %dma_start3A_257 = tpu.memref_slice %arg3[%dma_start3A_255, %dma_start3A_256] : memref<1048576x32xf32, #tpu.memory_space<hbm>> -> memref<1048576x32xf32, #tpu.memory_space<hbm>>
    tpu.enqueue_indirect_dma source(%dma_start3A_257 : memref<1048576x32xf32, #tpu.memory_space<hbm>>) target(%arg7 : memref<832x32xf32, #tpu.memory_space<vmem>>) offsets(%dma_start3A_254 : memref<832xi32, #tpu.memory_space<vmem>>) semaphore(%arg11 : memref<!tpu.dma_semaphore, #tpu.memory_space<semaphore_mem>>)
    %add3A_258 = arith.constant 9152 : i32
    %add3A_259 = arith.addi %mul3A_2, %add3A_258 : i32
    %scan3A_260 = arith.constant 0 : i32
    %scan3A_261 = arith.constant 0 : i32
    %scan3A_262 = arith.constant 52 : i32
    %scan3A_263 = arith.addi %scan3A_261, %scan3A_262 : i32
    %scan3A_264 = arith.constant 1 : i32
    scf.for %scan3A_384 = %scan3A_261 to %scan3A_263 step %scan3A_264  : i32 {
      %iota3A = tpu.iota {dimensions = array<i32: 0>} : vector<16xi32>
      %mul3A_385 = arith.constant 16 : i32
      %mul3A_386 = arith.muli %scan3A_384, %mul3A_385 : i32
      %add3A_387 = arith.addi %add3A_259, %mul3A_386 : i32
      %add3A_388 = vector.broadcast %add3A_387 : i32 to vector<16xi32>
      %add3A_389 = arith.addi %iota3A, %add3A_388 : vector<16xi32>
      %shift_right_arithmetic3A = arith.constant 14 : i32
      %shift_right_arithmetic3A_390 = vector.broadcast %shift_right_arithmetic3A : i32 to vector<16xi32>
      %shift_right_arithmetic3A_391 = arith.shrsi %add3A_389, %shift_right_arithmetic3A_390 : vector<16xi32>
      %and3A = arith.constant 16383 : i32
      %and3A_392 = vector.broadcast %and3A : i32 to vector<16xi32>
      %and3A_393 = arith.andi %add3A_389, %and3A_392 : vector<16xi32>
      %shift_right_arithmetic3A_394 = arith.constant 2 : i32
      %shift_right_arithmetic3A_395 = vector.broadcast %shift_right_arithmetic3A_394 : i32 to vector<16xi32>
      %shift_right_arithmetic3A_396 = arith.shrsi %shift_right_arithmetic3A_391, %shift_right_arithmetic3A_395 : vector<16xi32>
      %shift_left3A = arith.constant 16 : i32
      %shift_left3A_397 = vector.broadcast %shift_left3A : i32 to vector<16xi32>
      %shift_left3A_398 = arith.shli %shift_right_arithmetic3A_396, %shift_left3A_397 : vector<16xi32>
      %shift_left3A_399 = arith.constant 2 : i32
      %shift_left3A_400 = vector.broadcast %shift_left3A_399 : i32 to vector<16xi32>
      %shift_left3A_401 = arith.shli %and3A_393, %shift_left3A_400 : vector<16xi32>
      %add3A_402 = arith.addi %shift_left3A_398, %shift_left3A_401 : vector<16xi32>
      %and3A_403 = arith.constant 3 : i32
      %and3A_404 = vector.broadcast %and3A_403 : i32 to vector<16xi32>
      %and3A_405 = arith.andi %shift_right_arithmetic3A_391, %and3A_404 : vector<16xi32>
      %add3A_406 = arith.addi %add3A_402, %and3A_405 : vector<16xi32>
      %mul3A_407 = arith.constant 16 : i32
      %mul3A_408 = arith.muli %scan3A_384, %mul3A_407 : i32
      %swap3A = arith.index_cast %mul3A_408 : i32 to index
      %swap3A_409 = tpu.vector_load %arg9[%swap3A] {strides = array<i32>} : memref<832xi32, #tpu.memory_space<vmem>>, vector<16xi32>,
      %swap3A_410 = vector.shape_cast %swap3A_409 : vector<16xi32> to vector<16xi32>
      %swap3A_411 = vector.shape_cast %add3A_406 : vector<16xi32> to vector<16xi32>
      tpu.vector_store %arg9[%swap3A], %swap3A_411 {strides = array<i32>} : memref<832xi32, #tpu.memory_space<vmem>>, vector<16xi32>,
    }
    %scan3A_265 = arith.constant 52 : i32
    %dma_wait3A_266 = arith.constant 8320 : i32
    %dma_wait3A_267 = tpu.memref_slice %arg5[%dma_wait3A_266] : memref<13312xi32, #tpu.memory_space<vmem>> -> memref<832xi32, #tpu.memory_space<vmem>>
    %dma_wait3A_268 = arith.constant 0 : i32
    %dma_wait3A_269 = arith.constant 0 : i32
    %dma_wait3A_270 = tpu.memref_slice %arg3[%dma_wait3A_268, %dma_wait3A_269] : memref<1048576x32xf32, #tpu.memory_space<hbm>> -> memref<1048576x32xf32, #tpu.memory_space<hbm>>
    tpu.wait_indirect_dma semaphore(%arg10 : memref<!tpu.dma_semaphore, #tpu.memory_space<semaphore_mem>>) src(%dma_wait3A_270 : memref<1048576x32xf32, #tpu.memory_space<hbm>>) dst(%arg6 : memref<832x32xf32, #tpu.memory_space<vmem>>)
    %dma_start3A_271 = arith.constant 0 : i32
    %dma_start3A_272 = arith.constant 0 : i32
    %dma_start3A_273 = tpu.memref_slice %arg4[%dma_start3A_271, %dma_start3A_272] : memref<458752x32xf32, #tpu.memory_space<hbm>> -> memref<458752x32xf32, #tpu.memory_space<hbm>>
    tpu.enqueue_indirect_dma source(%arg6 : memref<832x32xf32, #tpu.memory_space<vmem>>) target(%dma_start3A_273 : memref<458752x32xf32, #tpu.memory_space<hbm>>) offsets(%arg8 : memref<832xi32, #tpu.memory_space<vmem>>) semaphore(%arg12 : memref<!tpu.dma_semaphore, #tpu.memory_space<semaphore_mem>>)
    %dma_wait3A_274 = arith.constant 0 : i32
    %dma_wait3A_275 = arith.constant 0 : i32
    %dma_wait3A_276 = tpu.memref_slice %arg4[%dma_wait3A_274, %dma_wait3A_275] : memref<458752x32xf32, #tpu.memory_space<hbm>> -> memref<458752x32xf32, #tpu.memory_space<hbm>>
    tpu.wait_indirect_dma semaphore(%arg12 : memref<!tpu.dma_semaphore, #tpu.memory_space<semaphore_mem>>) src(%arg6 : memref<832x32xf32, #tpu.memory_space<vmem>>) dst(%dma_wait3A_276 : memref<458752x32xf32, #tpu.memory_space<hbm>>)
    %dma_start3A_277 = arith.constant 9984 : i32
    %dma_start3A_278 = tpu.memref_slice %arg5[%dma_start3A_277] : memref<13312xi32, #tpu.memory_space<vmem>> -> memref<832xi32, #tpu.memory_space<vmem>>
    %dma_start3A_279 = arith.constant 0 : i32
    %dma_start3A_280 = arith.constant 0 : i32
    %dma_start3A_281 = tpu.memref_slice %arg3[%dma_start3A_279, %dma_start3A_280] : memref<1048576x32xf32, #tpu.memory_space<hbm>> -> memref<1048576x32xf32, #tpu.memory_space<hbm>>
    tpu.enqueue_indirect_dma source(%dma_start3A_281 : memref<1048576x32xf32, #tpu.memory_space<hbm>>) target(%arg6 : memref<832x32xf32, #tpu.memory_space<vmem>>) offsets(%dma_start3A_278 : memref<832xi32, #tpu.memory_space<vmem>>) semaphore(%arg10 : memref<!tpu.dma_semaphore, #tpu.memory_space<semaphore_mem>>)
    %add3A_282 = arith.constant 9984 : i32
    %add3A_283 = arith.addi %mul3A_2, %add3A_282 : i32
    %scan3A_284 = arith.constant 0 : i32
    %scan3A_285 = arith.constant 0 : i32
    %scan3A_286 = arith.constant 52 : i32
    %scan3A_287 = arith.addi %scan3A_285, %scan3A_286 : i32
    %scan3A_288 = arith.constant 1 : i32
    scf.for %scan3A_384 = %scan3A_285 to %scan3A_287 step %scan3A_288  : i32 {
      %iota3A = tpu.iota {dimensions = array<i32: 0>} : vector<16xi32>
      %mul3A_385 = arith.constant 16 : i32
      %mul3A_386 = arith.muli %scan3A_384, %mul3A_385 : i32
      %add3A_387 = arith.addi %add3A_283, %mul3A_386 : i32
      %add3A_388 = vector.broadcast %add3A_387 : i32 to vector<16xi32>
      %add3A_389 = arith.addi %iota3A, %add3A_388 : vector<16xi32>
      %shift_right_arithmetic3A = arith.constant 14 : i32
      %shift_right_arithmetic3A_390 = vector.broadcast %shift_right_arithmetic3A : i32 to vector<16xi32>
      %shift_right_arithmetic3A_391 = arith.shrsi %add3A_389, %shift_right_arithmetic3A_390 : vector<16xi32>
      %and3A = arith.constant 16383 : i32
      %and3A_392 = vector.broadcast %and3A : i32 to vector<16xi32>
      %and3A_393 = arith.andi %add3A_389, %and3A_392 : vector<16xi32>
      %shift_right_arithmetic3A_394 = arith.constant 2 : i32
      %shift_right_arithmetic3A_395 = vector.broadcast %shift_right_arithmetic3A_394 : i32 to vector<16xi32>
      %shift_right_arithmetic3A_396 = arith.shrsi %shift_right_arithmetic3A_391, %shift_right_arithmetic3A_395 : vector<16xi32>
      %shift_left3A = arith.constant 16 : i32
      %shift_left3A_397 = vector.broadcast %shift_left3A : i32 to vector<16xi32>
      %shift_left3A_398 = arith.shli %shift_right_arithmetic3A_396, %shift_left3A_397 : vector<16xi32>
      %shift_left3A_399 = arith.constant 2 : i32
      %shift_left3A_400 = vector.broadcast %shift_left3A_399 : i32 to vector<16xi32>
      %shift_left3A_401 = arith.shli %and3A_393, %shift_left3A_400 : vector<16xi32>
      %add3A_402 = arith.addi %shift_left3A_398, %shift_left3A_401 : vector<16xi32>
      %and3A_403 = arith.constant 3 : i32
      %and3A_404 = vector.broadcast %and3A_403 : i32 to vector<16xi32>
      %and3A_405 = arith.andi %shift_right_arithmetic3A_391, %and3A_404 : vector<16xi32>
      %add3A_406 = arith.addi %add3A_402, %and3A_405 : vector<16xi32>
      %mul3A_407 = arith.constant 16 : i32
      %mul3A_408 = arith.muli %scan3A_384, %mul3A_407 : i32
      %swap3A = arith.index_cast %mul3A_408 : i32 to index
      %swap3A_409 = tpu.vector_load %arg8[%swap3A] {strides = array<i32>} : memref<832xi32, #tpu.memory_space<vmem>>, vector<16xi32>,
      %swap3A_410 = vector.shape_cast %swap3A_409 : vector<16xi32> to vector<16xi32>
      %swap3A_411 = vector.shape_cast %add3A_406 : vector<16xi32> to vector<16xi32>
      tpu.vector_store %arg8[%swap3A], %swap3A_411 {strides = array<i32>} : memref<832xi32, #tpu.memory_space<vmem>>, vector<16xi32>,
    }
    %scan3A_289 = arith.constant 52 : i32
    %dma_wait3A_290 = arith.constant 9152 : i32
    %dma_wait3A_291 = tpu.memref_slice %arg5[%dma_wait3A_290] : memref<13312xi32, #tpu.memory_space<vmem>> -> memref<832xi32, #tpu.memory_space<vmem>>
    %dma_wait3A_292 = arith.constant 0 : i32
    %dma_wait3A_293 = arith.constant 0 : i32
    %dma_wait3A_294 = tpu.memref_slice %arg3[%dma_wait3A_292, %dma_wait3A_293] : memref<1048576x32xf32, #tpu.memory_space<hbm>> -> memref<1048576x32xf32, #tpu.memory_space<hbm>>
    tpu.wait_indirect_dma semaphore(%arg11 : memref<!tpu.dma_semaphore, #tpu.memory_space<semaphore_mem>>) src(%dma_wait3A_294 : memref<1048576x32xf32, #tpu.memory_space<hbm>>) dst(%arg7 : memref<832x32xf32, #tpu.memory_space<vmem>>)
    %dma_start3A_295 = arith.constant 0 : i32
    %dma_start3A_296 = arith.constant 0 : i32
    %dma_start3A_297 = tpu.memref_slice %arg4[%dma_start3A_295, %dma_start3A_296] : memref<458752x32xf32, #tpu.memory_space<hbm>> -> memref<458752x32xf32, #tpu.memory_space<hbm>>
    tpu.enqueue_indirect_dma source(%arg7 : memref<832x32xf32, #tpu.memory_space<vmem>>) target(%dma_start3A_297 : memref<458752x32xf32, #tpu.memory_space<hbm>>) offsets(%arg9 : memref<832xi32, #tpu.memory_space<vmem>>) semaphore(%arg13 : memref<!tpu.dma_semaphore, #tpu.memory_space<semaphore_mem>>)
    %dma_wait3A_298 = arith.constant 0 : i32
    %dma_wait3A_299 = arith.constant 0 : i32
    %dma_wait3A_300 = tpu.memref_slice %arg4[%dma_wait3A_298, %dma_wait3A_299] : memref<458752x32xf32, #tpu.memory_space<hbm>> -> memref<458752x32xf32, #tpu.memory_space<hbm>>
    tpu.wait_indirect_dma semaphore(%arg13 : memref<!tpu.dma_semaphore, #tpu.memory_space<semaphore_mem>>) src(%arg7 : memref<832x32xf32, #tpu.memory_space<vmem>>) dst(%dma_wait3A_300 : memref<458752x32xf32, #tpu.memory_space<hbm>>)
    %dma_start3A_301 = arith.constant 10816 : i32
    %dma_start3A_302 = tpu.memref_slice %arg5[%dma_start3A_301] : memref<13312xi32, #tpu.memory_space<vmem>> -> memref<832xi32, #tpu.memory_space<vmem>>
    %dma_start3A_303 = arith.constant 0 : i32
    %dma_start3A_304 = arith.constant 0 : i32
    %dma_start3A_305 = tpu.memref_slice %arg3[%dma_start3A_303, %dma_start3A_304] : memref<1048576x32xf32, #tpu.memory_space<hbm>> -> memref<1048576x32xf32, #tpu.memory_space<hbm>>
    tpu.enqueue_indirect_dma source(%dma_start3A_305 : memref<1048576x32xf32, #tpu.memory_space<hbm>>) target(%arg7 : memref<832x32xf32, #tpu.memory_space<vmem>>) offsets(%dma_start3A_302 : memref<832xi32, #tpu.memory_space<vmem>>) semaphore(%arg11 : memref<!tpu.dma_semaphore, #tpu.memory_space<semaphore_mem>>)
    %add3A_306 = arith.constant 10816 : i32
    %add3A_307 = arith.addi %mul3A_2, %add3A_306 : i32
    %scan3A_308 = arith.constant 0 : i32
    %scan3A_309 = arith.constant 0 : i32
    %scan3A_310 = arith.constant 52 : i32
    %scan3A_311 = arith.addi %scan3A_309, %scan3A_310 : i32
    %scan3A_312 = arith.constant 1 : i32
    scf.for %scan3A_384 = %scan3A_309 to %scan3A_311 step %scan3A_312  : i32 {
      %iota3A = tpu.iota {dimensions = array<i32: 0>} : vector<16xi32>
      %mul3A_385 = arith.constant 16 : i32
      %mul3A_386 = arith.muli %scan3A_384, %mul3A_385 : i32
      %add3A_387 = arith.addi %add3A_307, %mul3A_386 : i32
      %add3A_388 = vector.broadcast %add3A_387 : i32 to vector<16xi32>
      %add3A_389 = arith.addi %iota3A, %add3A_388 : vector<16xi32>
      %shift_right_arithmetic3A = arith.constant 14 : i32
      %shift_right_arithmetic3A_390 = vector.broadcast %shift_right_arithmetic3A : i32 to vector<16xi32>
      %shift_right_arithmetic3A_391 = arith.shrsi %add3A_389, %shift_right_arithmetic3A_390 : vector<16xi32>
      %and3A = arith.constant 16383 : i32
      %and3A_392 = vector.broadcast %and3A : i32 to vector<16xi32>
      %and3A_393 = arith.andi %add3A_389, %and3A_392 : vector<16xi32>
      %shift_right_arithmetic3A_394 = arith.constant 2 : i32
      %shift_right_arithmetic3A_395 = vector.broadcast %shift_right_arithmetic3A_394 : i32 to vector<16xi32>
      %shift_right_arithmetic3A_396 = arith.shrsi %shift_right_arithmetic3A_391, %shift_right_arithmetic3A_395 : vector<16xi32>
      %shift_left3A = arith.constant 16 : i32
      %shift_left3A_397 = vector.broadcast %shift_left3A : i32 to vector<16xi32>
      %shift_left3A_398 = arith.shli %shift_right_arithmetic3A_396, %shift_left3A_397 : vector<16xi32>
      %shift_left3A_399 = arith.constant 2 : i32
      %shift_left3A_400 = vector.broadcast %shift_left3A_399 : i32 to vector<16xi32>
      %shift_left3A_401 = arith.shli %and3A_393, %shift_left3A_400 : vector<16xi32>
      %add3A_402 = arith.addi %shift_left3A_398, %shift_left3A_401 : vector<16xi32>
      %and3A_403 = arith.constant 3 : i32
      %and3A_404 = vector.broadcast %and3A_403 : i32 to vector<16xi32>
      %and3A_405 = arith.andi %shift_right_arithmetic3A_391, %and3A_404 : vector<16xi32>
      %add3A_406 = arith.addi %add3A_402, %and3A_405 : vector<16xi32>
      %mul3A_407 = arith.constant 16 : i32
      %mul3A_408 = arith.muli %scan3A_384, %mul3A_407 : i32
      %swap3A = arith.index_cast %mul3A_408 : i32 to index
      %swap3A_409 = tpu.vector_load %arg9[%swap3A] {strides = array<i32>} : memref<832xi32, #tpu.memory_space<vmem>>, vector<16xi32>,
      %swap3A_410 = vector.shape_cast %swap3A_409 : vector<16xi32> to vector<16xi32>
      %swap3A_411 = vector.shape_cast %add3A_406 : vector<16xi32> to vector<16xi32>
      tpu.vector_store %arg9[%swap3A], %swap3A_411 {strides = array<i32>} : memref<832xi32, #tpu.memory_space<vmem>>, vector<16xi32>,
    }
    %scan3A_313 = arith.constant 52 : i32
    %dma_wait3A_314 = arith.constant 9984 : i32
    %dma_wait3A_315 = tpu.memref_slice %arg5[%dma_wait3A_314] : memref<13312xi32, #tpu.memory_space<vmem>> -> memref<832xi32, #tpu.memory_space<vmem>>
    %dma_wait3A_316 = arith.constant 0 : i32
    %dma_wait3A_317 = arith.constant 0 : i32
    %dma_wait3A_318 = tpu.memref_slice %arg3[%dma_wait3A_316, %dma_wait3A_317] : memref<1048576x32xf32, #tpu.memory_space<hbm>> -> memref<1048576x32xf32, #tpu.memory_space<hbm>>
    tpu.wait_indirect_dma semaphore(%arg10 : memref<!tpu.dma_semaphore, #tpu.memory_space<semaphore_mem>>) src(%dma_wait3A_318 : memref<1048576x32xf32, #tpu.memory_space<hbm>>) dst(%arg6 : memref<832x32xf32, #tpu.memory_space<vmem>>)
    %dma_start3A_319 = arith.constant 0 : i32
    %dma_start3A_320 = arith.constant 0 : i32
    %dma_start3A_321 = tpu.memref_slice %arg4[%dma_start3A_319, %dma_start3A_320] : memref<458752x32xf32, #tpu.memory_space<hbm>> -> memref<458752x32xf32, #tpu.memory_space<hbm>>
    tpu.enqueue_indirect_dma source(%arg6 : memref<832x32xf32, #tpu.memory_space<vmem>>) target(%dma_start3A_321 : memref<458752x32xf32, #tpu.memory_space<hbm>>) offsets(%arg8 : memref<832xi32, #tpu.memory_space<vmem>>) semaphore(%arg12 : memref<!tpu.dma_semaphore, #tpu.memory_space<semaphore_mem>>)
    %dma_wait3A_322 = arith.constant 0 : i32
    %dma_wait3A_323 = arith.constant 0 : i32
    %dma_wait3A_324 = tpu.memref_slice %arg4[%dma_wait3A_322, %dma_wait3A_323] : memref<458752x32xf32, #tpu.memory_space<hbm>> -> memref<458752x32xf32, #tpu.memory_space<hbm>>
    tpu.wait_indirect_dma semaphore(%arg12 : memref<!tpu.dma_semaphore, #tpu.memory_space<semaphore_mem>>) src(%arg6 : memref<832x32xf32, #tpu.memory_space<vmem>>) dst(%dma_wait3A_324 : memref<458752x32xf32, #tpu.memory_space<hbm>>)
    %dma_start3A_325 = arith.constant 11648 : i32
    %dma_start3A_326 = tpu.memref_slice %arg5[%dma_start3A_325] : memref<13312xi32, #tpu.memory_space<vmem>> -> memref<832xi32, #tpu.memory_space<vmem>>
    %dma_start3A_327 = arith.constant 0 : i32
    %dma_start3A_328 = arith.constant 0 : i32
    %dma_start3A_329 = tpu.memref_slice %arg3[%dma_start3A_327, %dma_start3A_328] : memref<1048576x32xf32, #tpu.memory_space<hbm>> -> memref<1048576x32xf32, #tpu.memory_space<hbm>>
    tpu.enqueue_indirect_dma source(%dma_start3A_329 : memref<1048576x32xf32, #tpu.memory_space<hbm>>) target(%arg6 : memref<832x32xf32, #tpu.memory_space<vmem>>) offsets(%dma_start3A_326 : memref<832xi32, #tpu.memory_space<vmem>>) semaphore(%arg10 : memref<!tpu.dma_semaphore, #tpu.memory_space<semaphore_mem>>)
    %add3A_330 = arith.constant 11648 : i32
    %add3A_331 = arith.addi %mul3A_2, %add3A_330 : i32
    %scan3A_332 = arith.constant 0 : i32
    %scan3A_333 = arith.constant 0 : i32
    %scan3A_334 = arith.constant 52 : i32
    %scan3A_335 = arith.addi %scan3A_333, %scan3A_334 : i32
    %scan3A_336 = arith.constant 1 : i32
    scf.for %scan3A_384 = %scan3A_333 to %scan3A_335 step %scan3A_336  : i32 {
      %iota3A = tpu.iota {dimensions = array<i32: 0>} : vector<16xi32>
      %mul3A_385 = arith.constant 16 : i32
      %mul3A_386 = arith.muli %scan3A_384, %mul3A_385 : i32
      %add3A_387 = arith.addi %add3A_331, %mul3A_386 : i32
      %add3A_388 = vector.broadcast %add3A_387 : i32 to vector<16xi32>
      %add3A_389 = arith.addi %iota3A, %add3A_388 : vector<16xi32>
      %shift_right_arithmetic3A = arith.constant 14 : i32
      %shift_right_arithmetic3A_390 = vector.broadcast %shift_right_arithmetic3A : i32 to vector<16xi32>
      %shift_right_arithmetic3A_391 = arith.shrsi %add3A_389, %shift_right_arithmetic3A_390 : vector<16xi32>
      %and3A = arith.constant 16383 : i32
      %and3A_392 = vector.broadcast %and3A : i32 to vector<16xi32>
      %and3A_393 = arith.andi %add3A_389, %and3A_392 : vector<16xi32>
      %shift_right_arithmetic3A_394 = arith.constant 2 : i32
      %shift_right_arithmetic3A_395 = vector.broadcast %shift_right_arithmetic3A_394 : i32 to vector<16xi32>
      %shift_right_arithmetic3A_396 = arith.shrsi %shift_right_arithmetic3A_391, %shift_right_arithmetic3A_395 : vector<16xi32>
      %shift_left3A = arith.constant 16 : i32
      %shift_left3A_397 = vector.broadcast %shift_left3A : i32 to vector<16xi32>
      %shift_left3A_398 = arith.shli %shift_right_arithmetic3A_396, %shift_left3A_397 : vector<16xi32>
      %shift_left3A_399 = arith.constant 2 : i32
      %shift_left3A_400 = vector.broadcast %shift_left3A_399 : i32 to vector<16xi32>
      %shift_left3A_401 = arith.shli %and3A_393, %shift_left3A_400 : vector<16xi32>
      %add3A_402 = arith.addi %shift_left3A_398, %shift_left3A_401 : vector<16xi32>
      %and3A_403 = arith.constant 3 : i32
      %and3A_404 = vector.broadcast %and3A_403 : i32 to vector<16xi32>
      %and3A_405 = arith.andi %shift_right_arithmetic3A_391, %and3A_404 : vector<16xi32>
      %add3A_406 = arith.addi %add3A_402, %and3A_405 : vector<16xi32>
      %mul3A_407 = arith.constant 16 : i32
      %mul3A_408 = arith.muli %scan3A_384, %mul3A_407 : i32
      %swap3A = arith.index_cast %mul3A_408 : i32 to index
      %swap3A_409 = tpu.vector_load %arg8[%swap3A] {strides = array<i32>} : memref<832xi32, #tpu.memory_space<vmem>>, vector<16xi32>,
      %swap3A_410 = vector.shape_cast %swap3A_409 : vector<16xi32> to vector<16xi32>
      %swap3A_411 = vector.shape_cast %add3A_406 : vector<16xi32> to vector<16xi32>
      tpu.vector_store %arg8[%swap3A], %swap3A_411 {strides = array<i32>} : memref<832xi32, #tpu.memory_space<vmem>>, vector<16xi32>,
    }
    %scan3A_337 = arith.constant 52 : i32
    %dma_wait3A_338 = arith.constant 10816 : i32
    %dma_wait3A_339 = tpu.memref_slice %arg5[%dma_wait3A_338] : memref<13312xi32, #tpu.memory_space<vmem>> -> memref<832xi32, #tpu.memory_space<vmem>>
    %dma_wait3A_340 = arith.constant 0 : i32
    %dma_wait3A_341 = arith.constant 0 : i32
    %dma_wait3A_342 = tpu.memref_slice %arg3[%dma_wait3A_340, %dma_wait3A_341] : memref<1048576x32xf32, #tpu.memory_space<hbm>> -> memref<1048576x32xf32, #tpu.memory_space<hbm>>
    tpu.wait_indirect_dma semaphore(%arg11 : memref<!tpu.dma_semaphore, #tpu.memory_space<semaphore_mem>>) src(%dma_wait3A_342 : memref<1048576x32xf32, #tpu.memory_space<hbm>>) dst(%arg7 : memref<832x32xf32, #tpu.memory_space<vmem>>)
    %dma_start3A_343 = arith.constant 0 : i32
    %dma_start3A_344 = arith.constant 0 : i32
    %dma_start3A_345 = tpu.memref_slice %arg4[%dma_start3A_343, %dma_start3A_344] : memref<458752x32xf32, #tpu.memory_space<hbm>> -> memref<458752x32xf32, #tpu.memory_space<hbm>>
    tpu.enqueue_indirect_dma source(%arg7 : memref<832x32xf32, #tpu.memory_space<vmem>>) target(%dma_start3A_345 : memref<458752x32xf32, #tpu.memory_space<hbm>>) offsets(%arg9 : memref<832xi32, #tpu.memory_space<vmem>>) semaphore(%arg13 : memref<!tpu.dma_semaphore, #tpu.memory_space<semaphore_mem>>)
    %dma_wait3A_346 = arith.constant 0 : i32
    %dma_wait3A_347 = arith.constant 0 : i32
    %dma_wait3A_348 = tpu.memref_slice %arg4[%dma_wait3A_346, %dma_wait3A_347] : memref<458752x32xf32, #tpu.memory_space<hbm>> -> memref<458752x32xf32, #tpu.memory_space<hbm>>
    tpu.wait_indirect_dma semaphore(%arg13 : memref<!tpu.dma_semaphore, #tpu.memory_space<semaphore_mem>>) src(%arg7 : memref<832x32xf32, #tpu.memory_space<vmem>>) dst(%dma_wait3A_348 : memref<458752x32xf32, #tpu.memory_space<hbm>>)
    %dma_start3A_349 = arith.constant 12480 : i32
    %dma_start3A_350 = tpu.memref_slice %arg5[%dma_start3A_349] : memref<13312xi32, #tpu.memory_space<vmem>> -> memref<832xi32, #tpu.memory_space<vmem>>
    %dma_start3A_351 = arith.constant 0 : i32
    %dma_start3A_352 = arith.constant 0 : i32
    %dma_start3A_353 = tpu.memref_slice %arg3[%dma_start3A_351, %dma_start3A_352] : memref<1048576x32xf32, #tpu.memory_space<hbm>> -> memref<1048576x32xf32, #tpu.memory_space<hbm>>
    tpu.enqueue_indirect_dma source(%dma_start3A_353 : memref<1048576x32xf32, #tpu.memory_space<hbm>>) target(%arg7 : memref<832x32xf32, #tpu.memory_space<vmem>>) offsets(%dma_start3A_350 : memref<832xi32, #tpu.memory_space<vmem>>) semaphore(%arg11 : memref<!tpu.dma_semaphore, #tpu.memory_space<semaphore_mem>>)
    %add3A_354 = arith.constant 12480 : i32
    %add3A_355 = arith.addi %mul3A_2, %add3A_354 : i32
    %scan3A_356 = arith.constant 0 : i32
    %scan3A_357 = arith.constant 0 : i32
    %scan3A_358 = arith.constant 52 : i32
    %scan3A_359 = arith.addi %scan3A_357, %scan3A_358 : i32
    %scan3A_360 = arith.constant 1 : i32
    scf.for %scan3A_384 = %scan3A_357 to %scan3A_359 step %scan3A_360  : i32 {
      %iota3A = tpu.iota {dimensions = array<i32: 0>} : vector<16xi32>
      %mul3A_385 = arith.constant 16 : i32
      %mul3A_386 = arith.muli %scan3A_384, %mul3A_385 : i32
      %add3A_387 = arith.addi %add3A_355, %mul3A_386 : i32
      %add3A_388 = vector.broadcast %add3A_387 : i32 to vector<16xi32>
      %add3A_389 = arith.addi %iota3A, %add3A_388 : vector<16xi32>
      %shift_right_arithmetic3A = arith.constant 14 : i32
      %shift_right_arithmetic3A_390 = vector.broadcast %shift_right_arithmetic3A : i32 to vector<16xi32>
      %shift_right_arithmetic3A_391 = arith.shrsi %add3A_389, %shift_right_arithmetic3A_390 : vector<16xi32>
      %and3A = arith.constant 16383 : i32
      %and3A_392 = vector.broadcast %and3A : i32 to vector<16xi32>
      %and3A_393 = arith.andi %add3A_389, %and3A_392 : vector<16xi32>
      %shift_right_arithmetic3A_394 = arith.constant 2 : i32
      %shift_right_arithmetic3A_395 = vector.broadcast %shift_right_arithmetic3A_394 : i32 to vector<16xi32>
      %shift_right_arithmetic3A_396 = arith.shrsi %shift_right_arithmetic3A_391, %shift_right_arithmetic3A_395 : vector<16xi32>
      %shift_left3A = arith.constant 16 : i32
      %shift_left3A_397 = vector.broadcast %shift_left3A : i32 to vector<16xi32>
      %shift_left3A_398 = arith.shli %shift_right_arithmetic3A_396, %shift_left3A_397 : vector<16xi32>
      %shift_left3A_399 = arith.constant 2 : i32
      %shift_left3A_400 = vector.broadcast %shift_left3A_399 : i32 to vector<16xi32>
      %shift_left3A_401 = arith.shli %and3A_393, %shift_left3A_400 : vector<16xi32>
      %add3A_402 = arith.addi %shift_left3A_398, %shift_left3A_401 : vector<16xi32>
      %and3A_403 = arith.constant 3 : i32
      %and3A_404 = vector.broadcast %and3A_403 : i32 to vector<16xi32>
      %and3A_405 = arith.andi %shift_right_arithmetic3A_391, %and3A_404 : vector<16xi32>
      %add3A_406 = arith.addi %add3A_402, %and3A_405 : vector<16xi32>
      %mul3A_407 = arith.constant 16 : i32
      %mul3A_408 = arith.muli %scan3A_384, %mul3A_407 : i32
      %swap3A = arith.index_cast %mul3A_408 : i32 to index
      %swap3A_409 = tpu.vector_load %arg9[%swap3A] {strides = array<i32>} : memref<832xi32, #tpu.memory_space<vmem>>, vector<16xi32>,
      %swap3A_410 = vector.shape_cast %swap3A_409 : vector<16xi32> to vector<16xi32>
      %swap3A_411 = vector.shape_cast %add3A_406 : vector<16xi32> to vector<16xi32>
      tpu.vector_store %arg9[%swap3A], %swap3A_411 {strides = array<i32>} : memref<832xi32, #tpu.memory_space<vmem>>, vector<16xi32>,
    }
    %scan3A_361 = arith.constant 52 : i32
    %dma_wait3A_362 = arith.constant 11648 : i32
    %dma_wait3A_363 = tpu.memref_slice %arg5[%dma_wait3A_362] : memref<13312xi32, #tpu.memory_space<vmem>> -> memref<832xi32, #tpu.memory_space<vmem>>
    %dma_wait3A_364 = arith.constant 0 : i32
    %dma_wait3A_365 = arith.constant 0 : i32
    %dma_wait3A_366 = tpu.memref_slice %arg3[%dma_wait3A_364, %dma_wait3A_365] : memref<1048576x32xf32, #tpu.memory_space<hbm>> -> memref<1048576x32xf32, #tpu.memory_space<hbm>>
    tpu.wait_indirect_dma semaphore(%arg10 : memref<!tpu.dma_semaphore, #tpu.memory_space<semaphore_mem>>) src(%dma_wait3A_366 : memref<1048576x32xf32, #tpu.memory_space<hbm>>) dst(%arg6 : memref<832x32xf32, #tpu.memory_space<vmem>>)
    %dma_start3A_367 = arith.constant 0 : i32
    %dma_start3A_368 = arith.constant 0 : i32
    %dma_start3A_369 = tpu.memref_slice %arg4[%dma_start3A_367, %dma_start3A_368] : memref<458752x32xf32, #tpu.memory_space<hbm>> -> memref<458752x32xf32, #tpu.memory_space<hbm>>
    tpu.enqueue_indirect_dma source(%arg6 : memref<832x32xf32, #tpu.memory_space<vmem>>) target(%dma_start3A_369 : memref<458752x32xf32, #tpu.memory_space<hbm>>) offsets(%arg8 : memref<832xi32, #tpu.memory_space<vmem>>) semaphore(%arg12 : memref<!tpu.dma_semaphore, #tpu.memory_space<semaphore_mem>>)
    %dma_wait3A_370 = arith.constant 12480 : i32
    %dma_wait3A_371 = tpu.memref_slice %arg5[%dma_wait3A_370] : memref<13312xi32, #tpu.memory_space<vmem>> -> memref<832xi32, #tpu.memory_space<vmem>>
    %dma_wait3A_372 = arith.constant 0 : i32
    %dma_wait3A_373 = arith.constant 0 : i32
    %dma_wait3A_374 = tpu.memref_slice %arg3[%dma_wait3A_372, %dma_wait3A_373] : memref<1048576x32xf32, #tpu.memory_space<hbm>> -> memref<1048576x32xf32, #tpu.memory_space<hbm>>
    tpu.wait_indirect_dma semaphore(%arg11 : memref<!tpu.dma_semaphore, #tpu.memory_space<semaphore_mem>>) src(%dma_wait3A_374 : memref<1048576x32xf32, #tpu.memory_space<hbm>>) dst(%arg7 : memref<832x32xf32, #tpu.memory_space<vmem>>)
    %dma_start3A_375 = arith.constant 0 : i32
    %dma_start3A_376 = arith.constant 0 : i32
    %dma_start3A_377 = tpu.memref_slice %arg4[%dma_start3A_375, %dma_start3A_376] : memref<458752x32xf32, #tpu.memory_space<hbm>> -> memref<458752x32xf32, #tpu.memory_space<hbm>>
    tpu.enqueue_indirect_dma source(%arg7 : memref<832x32xf32, #tpu.memory_space<vmem>>) target(%dma_start3A_377 : memref<458752x32xf32, #tpu.memory_space<hbm>>) offsets(%arg9 : memref<832xi32, #tpu.memory_space<vmem>>) semaphore(%arg13 : memref<!tpu.dma_semaphore, #tpu.memory_space<semaphore_mem>>)
    %dma_wait3A_378 = arith.constant 0 : i32
    %dma_wait3A_379 = arith.constant 0 : i32
    %dma_wait3A_380 = tpu.memref_slice %arg4[%dma_wait3A_378, %dma_wait3A_379] : memref<458752x32xf32, #tpu.memory_space<hbm>> -> memref<458752x32xf32, #tpu.memory_space<hbm>>
    tpu.wait_indirect_dma semaphore(%arg12 : memref<!tpu.dma_semaphore, #tpu.memory_space<semaphore_mem>>) src(%arg6 : memref<832x32xf32, #tpu.memory_space<vmem>>) dst(%dma_wait3A_380 : memref<458752x32xf32, #tpu.memory_space<hbm>>)
    %dma_wait3A_381 = arith.constant 0 : i32
    %dma_wait3A_382 = arith.constant 0 : i32
    %dma_wait3A_383 = tpu.memref_slice %arg4[%dma_wait3A_381, %dma_wait3A_382] : memref<458752x32xf32, #tpu.memory_space<hbm>> -> memref<458752x32xf32, #tpu.memory_space<hbm>>
    tpu.wait_indirect_dma semaphore(%arg13 : memref<!tpu.dma_semaphore, #tpu.memory_space<semaphore_mem>>) src(%arg7 : memref<832x32xf32, #tpu.memory_space<vmem>>) dst(%dma_wait3A_383 : memref<458752x32xf32, #tpu.memory_space<hbm>>)
    return
  }
}

module attributes {stable_mosaic.version = 14 : i64} {
  func.func @body(%arg0: i32, %arg1: i32, %arg2: memref<8192x128xf32, #tpu.memory_space<vmem>>, %arg3: memref<128x8192xf32, #tpu.memory_space<vmem>>) attributes {dimension_semantics = [#tpu.dimension_semantics<arbitrary>, #tpu.dimension_semantics<arbitrary>], iteration_bounds = array<i64: 7, 2>, scalar_prefetch = 0 : i64, scratch_operands = 0 : i64, tpu.core_type = #tpu.core_type<tc>, window_params = [{transform_indices = @transform_0, window_bounds = array<i64: 8192, 128>}, {transform_indices = @transform_1, window_bounds = array<i64: 128, 8192>}]} {
    %get3A = arith.constant 0 : index
    %get3A_0 = arith.constant 0 : index
    %get3A_1 = vector.load %arg2[%get3A, %get3A_0] : memref<8192x128xf32, #tpu.memory_space<vmem>>, vector<8192x128xf32>
    %transpose3A = tpu.transpose %get3A_1, [1, 0] : vector<8192x128xf32> -> vector<128x8192xf32>
    %swap3A = arith.constant 0 : index
    %swap3A_2 = arith.constant 0 : index
    %swap3A_3 = vector.load %arg3[%swap3A, %swap3A_2] : memref<128x8192xf32, #tpu.memory_space<vmem>>, vector<128x8192xf32>
    tpu.vector_store %arg3[%swap3A, %swap3A_2], %transpose3A {strides = array<i32>} : memref<128x8192xf32, #tpu.memory_space<vmem>>, vector<128x8192xf32>,
    return
  }
  func.func @transform_0(%arg0: i32, %arg1: i32) -> (i32, i32) {
    %mul3A = arith.constant 2 : i32
    %mul3A_0 = arith.muli %arg0, %mul3A : i32
    %add3A = arith.addi %mul3A_0, %arg1 : i32
    %c0_i32 = arith.constant 0 : i32
    %c0_i32_1 = arith.constant 0 : i32
    return %add3A, %c0_i32 : i32, i32
  }
  func.func @transform_1(%arg0: i32, %arg1: i32) -> (i32, i32) {
    %c0_i32 = arith.constant 0 : i32
    return %arg0, %arg1 : i32, i32
  }
}

module attributes {stable_mosaic.version = 14 : i64} {
  func.func @body(%arg0: i32, %arg1: memref<26x16384xi32, #tpu.memory_space<vmem>>, %arg2: memref<26x128x128xi32, #tpu.memory_space<vmem>>) attributes {dimension_semantics = [#tpu.dimension_semantics<arbitrary>], iteration_bounds = array<i64: 1>, scalar_prefetch = 0 : i64, scratch_operands = 0 : i64, tpu.core_type = #tpu.core_type<tc>, window_params = [{pipeline_mode = #tpu.pipeline_mode<synchronous>, transform_indices = @transform_0, window_bounds = array<i64: 26, 16384>}, {pipeline_mode = #tpu.pipeline_mode<synchronous>, transform_indices = @transform_1, window_bounds = array<i64: 26, 128, 128>}]} {
    %get3A = arith.constant 0 : index
    %get3A_0 = arith.constant 0 : index
    %get3A_1 = vector.load %arg1[%get3A, %get3A_0] : memref<26x16384xi32, #tpu.memory_space<vmem>>, vector<26x16384xi32>
    %jit3A = arith.constant 512 : i32
    %eq3A = arith.constant 0 : i32
    %eq3A_2 = arith.cmpi eq, %jit3A, %eq3A : i32
    %jit3A_3 = arith.constant 1 : i32
    %select_n3A = arith.select %eq3A_2, %jit3A_3, %jit3A : i32
    %rem3A = vector.broadcast %select_n3A : i32 to vector<26x16384xi32>
    %rem3A_4 = arith.remsi %get3A_1, %rem3A : vector<26x16384xi32>
    %ne3A = arith.constant 0 : i32
    %ne3A_5 = vector.broadcast %ne3A : i32 to vector<26x16384xi32>
    %ne3A_6 = arith.cmpi ne, %rem3A_4, %ne3A_5 : vector<26x16384xi32>
    %lt3A = arith.constant 0 : i32
    %lt3A_7 = vector.broadcast %lt3A : i32 to vector<26x16384xi32>
    %lt3A_8 = arith.cmpi slt, %rem3A_4, %lt3A_7 : vector<26x16384xi32>
    %lt3A_9 = arith.constant 0 : i32
    %lt3A_10 = arith.cmpi slt, %select_n3A, %lt3A_9 : i32
    %ne3A_11 = vector.broadcast %lt3A_10 : i1 to vector<26x16384xi1>
    %ne3A_12 = vector.broadcast %ne3A_11 : vector<26x16384xi1> to vector<26x16384xi1>
    %ne3A_13 = arith.xori %lt3A_8, %ne3A_12 : vector<26x16384xi1>
    %and3A = arith.andi %ne3A_13, %ne3A_6 : vector<26x16384xi1>
    %add3A = vector.broadcast %select_n3A : i32 to vector<26x16384xi32>
    %add3A_14 = arith.addi %rem3A_4, %add3A : vector<26x16384xi32>
    %select_n3A_15 = arith.select %and3A, %add3A_14, %rem3A_4 : vector<26x16384xi1>, vector<26x16384xi32>
    %sub3A = arith.subi %get3A_1, %select_n3A_15 : vector<26x16384xi32>
    %jit3A_16 = arith.constant 128 : i32
    %eq3A_17 = arith.constant 0 : i32
    %eq3A_18 = arith.cmpi eq, %jit3A_16, %eq3A_17 : i32
    %jit3A_19 = arith.constant 1 : i32
    %select_n3A_20 = arith.select %eq3A_18, %jit3A_19, %jit3A_16 : i32
    %rem3A_21 = vector.broadcast %select_n3A_20 : i32 to vector<26x16384xi32>
    %rem3A_22 = arith.remsi %get3A_1, %rem3A_21 : vector<26x16384xi32>
    %ne3A_23 = arith.constant 0 : i32
    %ne3A_24 = vector.broadcast %ne3A_23 : i32 to vector<26x16384xi32>
    %ne3A_25 = arith.cmpi ne, %rem3A_22, %ne3A_24 : vector<26x16384xi32>
    %lt3A_26 = arith.constant 0 : i32
    %lt3A_27 = vector.broadcast %lt3A_26 : i32 to vector<26x16384xi32>
    %lt3A_28 = arith.cmpi slt, %rem3A_22, %lt3A_27 : vector<26x16384xi32>
    %lt3A_29 = arith.constant 0 : i32
    %lt3A_30 = arith.cmpi slt, %select_n3A_20, %lt3A_29 : i32
    %ne3A_31 = vector.broadcast %lt3A_30 : i1 to vector<26x16384xi1>
    %ne3A_32 = vector.broadcast %ne3A_31 : vector<26x16384xi1> to vector<26x16384xi1>
    %ne3A_33 = arith.xori %lt3A_28, %ne3A_32 : vector<26x16384xi1>
    %and3A_34 = arith.andi %ne3A_33, %ne3A_25 : vector<26x16384xi1>
    %add3A_35 = vector.broadcast %select_n3A_20 : i32 to vector<26x16384xi32>
    %add3A_36 = arith.addi %rem3A_22, %add3A_35 : vector<26x16384xi32>
    %select_n3A_37 = arith.select %and3A_34, %add3A_36, %rem3A_22 : vector<26x16384xi1>, vector<26x16384xi32>
    %mul3A = arith.constant 4 : i32
    %mul3A_38 = vector.broadcast %mul3A : i32 to vector<26x16384xi32>
    %mul3A_39 = arith.muli %mul3A_38, %select_n3A_37 : vector<26x16384xi32>
    %add3A_40 = arith.addi %sub3A, %mul3A_39 : vector<26x16384xi32>
    %jit3A_41 = arith.constant 128 : i32
    %div3A = vector.broadcast %jit3A_41 : i32 to vector<26x16384xi32>
    %div3A_42 = arith.divsi %get3A_1, %div3A : vector<26x16384xi32>
    %sign3A = arith.constant 0 : i32
    %sign3A_43 = vector.broadcast %sign3A : i32 to vector<26x16384xi32>
    %sign3A_44 = arith.cmpi sgt, %get3A_1, %sign3A_43 : vector<26x16384xi32>
    %sign3A_45 = arith.extui %sign3A_44 : vector<26x16384xi1> to vector<26x16384xi32>
    %sign3A_46 = arith.constant 0 : i32
    %sign3A_47 = vector.broadcast %sign3A_46 : i32 to vector<26x16384xi32>
    %sign3A_48 = arith.cmpi slt, %get3A_1, %sign3A_47 : vector<26x16384xi32>
    %sign3A_49 = arith.extui %sign3A_48 : vector<26x16384xi1> to vector<26x16384xi32>
    %sign3A_50 = arith.subi %sign3A_45, %sign3A_49 : vector<26x16384xi32>
    %sign3A_51 = arith.constant 0 : i32
    %sign3A_52 = arith.cmpi sgt, %jit3A_41, %sign3A_51 : i32
    %sign3A_53 = arith.extui %sign3A_52 : i1 to i32
    %sign3A_54 = arith.constant 0 : i32
    %sign3A_55 = arith.cmpi slt, %jit3A_41, %sign3A_54 : i32
    %sign3A_56 = arith.extui %sign3A_55 : i1 to i32
    %sign3A_57 = arith.subi %sign3A_53, %sign3A_56 : i32
    %ne3A_58 = vector.broadcast %sign3A_57 : i32 to vector<26x16384xi32>
    %ne3A_59 = arith.cmpi ne, %sign3A_50, %ne3A_58 : vector<26x16384xi32>
    %rem3A_60 = vector.broadcast %jit3A_41 : i32 to vector<26x16384xi32>
    %rem3A_61 = arith.remsi %get3A_1, %rem3A_60 : vector<26x16384xi32>
    %ne3A_62 = arith.constant 0 : i32
    %ne3A_63 = vector.broadcast %ne3A_62 : i32 to vector<26x16384xi32>
    %ne3A_64 = arith.cmpi ne, %rem3A_61, %ne3A_63 : vector<26x16384xi32>
    %and3A_65 = arith.andi %ne3A_59, %ne3A_64 : vector<26x16384xi1>
    %sub3A_66 = arith.constant 1 : i32
    %sub3A_67 = vector.broadcast %sub3A_66 : i32 to vector<26x16384xi32>
    %sub3A_68 = arith.subi %div3A_42, %sub3A_67 : vector<26x16384xi32>
    %select_n3A_69 = arith.select %and3A_65, %sub3A_68, %div3A_42 : vector<26x16384xi1>, vector<26x16384xi32>
    %jit3A_70 = arith.constant 4 : i32
    %eq3A_71 = arith.constant 0 : i32
    %eq3A_72 = arith.cmpi eq, %jit3A_70, %eq3A_71 : i32
    %jit3A_73 = arith.constant 1 : i32
    %select_n3A_74 = arith.select %eq3A_72, %jit3A_73, %jit3A_70 : i32
    %rem3A_75 = vector.broadcast %select_n3A_74 : i32 to vector<26x16384xi32>
    %rem3A_76 = arith.remsi %select_n3A_69, %rem3A_75 : vector<26x16384xi32>
    %ne3A_77 = arith.constant 0 : i32
    %ne3A_78 = vector.broadcast %ne3A_77 : i32 to vector<26x16384xi32>
    %ne3A_79 = arith.cmpi ne, %rem3A_76, %ne3A_78 : vector<26x16384xi32>
    %lt3A_80 = arith.constant 0 : i32
    %lt3A_81 = vector.broadcast %lt3A_80 : i32 to vector<26x16384xi32>
    %lt3A_82 = arith.cmpi slt, %rem3A_76, %lt3A_81 : vector<26x16384xi32>
    %lt3A_83 = arith.constant 0 : i32
    %lt3A_84 = arith.cmpi slt, %select_n3A_74, %lt3A_83 : i32
    %ne3A_85 = vector.broadcast %lt3A_84 : i1 to vector<26x16384xi1>
    %ne3A_86 = vector.broadcast %ne3A_85 : vector<26x16384xi1> to vector<26x16384xi1>
    %ne3A_87 = arith.xori %lt3A_82, %ne3A_86 : vector<26x16384xi1>
    %and3A_88 = arith.andi %ne3A_87, %ne3A_79 : vector<26x16384xi1>
    %add3A_89 = vector.broadcast %select_n3A_74 : i32 to vector<26x16384xi32>
    %add3A_90 = arith.addi %rem3A_76, %add3A_89 : vector<26x16384xi32>
    %select_n3A_91 = arith.select %and3A_88, %add3A_90, %rem3A_76 : vector<26x16384xi1>, vector<26x16384xi32>
    %add3A_92 = arith.addi %add3A_40, %select_n3A_91 : vector<26x16384xi32>
    %reshape3A = vector.shape_cast %add3A_92 : vector<26x16384xi32> to vector<26x128x128xi32>
    %swap3A = arith.constant 0 : index
    %swap3A_93 = arith.constant 0 : index
    %swap3A_94 = arith.constant 0 : index
    %swap3A_95 = vector.load %arg2[%swap3A, %swap3A_93, %swap3A_94] : memref<26x128x128xi32, #tpu.memory_space<vmem>>, vector<26x128x128xi32>
    tpu.vector_store %arg2[%swap3A, %swap3A_93, %swap3A_94], %reshape3A {strides = array<i32>} : memref<26x128x128xi32, #tpu.memory_space<vmem>>, vector<26x128x128xi32>,
    return
  }
  func.func @transform_0(%arg0: i32) -> (i32, i32) {
    %c0_i32 = arith.constant 0 : i32
    %c0_i32_0 = arith.constant 0 : i32
    %c0_i32_1 = arith.constant 0 : i32
    return %c0_i32, %c0_i32_0 : i32, i32
  }
  func.func @transform_1(%arg0: i32) -> (i32, i32, i32) {
    %c0_i32 = arith.constant 0 : i32
    %c0_i32_0 = arith.constant 0 : i32
    %c0_i32_1 = arith.constant 0 : i32
    %c0_i32_2 = arith.constant 0 : i32
    return %c0_i32, %c0_i32_0, %c0_i32_1 : i32, i32, i32
  }
}

module attributes {stable_mosaic.version = 14 : i64} {
  func.func @body(%arg0: i32, %arg1: memref<32x65536xf32, #tpu.memory_space<vmem>>, %arg2: memref<16384x128xf32, #tpu.memory_space<vmem>>) attributes {dimension_semantics = [#tpu.dimension_semantics<arbitrary>], iteration_bounds = array<i64: 16>, scalar_prefetch = 0 : i64, scratch_operands = 0 : i64, tpu.core_type = #tpu.core_type<tc>, window_params = [{transform_indices = @transform_0, window_bounds = array<i64: 32, 65536>}, {transform_indices = @transform_1, window_bounds = array<i64: 16384, 128>}]} {
    %get3A = arith.constant 0 : index
    %get3A_0 = arith.constant 0 : index
    %get3A_1 = vector.load %arg1[%get3A, %get3A_0] : memref<32x65536xf32, #tpu.memory_space<vmem>>, vector<32x65536xf32>
    %iota3A = tpu.iota {dimensions = array<i32: 0>} : vector<128x128xi32>
    %iota3A_2 = tpu.iota {dimensions = array<i32: 1>} : vector<128x128xi32>
    %eq3A = arith.cmpi eq, %iota3A, %iota3A_2 : vector<128x128xi32>
    %jit3A = arith.constant 1.000000e+00 : f32
    %jit3A_3 = arith.constant 0.000000e+00 : f32
    %broadcast_in_dim3A = vector.broadcast %jit3A : f32 to vector<128x128xf32>
    %broadcast_in_dim3A_4 = vector.broadcast %jit3A_3 : f32 to vector<128x128xf32>
    %select_n3A = arith.select %eq3A, %broadcast_in_dim3A, %broadcast_in_dim3A_4 : vector<128x128xi1>, vector<128x128xf32>
    %slice3A = vector.extract_strided_slice %get3A_1 {offsets = [0, 0], sizes = [32, 128], strides = [1, 1]} : vector<32x65536xf32> to vector<32x128xf32>
    %slice3A_5 = vector.extract_strided_slice %get3A_1 {offsets = [0, 128], sizes = [32, 128], strides = [1, 1]} : vector<32x65536xf32> to vector<32x128xf32>
    %slice3A_6 = vector.extract_strided_slice %get3A_1 {offsets = [0, 256], sizes = [32, 128], strides = [1, 1]} : vector<32x65536xf32> to vector<32x128xf32>
    %slice3A_7 = vector.extract_strided_slice %get3A_1 {offsets = [0, 384], sizes = [32, 128], strides = [1, 1]} : vector<32x65536xf32> to vector<32x128xf32>
    %concatenate3A = tpu.concatenate %slice3A, %slice3A_5, %slice3A_6, %slice3A_7 in 0 : vector<32x128xf32>, vector<32x128xf32>, vector<32x128xf32>, vector<32x128xf32> -> vector<128x128xf32>
    %dot_general3A = arith.constant dense<0.000000e+00> : vector<128x128xf32>
    %dot_general3A_8 = tpu.matmul %select_n3A, %concatenate3A, %dot_general3A {dimension_numbers = #tpu.dot_dimension_numbers<[1], [1], [0], [0], [0, 0, 1, 0], [], []>, transpose_lhs_hint = false} : vector<128x128xf32>, vector<128x128xf32>, vector<128x128xf32> -> vector<128x128xf32>
    %slice3A_9 = vector.extract_strided_slice %get3A_1 {offsets = [0, 512], sizes = [32, 128], strides = [1, 1]} : vector<32x65536xf32> to vector<32x128xf32>
    %slice3A_10 = vector.extract_strided_slice %get3A_1 {offsets = [0, 640], sizes = [32, 128], strides = [1, 1]} : vector<32x65536xf32> to vector<32x128xf32>
    %slice3A_11 = vector.extract_strided_slice %get3A_1 {offsets = [0, 768], sizes = [32, 128], strides = [1, 1]} : vector<32x65536xf32> to vector<32x128xf32>
    %slice3A_12 = vector.extract_strided_slice %get3A_1 {offsets = [0, 896], sizes = [32, 128], strides = [1, 1]} : vector<32x65536xf32> to vector<32x128xf32>
    %concatenate3A_13 = tpu.concatenate %slice3A_9, %slice3A_10, %slice3A_11, %slice3A_12 in 0 : vector<32x128xf32>, vector<32x128xf32>, vector<32x128xf32>, vector<32x128xf32> -> vector<128x128xf32>
    %transpose3A = tpu.transpose %concatenate3A_13, [1, 0] : vector<128x128xf32> -> vector<128x128xf32>
    %slice3A_14 = vector.extract_strided_slice %get3A_1 {offsets = [0, 1024], sizes = [32, 128], strides = [1, 1]} : vector<32x65536xf32> to vector<32x128xf32>
    %slice3A_15 = vector.extract_strided_slice %get3A_1 {offsets = [0, 1152], sizes = [32, 128], strides = [1, 1]} : vector<32x65536xf32> to vector<32x128xf32>
    %slice3A_16 = vector.extract_strided_slice %get3A_1 {offsets = [0, 1280], sizes = [32, 128], strides = [1, 1]} : vector<32x65536xf32> to vector<32x128xf32>
    %slice3A_17 = vector.extract_strided_slice %get3A_1 {offsets = [0, 1408], sizes = [32, 128], strides = [1, 1]} : vector<32x65536xf32> to vector<32x128xf32>
    %concatenate3A_18 = tpu.concatenate %slice3A_14, %slice3A_15, %slice3A_16, %slice3A_17 in 0 : vector<32x128xf32>, vector<32x128xf32>, vector<32x128xf32>, vector<32x128xf32> -> vector<128x128xf32>
    %dot_general3A_19 = arith.constant dense<0.000000e+00> : vector<128x128xf32>
    %dot_general3A_20 = tpu.matmul %select_n3A, %concatenate3A_18, %dot_general3A_19 {dimension_numbers = #tpu.dot_dimension_numbers<[1], [1], [0], [0], [0, 0, 1, 0], [], []>, transpose_lhs_hint = false} : vector<128x128xf32>, vector<128x128xf32>, vector<128x128xf32> -> vector<128x128xf32>
    %slice3A_21 = vector.extract_strided_slice %get3A_1 {offsets = [0, 1536], sizes = [32, 128], strides = [1, 1]} : vector<32x65536xf32> to vector<32x128xf32>
    %slice3A_22 = vector.extract_strided_slice %get3A_1 {offsets = [0, 1664], sizes = [32, 128], strides = [1, 1]} : vector<32x65536xf32> to vector<32x128xf32>
    %slice3A_23 = vector.extract_strided_slice %get3A_1 {offsets = [0, 1792], sizes = [32, 128], strides = [1, 1]} : vector<32x65536xf32> to vector<32x128xf32>
    %slice3A_24 = vector.extract_strided_slice %get3A_1 {offsets = [0, 1920], sizes = [32, 128], strides = [1, 1]} : vector<32x65536xf32> to vector<32x128xf32>
    %concatenate3A_25 = tpu.concatenate %slice3A_21, %slice3A_22, %slice3A_23, %slice3A_24 in 0 : vector<32x128xf32>, vector<32x128xf32>, vector<32x128xf32>, vector<32x128xf32> -> vector<128x128xf32>
    %transpose3A_26 = tpu.transpose %concatenate3A_25, [1, 0] : vector<128x128xf32> -> vector<128x128xf32>
    %slice3A_27 = vector.extract_strided_slice %get3A_1 {offsets = [0, 2048], sizes = [32, 128], strides = [1, 1]} : vector<32x65536xf32> to vector<32x128xf32>
    %slice3A_28 = vector.extract_strided_slice %get3A_1 {offsets = [0, 2176], sizes = [32, 128], strides = [1, 1]} : vector<32x65536xf32> to vector<32x128xf32>
    %slice3A_29 = vector.extract_strided_slice %get3A_1 {offsets = [0, 2304], sizes = [32, 128], strides = [1, 1]} : vector<32x65536xf32> to vector<32x128xf32>
    %slice3A_30 = vector.extract_strided_slice %get3A_1 {offsets = [0, 2432], sizes = [32, 128], strides = [1, 1]} : vector<32x65536xf32> to vector<32x128xf32>
    %concatenate3A_31 = tpu.concatenate %slice3A_27, %slice3A_28, %slice3A_29, %slice3A_30 in 0 : vector<32x128xf32>, vector<32x128xf32>, vector<32x128xf32>, vector<32x128xf32> -> vector<128x128xf32>
    %dot_general3A_32 = arith.constant dense<0.000000e+00> : vector<128x128xf32>
    %dot_general3A_33 = tpu.matmul %select_n3A, %concatenate3A_31, %dot_general3A_32 {dimension_numbers = #tpu.dot_dimension_numbers<[1], [1], [0], [0], [0, 0, 1, 0], [], []>, transpose_lhs_hint = false} : vector<128x128xf32>, vector<128x128xf32>, vector<128x128xf32> -> vector<128x128xf32>
    %slice3A_34 = vector.extract_strided_slice %get3A_1 {offsets = [0, 2560], sizes = [32, 128], strides = [1, 1]} : vector<32x65536xf32> to vector<32x128xf32>
    %slice3A_35 = vector.extract_strided_slice %get3A_1 {offsets = [0, 2688], sizes = [32, 128], strides = [1, 1]} : vector<32x65536xf32> to vector<32x128xf32>
    %slice3A_36 = vector.extract_strided_slice %get3A_1 {offsets = [0, 2816], sizes = [32, 128], strides = [1, 1]} : vector<32x65536xf32> to vector<32x128xf32>
    %slice3A_37 = vector.extract_strided_slice %get3A_1 {offsets = [0, 2944], sizes = [32, 128], strides = [1, 1]} : vector<32x65536xf32> to vector<32x128xf32>
    %concatenate3A_38 = tpu.concatenate %slice3A_34, %slice3A_35, %slice3A_36, %slice3A_37 in 0 : vector<32x128xf32>, vector<32x128xf32>, vector<32x128xf32>, vector<32x128xf32> -> vector<128x128xf32>
    %transpose3A_39 = tpu.transpose %concatenate3A_38, [1, 0] : vector<128x128xf32> -> vector<128x128xf32>
    %slice3A_40 = vector.extract_strided_slice %get3A_1 {offsets = [0, 3072], sizes = [32, 128], strides = [1, 1]} : vector<32x65536xf32> to vector<32x128xf32>
    %slice3A_41 = vector.extract_strided_slice %get3A_1 {offsets = [0, 3200], sizes = [32, 128], strides = [1, 1]} : vector<32x65536xf32> to vector<32x128xf32>
    %slice3A_42 = vector.extract_strided_slice %get3A_1 {offsets = [0, 3328], sizes = [32, 128], strides = [1, 1]} : vector<32x65536xf32> to vector<32x128xf32>
    %slice3A_43 = vector.extract_strided_slice %get3A_1 {offsets = [0, 3456], sizes = [32, 128], strides = [1, 1]} : vector<32x65536xf32> to vector<32x128xf32>
    %concatenate3A_44 = tpu.concatenate %slice3A_40, %slice3A_41, %slice3A_42, %slice3A_43 in 0 : vector<32x128xf32>, vector<32x128xf32>, vector<32x128xf32>, vector<32x128xf32> -> vector<128x128xf32>
    %dot_general3A_45 = arith.constant dense<0.000000e+00> : vector<128x128xf32>
    %dot_general3A_46 = tpu.matmul %select_n3A, %concatenate3A_44, %dot_general3A_45 {dimension_numbers = #tpu.dot_dimension_numbers<[1], [1], [0], [0], [0, 0, 1, 0], [], []>, transpose_lhs_hint = false} : vector<128x128xf32>, vector<128x128xf32>, vector<128x128xf32> -> vector<128x128xf32>
    %slice3A_47 = vector.extract_strided_slice %get3A_1 {offsets = [0, 3584], sizes = [32, 128], strides = [1, 1]} : vector<32x65536xf32> to vector<32x128xf32>
    %slice3A_48 = vector.extract_strided_slice %get3A_1 {offsets = [0, 3712], sizes = [32, 128], strides = [1, 1]} : vector<32x65536xf32> to vector<32x128xf32>
    %slice3A_49 = vector.extract_strided_slice %get3A_1 {offsets = [0, 3840], sizes = [32, 128], strides = [1, 1]} : vector<32x65536xf32> to vector<32x128xf32>
    %slice3A_50 = vector.extract_strided_slice %get3A_1 {offsets = [0, 3968], sizes = [32, 128], strides = [1, 1]} : vector<32x65536xf32> to vector<32x128xf32>
    %concatenate3A_51 = tpu.concatenate %slice3A_47, %slice3A_48, %slice3A_49, %slice3A_50 in 0 : vector<32x128xf32>, vector<32x128xf32>, vector<32x128xf32>, vector<32x128xf32> -> vector<128x128xf32>
    %transpose3A_52 = tpu.transpose %concatenate3A_51, [1, 0] : vector<128x128xf32> -> vector<128x128xf32>
    %slice3A_53 = vector.extract_strided_slice %get3A_1 {offsets = [0, 4096], sizes = [32, 128], strides = [1, 1]} : vector<32x65536xf32> to vector<32x128xf32>
    %slice3A_54 = vector.extract_strided_slice %get3A_1 {offsets = [0, 4224], sizes = [32, 128], strides = [1, 1]} : vector<32x65536xf32> to vector<32x128xf32>
    %slice3A_55 = vector.extract_strided_slice %get3A_1 {offsets = [0, 4352], sizes = [32, 128], strides = [1, 1]} : vector<32x65536xf32> to vector<32x128xf32>
    %slice3A_56 = vector.extract_strided_slice %get3A_1 {offsets = [0, 4480], sizes = [32, 128], strides = [1, 1]} : vector<32x65536xf32> to vector<32x128xf32>
    %concatenate3A_57 = tpu.concatenate %slice3A_53, %slice3A_54, %slice3A_55, %slice3A_56 in 0 : vector<32x128xf32>, vector<32x128xf32>, vector<32x128xf32>, vector<32x128xf32> -> vector<128x128xf32>
    %dot_general3A_58 = arith.constant dense<0.000000e+00> : vector<128x128xf32>
    %dot_general3A_59 = tpu.matmul %select_n3A, %concatenate3A_57, %dot_general3A_58 {dimension_numbers = #tpu.dot_dimension_numbers<[1], [1], [0], [0], [0, 0, 1, 0], [], []>, transpose_lhs_hint = false} : vector<128x128xf32>, vector<128x128xf32>, vector<128x128xf32> -> vector<128x128xf32>
    %slice3A_60 = vector.extract_strided_slice %get3A_1 {offsets = [0, 4608], sizes = [32, 128], strides = [1, 1]} : vector<32x65536xf32> to vector<32x128xf32>
    %slice3A_61 = vector.extract_strided_slice %get3A_1 {offsets = [0, 4736], sizes = [32, 128], strides = [1, 1]} : vector<32x65536xf32> to vector<32x128xf32>
    %slice3A_62 = vector.extract_strided_slice %get3A_1 {offsets = [0, 4864], sizes = [32, 128], strides = [1, 1]} : vector<32x65536xf32> to vector<32x128xf32>
    %slice3A_63 = vector.extract_strided_slice %get3A_1 {offsets = [0, 4992], sizes = [32, 128], strides = [1, 1]} : vector<32x65536xf32> to vector<32x128xf32>
    %concatenate3A_64 = tpu.concatenate %slice3A_60, %slice3A_61, %slice3A_62, %slice3A_63 in 0 : vector<32x128xf32>, vector<32x128xf32>, vector<32x128xf32>, vector<32x128xf32> -> vector<128x128xf32>
    %transpose3A_65 = tpu.transpose %concatenate3A_64, [1, 0] : vector<128x128xf32> -> vector<128x128xf32>
    %slice3A_66 = vector.extract_strided_slice %get3A_1 {offsets = [0, 5120], sizes = [32, 128], strides = [1, 1]} : vector<32x65536xf32> to vector<32x128xf32>
    %slice3A_67 = vector.extract_strided_slice %get3A_1 {offsets = [0, 5248], sizes = [32, 128], strides = [1, 1]} : vector<32x65536xf32> to vector<32x128xf32>
    %slice3A_68 = vector.extract_strided_slice %get3A_1 {offsets = [0, 5376], sizes = [32, 128], strides = [1, 1]} : vector<32x65536xf32> to vector<32x128xf32>
    %slice3A_69 = vector.extract_strided_slice %get3A_1 {offsets = [0, 5504], sizes = [32, 128], strides = [1, 1]} : vector<32x65536xf32> to vector<32x128xf32>
    %concatenate3A_70 = tpu.concatenate %slice3A_66, %slice3A_67, %slice3A_68, %slice3A_69 in 0 : vector<32x128xf32>, vector<32x128xf32>, vector<32x128xf32>, vector<32x128xf32> -> vector<128x128xf32>
    %dot_general3A_71 = arith.constant dense<0.000000e+00> : vector<128x128xf32>
    %dot_general3A_72 = tpu.matmul %select_n3A, %concatenate3A_70, %dot_general3A_71 {dimension_numbers = #tpu.dot_dimension_numbers<[1], [1], [0], [0], [0, 0, 1, 0], [], []>, transpose_lhs_hint = false} : vector<128x128xf32>, vector<128x128xf32>, vector<128x128xf32> -> vector<128x128xf32>
    %slice3A_73 = vector.extract_strided_slice %get3A_1 {offsets = [0, 5632], sizes = [32, 128], strides = [1, 1]} : vector<32x65536xf32> to vector<32x128xf32>
    %slice3A_74 = vector.extract_strided_slice %get3A_1 {offsets = [0, 5760], sizes = [32, 128], strides = [1, 1]} : vector<32x65536xf32> to vector<32x128xf32>
    %slice3A_75 = vector.extract_strided_slice %get3A_1 {offsets = [0, 5888], sizes = [32, 128], strides = [1, 1]} : vector<32x65536xf32> to vector<32x128xf32>
    %slice3A_76 = vector.extract_strided_slice %get3A_1 {offsets = [0, 6016], sizes = [32, 128], strides = [1, 1]} : vector<32x65536xf32> to vector<32x128xf32>
    %concatenate3A_77 = tpu.concatenate %slice3A_73, %slice3A_74, %slice3A_75, %slice3A_76 in 0 : vector<32x128xf32>, vector<32x128xf32>, vector<32x128xf32>, vector<32x128xf32> -> vector<128x128xf32>
    %transpose3A_78 = tpu.transpose %concatenate3A_77, [1, 0] : vector<128x128xf32> -> vector<128x128xf32>
    %slice3A_79 = vector.extract_strided_slice %get3A_1 {offsets = [0, 6144], sizes = [32, 128], strides = [1, 1]} : vector<32x65536xf32> to vector<32x128xf32>
    %slice3A_80 = vector.extract_strided_slice %get3A_1 {offsets = [0, 6272], sizes = [32, 128], strides = [1, 1]} : vector<32x65536xf32> to vector<32x128xf32>
    %slice3A_81 = vector.extract_strided_slice %get3A_1 {offsets = [0, 6400], sizes = [32, 128], strides = [1, 1]} : vector<32x65536xf32> to vector<32x128xf32>
    %slice3A_82 = vector.extract_strided_slice %get3A_1 {offsets = [0, 6528], sizes = [32, 128], strides = [1, 1]} : vector<32x65536xf32> to vector<32x128xf32>
    %concatenate3A_83 = tpu.concatenate %slice3A_79, %slice3A_80, %slice3A_81, %slice3A_82 in 0 : vector<32x128xf32>, vector<32x128xf32>, vector<32x128xf32>, vector<32x128xf32> -> vector<128x128xf32>
    %dot_general3A_84 = arith.constant dense<0.000000e+00> : vector<128x128xf32>
    %dot_general3A_85 = tpu.matmul %select_n3A, %concatenate3A_83, %dot_general3A_84 {dimension_numbers = #tpu.dot_dimension_numbers<[1], [1], [0], [0], [0, 0, 1, 0], [], []>, transpose_lhs_hint = false} : vector<128x128xf32>, vector<128x128xf32>, vector<128x128xf32> -> vector<128x128xf32>
    %slice3A_86 = vector.extract_strided_slice %get3A_1 {offsets = [0, 6656], sizes = [32, 128], strides = [1, 1]} : vector<32x65536xf32> to vector<32x128xf32>
    %slice3A_87 = vector.extract_strided_slice %get3A_1 {offsets = [0, 6784], sizes = [32, 128], strides = [1, 1]} : vector<32x65536xf32> to vector<32x128xf32>
    %slice3A_88 = vector.extract_strided_slice %get3A_1 {offsets = [0, 6912], sizes = [32, 128], strides = [1, 1]} : vector<32x65536xf32> to vector<32x128xf32>
    %slice3A_89 = vector.extract_strided_slice %get3A_1 {offsets = [0, 7040], sizes = [32, 128], strides = [1, 1]} : vector<32x65536xf32> to vector<32x128xf32>
    %concatenate3A_90 = tpu.concatenate %slice3A_86, %slice3A_87, %slice3A_88, %slice3A_89 in 0 : vector<32x128xf32>, vector<32x128xf32>, vector<32x128xf32>, vector<32x128xf32> -> vector<128x128xf32>
    %transpose3A_91 = tpu.transpose %concatenate3A_90, [1, 0] : vector<128x128xf32> -> vector<128x128xf32>
    %slice3A_92 = vector.extract_strided_slice %get3A_1 {offsets = [0, 7168], sizes = [32, 128], strides = [1, 1]} : vector<32x65536xf32> to vector<32x128xf32>
    %slice3A_93 = vector.extract_strided_slice %get3A_1 {offsets = [0, 7296], sizes = [32, 128], strides = [1, 1]} : vector<32x65536xf32> to vector<32x128xf32>
    %slice3A_94 = vector.extract_strided_slice %get3A_1 {offsets = [0, 7424], sizes = [32, 128], strides = [1, 1]} : vector<32x65536xf32> to vector<32x128xf32>
    %slice3A_95 = vector.extract_strided_slice %get3A_1 {offsets = [0, 7552], sizes = [32, 128], strides = [1, 1]} : vector<32x65536xf32> to vector<32x128xf32>
    %concatenate3A_96 = tpu.concatenate %slice3A_92, %slice3A_93, %slice3A_94, %slice3A_95 in 0 : vector<32x128xf32>, vector<32x128xf32>, vector<32x128xf32>, vector<32x128xf32> -> vector<128x128xf32>
    %dot_general3A_97 = arith.constant dense<0.000000e+00> : vector<128x128xf32>
    %dot_general3A_98 = tpu.matmul %select_n3A, %concatenate3A_96, %dot_general3A_97 {dimension_numbers = #tpu.dot_dimension_numbers<[1], [1], [0], [0], [0, 0, 1, 0], [], []>, transpose_lhs_hint = false} : vector<128x128xf32>, vector<128x128xf32>, vector<128x128xf32> -> vector<128x128xf32>
    %slice3A_99 = vector.extract_strided_slice %get3A_1 {offsets = [0, 7680], sizes = [32, 128], strides = [1, 1]} : vector<32x65536xf32> to vector<32x128xf32>
    %slice3A_100 = vector.extract_strided_slice %get3A_1 {offsets = [0, 7808], sizes = [32, 128], strides = [1, 1]} : vector<32x65536xf32> to vector<32x128xf32>
    %slice3A_101 = vector.extract_strided_slice %get3A_1 {offsets = [0, 7936], sizes = [32, 128], strides = [1, 1]} : vector<32x65536xf32> to vector<32x128xf32>
    %slice3A_102 = vector.extract_strided_slice %get3A_1 {offsets = [0, 8064], sizes = [32, 128], strides = [1, 1]} : vector<32x65536xf32> to vector<32x128xf32>
    %concatenate3A_103 = tpu.concatenate %slice3A_99, %slice3A_100, %slice3A_101, %slice3A_102 in 0 : vector<32x128xf32>, vector<32x128xf32>, vector<32x128xf32>, vector<32x128xf32> -> vector<128x128xf32>
    %transpose3A_104 = tpu.transpose %concatenate3A_103, [1, 0] : vector<128x128xf32> -> vector<128x128xf32>
    %slice3A_105 = vector.extract_strided_slice %get3A_1 {offsets = [0, 8192], sizes = [32, 128], strides = [1, 1]} : vector<32x65536xf32> to vector<32x128xf32>
    %slice3A_106 = vector.extract_strided_slice %get3A_1 {offsets = [0, 8320], sizes = [32, 128], strides = [1, 1]} : vector<32x65536xf32> to vector<32x128xf32>
    %slice3A_107 = vector.extract_strided_slice %get3A_1 {offsets = [0, 8448], sizes = [32, 128], strides = [1, 1]} : vector<32x65536xf32> to vector<32x128xf32>
    %slice3A_108 = vector.extract_strided_slice %get3A_1 {offsets = [0, 8576], sizes = [32, 128], strides = [1, 1]} : vector<32x65536xf32> to vector<32x128xf32>
    %concatenate3A_109 = tpu.concatenate %slice3A_105, %slice3A_106, %slice3A_107, %slice3A_108 in 0 : vector<32x128xf32>, vector<32x128xf32>, vector<32x128xf32>, vector<32x128xf32> -> vector<128x128xf32>
    %dot_general3A_110 = arith.constant dense<0.000000e+00> : vector<128x128xf32>
    %dot_general3A_111 = tpu.matmul %select_n3A, %concatenate3A_109, %dot_general3A_110 {dimension_numbers = #tpu.dot_dimension_numbers<[1], [1], [0], [0], [0, 0, 1, 0], [], []>, transpose_lhs_hint = false} : vector<128x128xf32>, vector<128x128xf32>, vector<128x128xf32> -> vector<128x128xf32>
    %slice3A_112 = vector.extract_strided_slice %get3A_1 {offsets = [0, 8704], sizes = [32, 128], strides = [1, 1]} : vector<32x65536xf32> to vector<32x128xf32>
    %slice3A_113 = vector.extract_strided_slice %get3A_1 {offsets = [0, 8832], sizes = [32, 128], strides = [1, 1]} : vector<32x65536xf32> to vector<32x128xf32>
    %slice3A_114 = vector.extract_strided_slice %get3A_1 {offsets = [0, 8960], sizes = [32, 128], strides = [1, 1]} : vector<32x65536xf32> to vector<32x128xf32>
    %slice3A_115 = vector.extract_strided_slice %get3A_1 {offsets = [0, 9088], sizes = [32, 128], strides = [1, 1]} : vector<32x65536xf32> to vector<32x128xf32>
    %concatenate3A_116 = tpu.concatenate %slice3A_112, %slice3A_113, %slice3A_114, %slice3A_115 in 0 : vector<32x128xf32>, vector<32x128xf32>, vector<32x128xf32>, vector<32x128xf32> -> vector<128x128xf32>
    %transpose3A_117 = tpu.transpose %concatenate3A_116, [1, 0] : vector<128x128xf32> -> vector<128x128xf32>
    %slice3A_118 = vector.extract_strided_slice %get3A_1 {offsets = [0, 9216], sizes = [32, 128], strides = [1, 1]} : vector<32x65536xf32> to vector<32x128xf32>
    %slice3A_119 = vector.extract_strided_slice %get3A_1 {offsets = [0, 9344], sizes = [32, 128], strides = [1, 1]} : vector<32x65536xf32> to vector<32x128xf32>
    %slice3A_120 = vector.extract_strided_slice %get3A_1 {offsets = [0, 9472], sizes = [32, 128], strides = [1, 1]} : vector<32x65536xf32> to vector<32x128xf32>
    %slice3A_121 = vector.extract_strided_slice %get3A_1 {offsets = [0, 9600], sizes = [32, 128], strides = [1, 1]} : vector<32x65536xf32> to vector<32x128xf32>
    %concatenate3A_122 = tpu.concatenate %slice3A_118, %slice3A_119, %slice3A_120, %slice3A_121 in 0 : vector<32x128xf32>, vector<32x128xf32>, vector<32x128xf32>, vector<32x128xf32> -> vector<128x128xf32>
    %dot_general3A_123 = arith.constant dense<0.000000e+00> : vector<128x128xf32>
    %dot_general3A_124 = tpu.matmul %select_n3A, %concatenate3A_122, %dot_general3A_123 {dimension_numbers = #tpu.dot_dimension_numbers<[1], [1], [0], [0], [0, 0, 1, 0], [], []>, transpose_lhs_hint = false} : vector<128x128xf32>, vector<128x128xf32>, vector<128x128xf32> -> vector<128x128xf32>
    %slice3A_125 = vector.extract_strided_slice %get3A_1 {offsets = [0, 9728], sizes = [32, 128], strides = [1, 1]} : vector<32x65536xf32> to vector<32x128xf32>
    %slice3A_126 = vector.extract_strided_slice %get3A_1 {offsets = [0, 9856], sizes = [32, 128], strides = [1, 1]} : vector<32x65536xf32> to vector<32x128xf32>
    %slice3A_127 = vector.extract_strided_slice %get3A_1 {offsets = [0, 9984], sizes = [32, 128], strides = [1, 1]} : vector<32x65536xf32> to vector<32x128xf32>
    %slice3A_128 = vector.extract_strided_slice %get3A_1 {offsets = [0, 10112], sizes = [32, 128], strides = [1, 1]} : vector<32x65536xf32> to vector<32x128xf32>
    %concatenate3A_129 = tpu.concatenate %slice3A_125, %slice3A_126, %slice3A_127, %slice3A_128 in 0 : vector<32x128xf32>, vector<32x128xf32>, vector<32x128xf32>, vector<32x128xf32> -> vector<128x128xf32>
    %transpose3A_130 = tpu.transpose %concatenate3A_129, [1, 0] : vector<128x128xf32> -> vector<128x128xf32>
    %slice3A_131 = vector.extract_strided_slice %get3A_1 {offsets = [0, 10240], sizes = [32, 128], strides = [1, 1]} : vector<32x65536xf32> to vector<32x128xf32>
    %slice3A_132 = vector.extract_strided_slice %get3A_1 {offsets = [0, 10368], sizes = [32, 128], strides = [1, 1]} : vector<32x65536xf32> to vector<32x128xf32>
    %slice3A_133 = vector.extract_strided_slice %get3A_1 {offsets = [0, 10496], sizes = [32, 128], strides = [1, 1]} : vector<32x65536xf32> to vector<32x128xf32>
    %slice3A_134 = vector.extract_strided_slice %get3A_1 {offsets = [0, 10624], sizes = [32, 128], strides = [1, 1]} : vector<32x65536xf32> to vector<32x128xf32>
    %concatenate3A_135 = tpu.concatenate %slice3A_131, %slice3A_132, %slice3A_133, %slice3A_134 in 0 : vector<32x128xf32>, vector<32x128xf32>, vector<32x128xf32>, vector<32x128xf32> -> vector<128x128xf32>
    %dot_general3A_136 = arith.constant dense<0.000000e+00> : vector<128x128xf32>
    %dot_general3A_137 = tpu.matmul %select_n3A, %concatenate3A_135, %dot_general3A_136 {dimension_numbers = #tpu.dot_dimension_numbers<[1], [1], [0], [0], [0, 0, 1, 0], [], []>, transpose_lhs_hint = false} : vector<128x128xf32>, vector<128x128xf32>, vector<128x128xf32> -> vector<128x128xf32>
    %slice3A_138 = vector.extract_strided_slice %get3A_1 {offsets = [0, 10752], sizes = [32, 128], strides = [1, 1]} : vector<32x65536xf32> to vector<32x128xf32>
    %slice3A_139 = vector.extract_strided_slice %get3A_1 {offsets = [0, 10880], sizes = [32, 128], strides = [1, 1]} : vector<32x65536xf32> to vector<32x128xf32>
    %slice3A_140 = vector.extract_strided_slice %get3A_1 {offsets = [0, 11008], sizes = [32, 128], strides = [1, 1]} : vector<32x65536xf32> to vector<32x128xf32>
    %slice3A_141 = vector.extract_strided_slice %get3A_1 {offsets = [0, 11136], sizes = [32, 128], strides = [1, 1]} : vector<32x65536xf32> to vector<32x128xf32>
    %concatenate3A_142 = tpu.concatenate %slice3A_138, %slice3A_139, %slice3A_140, %slice3A_141 in 0 : vector<32x128xf32>, vector<32x128xf32>, vector<32x128xf32>, vector<32x128xf32> -> vector<128x128xf32>
    %transpose3A_143 = tpu.transpose %concatenate3A_142, [1, 0] : vector<128x128xf32> -> vector<128x128xf32>
    %slice3A_144 = vector.extract_strided_slice %get3A_1 {offsets = [0, 11264], sizes = [32, 128], strides = [1, 1]} : vector<32x65536xf32> to vector<32x128xf32>
    %slice3A_145 = vector.extract_strided_slice %get3A_1 {offsets = [0, 11392], sizes = [32, 128], strides = [1, 1]} : vector<32x65536xf32> to vector<32x128xf32>
    %slice3A_146 = vector.extract_strided_slice %get3A_1 {offsets = [0, 11520], sizes = [32, 128], strides = [1, 1]} : vector<32x65536xf32> to vector<32x128xf32>
    %slice3A_147 = vector.extract_strided_slice %get3A_1 {offsets = [0, 11648], sizes = [32, 128], strides = [1, 1]} : vector<32x65536xf32> to vector<32x128xf32>
    %concatenate3A_148 = tpu.concatenate %slice3A_144, %slice3A_145, %slice3A_146, %slice3A_147 in 0 : vector<32x128xf32>, vector<32x128xf32>, vector<32x128xf32>, vector<32x128xf32> -> vector<128x128xf32>
    %dot_general3A_149 = arith.constant dense<0.000000e+00> : vector<128x128xf32>
    %dot_general3A_150 = tpu.matmul %select_n3A, %concatenate3A_148, %dot_general3A_149 {dimension_numbers = #tpu.dot_dimension_numbers<[1], [1], [0], [0], [0, 0, 1, 0], [], []>, transpose_lhs_hint = false} : vector<128x128xf32>, vector<128x128xf32>, vector<128x128xf32> -> vector<128x128xf32>
    %slice3A_151 = vector.extract_strided_slice %get3A_1 {offsets = [0, 11776], sizes = [32, 128], strides = [1, 1]} : vector<32x65536xf32> to vector<32x128xf32>
    %slice3A_152 = vector.extract_strided_slice %get3A_1 {offsets = [0, 11904], sizes = [32, 128], strides = [1, 1]} : vector<32x65536xf32> to vector<32x128xf32>
    %slice3A_153 = vector.extract_strided_slice %get3A_1 {offsets = [0, 12032], sizes = [32, 128], strides = [1, 1]} : vector<32x65536xf32> to vector<32x128xf32>
    %slice3A_154 = vector.extract_strided_slice %get3A_1 {offsets = [0, 12160], sizes = [32, 128], strides = [1, 1]} : vector<32x65536xf32> to vector<32x128xf32>
    %concatenate3A_155 = tpu.concatenate %slice3A_151, %slice3A_152, %slice3A_153, %slice3A_154 in 0 : vector<32x128xf32>, vector<32x128xf32>, vector<32x128xf32>, vector<32x128xf32> -> vector<128x128xf32>
    %transpose3A_156 = tpu.transpose %concatenate3A_155, [1, 0] : vector<128x128xf32> -> vector<128x128xf32>
    %slice3A_157 = vector.extract_strided_slice %get3A_1 {offsets = [0, 12288], sizes = [32, 128], strides = [1, 1]} : vector<32x65536xf32> to vector<32x128xf32>
    %slice3A_158 = vector.extract_strided_slice %get3A_1 {offsets = [0, 12416], sizes = [32, 128], strides = [1, 1]} : vector<32x65536xf32> to vector<32x128xf32>
    %slice3A_159 = vector.extract_strided_slice %get3A_1 {offsets = [0, 12544], sizes = [32, 128], strides = [1, 1]} : vector<32x65536xf32> to vector<32x128xf32>
    %slice3A_160 = vector.extract_strided_slice %get3A_1 {offsets = [0, 12672], sizes = [32, 128], strides = [1, 1]} : vector<32x65536xf32> to vector<32x128xf32>
    %concatenate3A_161 = tpu.concatenate %slice3A_157, %slice3A_158, %slice3A_159, %slice3A_160 in 0 : vector<32x128xf32>, vector<32x128xf32>, vector<32x128xf32>, vector<32x128xf32> -> vector<128x128xf32>
    %dot_general3A_162 = arith.constant dense<0.000000e+00> : vector<128x128xf32>
    %dot_general3A_163 = tpu.matmul %select_n3A, %concatenate3A_161, %dot_general3A_162 {dimension_numbers = #tpu.dot_dimension_numbers<[1], [1], [0], [0], [0, 0, 1, 0], [], []>, transpose_lhs_hint = false} : vector<128x128xf32>, vector<128x128xf32>, vector<128x128xf32> -> vector<128x128xf32>
    %slice3A_164 = vector.extract_strided_slice %get3A_1 {offsets = [0, 12800], sizes = [32, 128], strides = [1, 1]} : vector<32x65536xf32> to vector<32x128xf32>
    %slice3A_165 = vector.extract_strided_slice %get3A_1 {offsets = [0, 12928], sizes = [32, 128], strides = [1, 1]} : vector<32x65536xf32> to vector<32x128xf32>
    %slice3A_166 = vector.extract_strided_slice %get3A_1 {offsets = [0, 13056], sizes = [32, 128], strides = [1, 1]} : vector<32x65536xf32> to vector<32x128xf32>
    %slice3A_167 = vector.extract_strided_slice %get3A_1 {offsets = [0, 13184], sizes = [32, 128], strides = [1, 1]} : vector<32x65536xf32> to vector<32x128xf32>
    %concatenate3A_168 = tpu.concatenate %slice3A_164, %slice3A_165, %slice3A_166, %slice3A_167 in 0 : vector<32x128xf32>, vector<32x128xf32>, vector<32x128xf32>, vector<32x128xf32> -> vector<128x128xf32>
    %transpose3A_169 = tpu.transpose %concatenate3A_168, [1, 0] : vector<128x128xf32> -> vector<128x128xf32>
    %slice3A_170 = vector.extract_strided_slice %get3A_1 {offsets = [0, 13312], sizes = [32, 128], strides = [1, 1]} : vector<32x65536xf32> to vector<32x128xf32>
    %slice3A_171 = vector.extract_strided_slice %get3A_1 {offsets = [0, 13440], sizes = [32, 128], strides = [1, 1]} : vector<32x65536xf32> to vector<32x128xf32>
    %slice3A_172 = vector.extract_strided_slice %get3A_1 {offsets = [0, 13568], sizes = [32, 128], strides = [1, 1]} : vector<32x65536xf32> to vector<32x128xf32>
    %slice3A_173 = vector.extract_strided_slice %get3A_1 {offsets = [0, 13696], sizes = [32, 128], strides = [1, 1]} : vector<32x65536xf32> to vector<32x128xf32>
    %concatenate3A_174 = tpu.concatenate %slice3A_170, %slice3A_171, %slice3A_172, %slice3A_173 in 0 : vector<32x128xf32>, vector<32x128xf32>, vector<32x128xf32>, vector<32x128xf32> -> vector<128x128xf32>
    %dot_general3A_175 = arith.constant dense<0.000000e+00> : vector<128x128xf32>
    %dot_general3A_176 = tpu.matmul %select_n3A, %concatenate3A_174, %dot_general3A_175 {dimension_numbers = #tpu.dot_dimension_numbers<[1], [1], [0], [0], [0, 0, 1, 0], [], []>, transpose_lhs_hint = false} : vector<128x128xf32>, vector<128x128xf32>, vector<128x128xf32> -> vector<128x128xf32>
    %slice3A_177 = vector.extract_strided_slice %get3A_1 {offsets = [0, 13824], sizes = [32, 128], strides = [1, 1]} : vector<32x65536xf32> to vector<32x128xf32>
    %slice3A_178 = vector.extract_strided_slice %get3A_1 {offsets = [0, 13952], sizes = [32, 128], strides = [1, 1]} : vector<32x65536xf32> to vector<32x128xf32>
    %slice3A_179 = vector.extract_strided_slice %get3A_1 {offsets = [0, 14080], sizes = [32, 128], strides = [1, 1]} : vector<32x65536xf32> to vector<32x128xf32>
    %slice3A_180 = vector.extract_strided_slice %get3A_1 {offsets = [0, 14208], sizes = [32, 128], strides = [1, 1]} : vector<32x65536xf32> to vector<32x128xf32>
    %concatenate3A_181 = tpu.concatenate %slice3A_177, %slice3A_178, %slice3A_179, %slice3A_180 in 0 : vector<32x128xf32>, vector<32x128xf32>, vector<32x128xf32>, vector<32x128xf32> -> vector<128x128xf32>
    %transpose3A_182 = tpu.transpose %concatenate3A_181, [1, 0] : vector<128x128xf32> -> vector<128x128xf32>
    %slice3A_183 = vector.extract_strided_slice %get3A_1 {offsets = [0, 14336], sizes = [32, 128], strides = [1, 1]} : vector<32x65536xf32> to vector<32x128xf32>
    %slice3A_184 = vector.extract_strided_slice %get3A_1 {offsets = [0, 14464], sizes = [32, 128], strides = [1, 1]} : vector<32x65536xf32> to vector<32x128xf32>
    %slice3A_185 = vector.extract_strided_slice %get3A_1 {offsets = [0, 14592], sizes = [32, 128], strides = [1, 1]} : vector<32x65536xf32> to vector<32x128xf32>
    %slice3A_186 = vector.extract_strided_slice %get3A_1 {offsets = [0, 14720], sizes = [32, 128], strides = [1, 1]} : vector<32x65536xf32> to vector<32x128xf32>
    %concatenate3A_187 = tpu.concatenate %slice3A_183, %slice3A_184, %slice3A_185, %slice3A_186 in 0 : vector<32x128xf32>, vector<32x128xf32>, vector<32x128xf32>, vector<32x128xf32> -> vector<128x128xf32>
    %dot_general3A_188 = arith.constant dense<0.000000e+00> : vector<128x128xf32>
    %dot_general3A_189 = tpu.matmul %select_n3A, %concatenate3A_187, %dot_general3A_188 {dimension_numbers = #tpu.dot_dimension_numbers<[1], [1], [0], [0], [0, 0, 1, 0], [], []>, transpose_lhs_hint = false} : vector<128x128xf32>, vector<128x128xf32>, vector<128x128xf32> -> vector<128x128xf32>
    %slice3A_190 = vector.extract_strided_slice %get3A_1 {offsets = [0, 14848], sizes = [32, 128], strides = [1, 1]} : vector<32x65536xf32> to vector<32x128xf32>
    %slice3A_191 = vector.extract_strided_slice %get3A_1 {offsets = [0, 14976], sizes = [32, 128], strides = [1, 1]} : vector<32x65536xf32> to vector<32x128xf32>
    %slice3A_192 = vector.extract_strided_slice %get3A_1 {offsets = [0, 15104], sizes = [32, 128], strides = [1, 1]} : vector<32x65536xf32> to vector<32x128xf32>
    %slice3A_193 = vector.extract_strided_slice %get3A_1 {offsets = [0, 15232], sizes = [32, 128], strides = [1, 1]} : vector<32x65536xf32> to vector<32x128xf32>
    %concatenate3A_194 = tpu.concatenate %slice3A_190, %slice3A_191, %slice3A_192, %slice3A_193 in 0 : vector<32x128xf32>, vector<32x128xf32>, vector<32x128xf32>, vector<32x128xf32> -> vector<128x128xf32>
    %transpose3A_195 = tpu.transpose %concatenate3A_194, [1, 0] : vector<128x128xf32> -> vector<128x128xf32>
    %slice3A_196 = vector.extract_strided_slice %get3A_1 {offsets = [0, 15360], sizes = [32, 128], strides = [1, 1]} : vector<32x65536xf32> to vector<32x128xf32>
    %slice3A_197 = vector.extract_strided_slice %get3A_1 {offsets = [0, 15488], sizes = [32, 128], strides = [1, 1]} : vector<32x65536xf32> to vector<32x128xf32>
    %slice3A_198 = vector.extract_strided_slice %get3A_1 {offsets = [0, 15616], sizes = [32, 128], strides = [1, 1]} : vector<32x65536xf32> to vector<32x128xf32>
    %slice3A_199 = vector.extract_strided_slice %get3A_1 {offsets = [0, 15744], sizes = [32, 128], strides = [1, 1]} : vector<32x65536xf32> to vector<32x128xf32>
    %concatenate3A_200 = tpu.concatenate %slice3A_196, %slice3A_197, %slice3A_198, %slice3A_199 in 0 : vector<32x128xf32>, vector<32x128xf32>, vector<32x128xf32>, vector<32x128xf32> -> vector<128x128xf32>
    %dot_general3A_201 = arith.constant dense<0.000000e+00> : vector<128x128xf32>
    %dot_general3A_202 = tpu.matmul %select_n3A, %concatenate3A_200, %dot_general3A_201 {dimension_numbers = #tpu.dot_dimension_numbers<[1], [1], [0], [0], [0, 0, 1, 0], [], []>, transpose_lhs_hint = false} : vector<128x128xf32>, vector<128x128xf32>, vector<128x128xf32> -> vector<128x128xf32>
    %slice3A_203 = vector.extract_strided_slice %get3A_1 {offsets = [0, 15872], sizes = [32, 128], strides = [1, 1]} : vector<32x65536xf32> to vector<32x128xf32>
    %slice3A_204 = vector.extract_strided_slice %get3A_1 {offsets = [0, 16000], sizes = [32, 128], strides = [1, 1]} : vector<32x65536xf32> to vector<32x128xf32>
    %slice3A_205 = vector.extract_strided_slice %get3A_1 {offsets = [0, 16128], sizes = [32, 128], strides = [1, 1]} : vector<32x65536xf32> to vector<32x128xf32>
    %slice3A_206 = vector.extract_strided_slice %get3A_1 {offsets = [0, 16256], sizes = [32, 128], strides = [1, 1]} : vector<32x65536xf32> to vector<32x128xf32>
    %concatenate3A_207 = tpu.concatenate %slice3A_203, %slice3A_204, %slice3A_205, %slice3A_206 in 0 : vector<32x128xf32>, vector<32x128xf32>, vector<32x128xf32>, vector<32x128xf32> -> vector<128x128xf32>
    %transpose3A_208 = tpu.transpose %concatenate3A_207, [1, 0] : vector<128x128xf32> -> vector<128x128xf32>
    %slice3A_209 = vector.extract_strided_slice %get3A_1 {offsets = [0, 16384], sizes = [32, 128], strides = [1, 1]} : vector<32x65536xf32> to vector<32x128xf32>
    %slice3A_210 = vector.extract_strided_slice %get3A_1 {offsets = [0, 16512], sizes = [32, 128], strides = [1, 1]} : vector<32x65536xf32> to vector<32x128xf32>
    %slice3A_211 = vector.extract_strided_slice %get3A_1 {offsets = [0, 16640], sizes = [32, 128], strides = [1, 1]} : vector<32x65536xf32> to vector<32x128xf32>
    %slice3A_212 = vector.extract_strided_slice %get3A_1 {offsets = [0, 16768], sizes = [32, 128], strides = [1, 1]} : vector<32x65536xf32> to vector<32x128xf32>
    %concatenate3A_213 = tpu.concatenate %slice3A_209, %slice3A_210, %slice3A_211, %slice3A_212 in 0 : vector<32x128xf32>, vector<32x128xf32>, vector<32x128xf32>, vector<32x128xf32> -> vector<128x128xf32>
    %dot_general3A_214 = arith.constant dense<0.000000e+00> : vector<128x128xf32>
    %dot_general3A_215 = tpu.matmul %select_n3A, %concatenate3A_213, %dot_general3A_214 {dimension_numbers = #tpu.dot_dimension_numbers<[1], [1], [0], [0], [0, 0, 1, 0], [], []>, transpose_lhs_hint = false} : vector<128x128xf32>, vector<128x128xf32>, vector<128x128xf32> -> vector<128x128xf32>
    %slice3A_216 = vector.extract_strided_slice %get3A_1 {offsets = [0, 16896], sizes = [32, 128], strides = [1, 1]} : vector<32x65536xf32> to vector<32x128xf32>
    %slice3A_217 = vector.extract_strided_slice %get3A_1 {offsets = [0, 17024], sizes = [32, 128], strides = [1, 1]} : vector<32x65536xf32> to vector<32x128xf32>
    %slice3A_218 = vector.extract_strided_slice %get3A_1 {offsets = [0, 17152], sizes = [32, 128], strides = [1, 1]} : vector<32x65536xf32> to vector<32x128xf32>
    %slice3A_219 = vector.extract_strided_slice %get3A_1 {offsets = [0, 17280], sizes = [32, 128], strides = [1, 1]} : vector<32x65536xf32> to vector<32x128xf32>
    %concatenate3A_220 = tpu.concatenate %slice3A_216, %slice3A_217, %slice3A_218, %slice3A_219 in 0 : vector<32x128xf32>, vector<32x128xf32>, vector<32x128xf32>, vector<32x128xf32> -> vector<128x128xf32>
    %transpose3A_221 = tpu.transpose %concatenate3A_220, [1, 0] : vector<128x128xf32> -> vector<128x128xf32>
    %slice3A_222 = vector.extract_strided_slice %get3A_1 {offsets = [0, 17408], sizes = [32, 128], strides = [1, 1]} : vector<32x65536xf32> to vector<32x128xf32>
    %slice3A_223 = vector.extract_strided_slice %get3A_1 {offsets = [0, 17536], sizes = [32, 128], strides = [1, 1]} : vector<32x65536xf32> to vector<32x128xf32>
    %slice3A_224 = vector.extract_strided_slice %get3A_1 {offsets = [0, 17664], sizes = [32, 128], strides = [1, 1]} : vector<32x65536xf32> to vector<32x128xf32>
    %slice3A_225 = vector.extract_strided_slice %get3A_1 {offsets = [0, 17792], sizes = [32, 128], strides = [1, 1]} : vector<32x65536xf32> to vector<32x128xf32>
    %concatenate3A_226 = tpu.concatenate %slice3A_222, %slice3A_223, %slice3A_224, %slice3A_225 in 0 : vector<32x128xf32>, vector<32x128xf32>, vector<32x128xf32>, vector<32x128xf32> -> vector<128x128xf32>
    %dot_general3A_227 = arith.constant dense<0.000000e+00> : vector<128x128xf32>
    %dot_general3A_228 = tpu.matmul %select_n3A, %concatenate3A_226, %dot_general3A_227 {dimension_numbers = #tpu.dot_dimension_numbers<[1], [1], [0], [0], [0, 0, 1, 0], [], []>, transpose_lhs_hint = false} : vector<128x128xf32>, vector<128x128xf32>, vector<128x128xf32> -> vector<128x128xf32>
    %slice3A_229 = vector.extract_strided_slice %get3A_1 {offsets = [0, 17920], sizes = [32, 128], strides = [1, 1]} : vector<32x65536xf32> to vector<32x128xf32>
    %slice3A_230 = vector.extract_strided_slice %get3A_1 {offsets = [0, 18048], sizes = [32, 128], strides = [1, 1]} : vector<32x65536xf32> to vector<32x128xf32>
    %slice3A_231 = vector.extract_strided_slice %get3A_1 {offsets = [0, 18176], sizes = [32, 128], strides = [1, 1]} : vector<32x65536xf32> to vector<32x128xf32>
    %slice3A_232 = vector.extract_strided_slice %get3A_1 {offsets = [0, 18304], sizes = [32, 128], strides = [1, 1]} : vector<32x65536xf32> to vector<32x128xf32>
    %concatenate3A_233 = tpu.concatenate %slice3A_229, %slice3A_230, %slice3A_231, %slice3A_232 in 0 : vector<32x128xf32>, vector<32x128xf32>, vector<32x128xf32>, vector<32x128xf32> -> vector<128x128xf32>
    %transpose3A_234 = tpu.transpose %concatenate3A_233, [1, 0] : vector<128x128xf32> -> vector<128x128xf32>
    %slice3A_235 = vector.extract_strided_slice %get3A_1 {offsets = [0, 18432], sizes = [32, 128], strides = [1, 1]} : vector<32x65536xf32> to vector<32x128xf32>
    %slice3A_236 = vector.extract_strided_slice %get3A_1 {offsets = [0, 18560], sizes = [32, 128], strides = [1, 1]} : vector<32x65536xf32> to vector<32x128xf32>
    %slice3A_237 = vector.extract_strided_slice %get3A_1 {offsets = [0, 18688], sizes = [32, 128], strides = [1, 1]} : vector<32x65536xf32> to vector<32x128xf32>
    %slice3A_238 = vector.extract_strided_slice %get3A_1 {offsets = [0, 18816], sizes = [32, 128], strides = [1, 1]} : vector<32x65536xf32> to vector<32x128xf32>
    %concatenate3A_239 = tpu.concatenate %slice3A_235, %slice3A_236, %slice3A_237, %slice3A_238 in 0 : vector<32x128xf32>, vector<32x128xf32>, vector<32x128xf32>, vector<32x128xf32> -> vector<128x128xf32>
    %dot_general3A_240 = arith.constant dense<0.000000e+00> : vector<128x128xf32>
    %dot_general3A_241 = tpu.matmul %select_n3A, %concatenate3A_239, %dot_general3A_240 {dimension_numbers = #tpu.dot_dimension_numbers<[1], [1], [0], [0], [0, 0, 1, 0], [], []>, transpose_lhs_hint = false} : vector<128x128xf32>, vector<128x128xf32>, vector<128x128xf32> -> vector<128x128xf32>
    %slice3A_242 = vector.extract_strided_slice %get3A_1 {offsets = [0, 18944], sizes = [32, 128], strides = [1, 1]} : vector<32x65536xf32> to vector<32x128xf32>
    %slice3A_243 = vector.extract_strided_slice %get3A_1 {offsets = [0, 19072], sizes = [32, 128], strides = [1, 1]} : vector<32x65536xf32> to vector<32x128xf32>
    %slice3A_244 = vector.extract_strided_slice %get3A_1 {offsets = [0, 19200], sizes = [32, 128], strides = [1, 1]} : vector<32x65536xf32> to vector<32x128xf32>
    %slice3A_245 = vector.extract_strided_slice %get3A_1 {offsets = [0, 19328], sizes = [32, 128], strides = [1, 1]} : vector<32x65536xf32> to vector<32x128xf32>
    %concatenate3A_246 = tpu.concatenate %slice3A_242, %slice3A_243, %slice3A_244, %slice3A_245 in 0 : vector<32x128xf32>, vector<32x128xf32>, vector<32x128xf32>, vector<32x128xf32> -> vector<128x128xf32>
    %transpose3A_247 = tpu.transpose %concatenate3A_246, [1, 0] : vector<128x128xf32> -> vector<128x128xf32>
    %slice3A_248 = vector.extract_strided_slice %get3A_1 {offsets = [0, 19456], sizes = [32, 128], strides = [1, 1]} : vector<32x65536xf32> to vector<32x128xf32>
    %slice3A_249 = vector.extract_strided_slice %get3A_1 {offsets = [0, 19584], sizes = [32, 128], strides = [1, 1]} : vector<32x65536xf32> to vector<32x128xf32>
    %slice3A_250 = vector.extract_strided_slice %get3A_1 {offsets = [0, 19712], sizes = [32, 128], strides = [1, 1]} : vector<32x65536xf32> to vector<32x128xf32>
    %slice3A_251 = vector.extract_strided_slice %get3A_1 {offsets = [0, 19840], sizes = [32, 128], strides = [1, 1]} : vector<32x65536xf32> to vector<32x128xf32>
    %concatenate3A_252 = tpu.concatenate %slice3A_248, %slice3A_249, %slice3A_250, %slice3A_251 in 0 : vector<32x128xf32>, vector<32x128xf32>, vector<32x128xf32>, vector<32x128xf32> -> vector<128x128xf32>
    %dot_general3A_253 = arith.constant dense<0.000000e+00> : vector<128x128xf32>
    %dot_general3A_254 = tpu.matmul %select_n3A, %concatenate3A_252, %dot_general3A_253 {dimension_numbers = #tpu.dot_dimension_numbers<[1], [1], [0], [0], [0, 0, 1, 0], [], []>, transpose_lhs_hint = false} : vector<128x128xf32>, vector<128x128xf32>, vector<128x128xf32> -> vector<128x128xf32>
    %slice3A_255 = vector.extract_strided_slice %get3A_1 {offsets = [0, 19968], sizes = [32, 128], strides = [1, 1]} : vector<32x65536xf32> to vector<32x128xf32>
    %slice3A_256 = vector.extract_strided_slice %get3A_1 {offsets = [0, 20096], sizes = [32, 128], strides = [1, 1]} : vector<32x65536xf32> to vector<32x128xf32>
    %slice3A_257 = vector.extract_strided_slice %get3A_1 {offsets = [0, 20224], sizes = [32, 128], strides = [1, 1]} : vector<32x65536xf32> to vector<32x128xf32>
    %slice3A_258 = vector.extract_strided_slice %get3A_1 {offsets = [0, 20352], sizes = [32, 128], strides = [1, 1]} : vector<32x65536xf32> to vector<32x128xf32>
    %concatenate3A_259 = tpu.concatenate %slice3A_255, %slice3A_256, %slice3A_257, %slice3A_258 in 0 : vector<32x128xf32>, vector<32x128xf32>, vector<32x128xf32>, vector<32x128xf32> -> vector<128x128xf32>
    %transpose3A_260 = tpu.transpose %concatenate3A_259, [1, 0] : vector<128x128xf32> -> vector<128x128xf32>
    %slice3A_261 = vector.extract_strided_slice %get3A_1 {offsets = [0, 20480], sizes = [32, 128], strides = [1, 1]} : vector<32x65536xf32> to vector<32x128xf32>
    %slice3A_262 = vector.extract_strided_slice %get3A_1 {offsets = [0, 20608], sizes = [32, 128], strides = [1, 1]} : vector<32x65536xf32> to vector<32x128xf32>
    %slice3A_263 = vector.extract_strided_slice %get3A_1 {offsets = [0, 20736], sizes = [32, 128], strides = [1, 1]} : vector<32x65536xf32> to vector<32x128xf32>
    %slice3A_264 = vector.extract_strided_slice %get3A_1 {offsets = [0, 20864], sizes = [32, 128], strides = [1, 1]} : vector<32x65536xf32> to vector<32x128xf32>
    %concatenate3A_265 = tpu.concatenate %slice3A_261, %slice3A_262, %slice3A_263, %slice3A_264 in 0 : vector<32x128xf32>, vector<32x128xf32>, vector<32x128xf32>, vector<32x128xf32> -> vector<128x128xf32>
    %dot_general3A_266 = arith.constant dense<0.000000e+00> : vector<128x128xf32>
    %dot_general3A_267 = tpu.matmul %select_n3A, %concatenate3A_265, %dot_general3A_266 {dimension_numbers = #tpu.dot_dimension_numbers<[1], [1], [0], [0], [0, 0, 1, 0], [], []>, transpose_lhs_hint = false} : vector<128x128xf32>, vector<128x128xf32>, vector<128x128xf32> -> vector<128x128xf32>
    %slice3A_268 = vector.extract_strided_slice %get3A_1 {offsets = [0, 20992], sizes = [32, 128], strides = [1, 1]} : vector<32x65536xf32> to vector<32x128xf32>
    %slice3A_269 = vector.extract_strided_slice %get3A_1 {offsets = [0, 21120], sizes = [32, 128], strides = [1, 1]} : vector<32x65536xf32> to vector<32x128xf32>
    %slice3A_270 = vector.extract_strided_slice %get3A_1 {offsets = [0, 21248], sizes = [32, 128], strides = [1, 1]} : vector<32x65536xf32> to vector<32x128xf32>
    %slice3A_271 = vector.extract_strided_slice %get3A_1 {offsets = [0, 21376], sizes = [32, 128], strides = [1, 1]} : vector<32x65536xf32> to vector<32x128xf32>
    %concatenate3A_272 = tpu.concatenate %slice3A_268, %slice3A_269, %slice3A_270, %slice3A_271 in 0 : vector<32x128xf32>, vector<32x128xf32>, vector<32x128xf32>, vector<32x128xf32> -> vector<128x128xf32>
    %transpose3A_273 = tpu.transpose %concatenate3A_272, [1, 0] : vector<128x128xf32> -> vector<128x128xf32>
    %slice3A_274 = vector.extract_strided_slice %get3A_1 {offsets = [0, 21504], sizes = [32, 128], strides = [1, 1]} : vector<32x65536xf32> to vector<32x128xf32>
    %slice3A_275 = vector.extract_strided_slice %get3A_1 {offsets = [0, 21632], sizes = [32, 128], strides = [1, 1]} : vector<32x65536xf32> to vector<32x128xf32>
    %slice3A_276 = vector.extract_strided_slice %get3A_1 {offsets = [0, 21760], sizes = [32, 128], strides = [1, 1]} : vector<32x65536xf32> to vector<32x128xf32>
    %slice3A_277 = vector.extract_strided_slice %get3A_1 {offsets = [0, 21888], sizes = [32, 128], strides = [1, 1]} : vector<32x65536xf32> to vector<32x128xf32>
    %concatenate3A_278 = tpu.concatenate %slice3A_274, %slice3A_275, %slice3A_276, %slice3A_277 in 0 : vector<32x128xf32>, vector<32x128xf32>, vector<32x128xf32>, vector<32x128xf32> -> vector<128x128xf32>
    %dot_general3A_279 = arith.constant dense<0.000000e+00> : vector<128x128xf32>
    %dot_general3A_280 = tpu.matmul %select_n3A, %concatenate3A_278, %dot_general3A_279 {dimension_numbers = #tpu.dot_dimension_numbers<[1], [1], [0], [0], [0, 0, 1, 0], [], []>, transpose_lhs_hint = false} : vector<128x128xf32>, vector<128x128xf32>, vector<128x128xf32> -> vector<128x128xf32>
    %slice3A_281 = vector.extract_strided_slice %get3A_1 {offsets = [0, 22016], sizes = [32, 128], strides = [1, 1]} : vector<32x65536xf32> to vector<32x128xf32>
    %slice3A_282 = vector.extract_strided_slice %get3A_1 {offsets = [0, 22144], sizes = [32, 128], strides = [1, 1]} : vector<32x65536xf32> to vector<32x128xf32>
    %slice3A_283 = vector.extract_strided_slice %get3A_1 {offsets = [0, 22272], sizes = [32, 128], strides = [1, 1]} : vector<32x65536xf32> to vector<32x128xf32>
    %slice3A_284 = vector.extract_strided_slice %get3A_1 {offsets = [0, 22400], sizes = [32, 128], strides = [1, 1]} : vector<32x65536xf32> to vector<32x128xf32>
    %concatenate3A_285 = tpu.concatenate %slice3A_281, %slice3A_282, %slice3A_283, %slice3A_284 in 0 : vector<32x128xf32>, vector<32x128xf32>, vector<32x128xf32>, vector<32x128xf32> -> vector<128x128xf32>
    %transpose3A_286 = tpu.transpose %concatenate3A_285, [1, 0] : vector<128x128xf32> -> vector<128x128xf32>
    %slice3A_287 = vector.extract_strided_slice %get3A_1 {offsets = [0, 22528], sizes = [32, 128], strides = [1, 1]} : vector<32x65536xf32> to vector<32x128xf32>
    %slice3A_288 = vector.extract_strided_slice %get3A_1 {offsets = [0, 22656], sizes = [32, 128], strides = [1, 1]} : vector<32x65536xf32> to vector<32x128xf32>
    %slice3A_289 = vector.extract_strided_slice %get3A_1 {offsets = [0, 22784], sizes = [32, 128], strides = [1, 1]} : vector<32x65536xf32> to vector<32x128xf32>
    %slice3A_290 = vector.extract_strided_slice %get3A_1 {offsets = [0, 22912], sizes = [32, 128], strides = [1, 1]} : vector<32x65536xf32> to vector<32x128xf32>
    %concatenate3A_291 = tpu.concatenate %slice3A_287, %slice3A_288, %slice3A_289, %slice3A_290 in 0 : vector<32x128xf32>, vector<32x128xf32>, vector<32x128xf32>, vector<32x128xf32> -> vector<128x128xf32>
    %dot_general3A_292 = arith.constant dense<0.000000e+00> : vector<128x128xf32>
    %dot_general3A_293 = tpu.matmul %select_n3A, %concatenate3A_291, %dot_general3A_292 {dimension_numbers = #tpu.dot_dimension_numbers<[1], [1], [0], [0], [0, 0, 1, 0], [], []>, transpose_lhs_hint = false} : vector<128x128xf32>, vector<128x128xf32>, vector<128x128xf32> -> vector<128x128xf32>
    %slice3A_294 = vector.extract_strided_slice %get3A_1 {offsets = [0, 23040], sizes = [32, 128], strides = [1, 1]} : vector<32x65536xf32> to vector<32x128xf32>
    %slice3A_295 = vector.extract_strided_slice %get3A_1 {offsets = [0, 23168], sizes = [32, 128], strides = [1, 1]} : vector<32x65536xf32> to vector<32x128xf32>
    %slice3A_296 = vector.extract_strided_slice %get3A_1 {offsets = [0, 23296], sizes = [32, 128], strides = [1, 1]} : vector<32x65536xf32> to vector<32x128xf32>
    %slice3A_297 = vector.extract_strided_slice %get3A_1 {offsets = [0, 23424], sizes = [32, 128], strides = [1, 1]} : vector<32x65536xf32> to vector<32x128xf32>
    %concatenate3A_298 = tpu.concatenate %slice3A_294, %slice3A_295, %slice3A_296, %slice3A_297 in 0 : vector<32x128xf32>, vector<32x128xf32>, vector<32x128xf32>, vector<32x128xf32> -> vector<128x128xf32>
    %transpose3A_299 = tpu.transpose %concatenate3A_298, [1, 0] : vector<128x128xf32> -> vector<128x128xf32>
    %slice3A_300 = vector.extract_strided_slice %get3A_1 {offsets = [0, 23552], sizes = [32, 128], strides = [1, 1]} : vector<32x65536xf32> to vector<32x128xf32>
    %slice3A_301 = vector.extract_strided_slice %get3A_1 {offsets = [0, 23680], sizes = [32, 128], strides = [1, 1]} : vector<32x65536xf32> to vector<32x128xf32>
    %slice3A_302 = vector.extract_strided_slice %get3A_1 {offsets = [0, 23808], sizes = [32, 128], strides = [1, 1]} : vector<32x65536xf32> to vector<32x128xf32>
    %slice3A_303 = vector.extract_strided_slice %get3A_1 {offsets = [0, 23936], sizes = [32, 128], strides = [1, 1]} : vector<32x65536xf32> to vector<32x128xf32>
    %concatenate3A_304 = tpu.concatenate %slice3A_300, %slice3A_301, %slice3A_302, %slice3A_303 in 0 : vector<32x128xf32>, vector<32x128xf32>, vector<32x128xf32>, vector<32x128xf32> -> vector<128x128xf32>
    %dot_general3A_305 = arith.constant dense<0.000000e+00> : vector<128x128xf32>
    %dot_general3A_306 = tpu.matmul %select_n3A, %concatenate3A_304, %dot_general3A_305 {dimension_numbers = #tpu.dot_dimension_numbers<[1], [1], [0], [0], [0, 0, 1, 0], [], []>, transpose_lhs_hint = false} : vector<128x128xf32>, vector<128x128xf32>, vector<128x128xf32> -> vector<128x128xf32>
    %slice3A_307 = vector.extract_strided_slice %get3A_1 {offsets = [0, 24064], sizes = [32, 128], strides = [1, 1]} : vector<32x65536xf32> to vector<32x128xf32>
    %slice3A_308 = vector.extract_strided_slice %get3A_1 {offsets = [0, 24192], sizes = [32, 128], strides = [1, 1]} : vector<32x65536xf32> to vector<32x128xf32>
    %slice3A_309 = vector.extract_strided_slice %get3A_1 {offsets = [0, 24320], sizes = [32, 128], strides = [1, 1]} : vector<32x65536xf32> to vector<32x128xf32>
    %slice3A_310 = vector.extract_strided_slice %get3A_1 {offsets = [0, 24448], sizes = [32, 128], strides = [1, 1]} : vector<32x65536xf32> to vector<32x128xf32>
    %concatenate3A_311 = tpu.concatenate %slice3A_307, %slice3A_308, %slice3A_309, %slice3A_310 in 0 : vector<32x128xf32>, vector<32x128xf32>, vector<32x128xf32>, vector<32x128xf32> -> vector<128x128xf32>
    %transpose3A_312 = tpu.transpose %concatenate3A_311, [1, 0] : vector<128x128xf32> -> vector<128x128xf32>
    %slice3A_313 = vector.extract_strided_slice %get3A_1 {offsets = [0, 24576], sizes = [32, 128], strides = [1, 1]} : vector<32x65536xf32> to vector<32x128xf32>
    %slice3A_314 = vector.extract_strided_slice %get3A_1 {offsets = [0, 24704], sizes = [32, 128], strides = [1, 1]} : vector<32x65536xf32> to vector<32x128xf32>
    %slice3A_315 = vector.extract_strided_slice %get3A_1 {offsets = [0, 24832], sizes = [32, 128], strides = [1, 1]} : vector<32x65536xf32> to vector<32x128xf32>
    %slice3A_316 = vector.extract_strided_slice %get3A_1 {offsets = [0, 24960], sizes = [32, 128], strides = [1, 1]} : vector<32x65536xf32> to vector<32x128xf32>
    %concatenate3A_317 = tpu.concatenate %slice3A_313, %slice3A_314, %slice3A_315, %slice3A_316 in 0 : vector<32x128xf32>, vector<32x128xf32>, vector<32x128xf32>, vector<32x128xf32> -> vector<128x128xf32>
    %dot_general3A_318 = arith.constant dense<0.000000e+00> : vector<128x128xf32>
    %dot_general3A_319 = tpu.matmul %select_n3A, %concatenate3A_317, %dot_general3A_318 {dimension_numbers = #tpu.dot_dimension_numbers<[1], [1], [0], [0], [0, 0, 1, 0], [], []>, transpose_lhs_hint = false} : vector<128x128xf32>, vector<128x128xf32>, vector<128x128xf32> -> vector<128x128xf32>
    %slice3A_320 = vector.extract_strided_slice %get3A_1 {offsets = [0, 25088], sizes = [32, 128], strides = [1, 1]} : vector<32x65536xf32> to vector<32x128xf32>
    %slice3A_321 = vector.extract_strided_slice %get3A_1 {offsets = [0, 25216], sizes = [32, 128], strides = [1, 1]} : vector<32x65536xf32> to vector<32x128xf32>
    %slice3A_322 = vector.extract_strided_slice %get3A_1 {offsets = [0, 25344], sizes = [32, 128], strides = [1, 1]} : vector<32x65536xf32> to vector<32x128xf32>
    %slice3A_323 = vector.extract_strided_slice %get3A_1 {offsets = [0, 25472], sizes = [32, 128], strides = [1, 1]} : vector<32x65536xf32> to vector<32x128xf32>
    %concatenate3A_324 = tpu.concatenate %slice3A_320, %slice3A_321, %slice3A_322, %slice3A_323 in 0 : vector<32x128xf32>, vector<32x128xf32>, vector<32x128xf32>, vector<32x128xf32> -> vector<128x128xf32>
    %transpose3A_325 = tpu.transpose %concatenate3A_324, [1, 0] : vector<128x128xf32> -> vector<128x128xf32>
    %slice3A_326 = vector.extract_strided_slice %get3A_1 {offsets = [0, 25600], sizes = [32, 128], strides = [1, 1]} : vector<32x65536xf32> to vector<32x128xf32>
    %slice3A_327 = vector.extract_strided_slice %get3A_1 {offsets = [0, 25728], sizes = [32, 128], strides = [1, 1]} : vector<32x65536xf32> to vector<32x128xf32>
    %slice3A_328 = vector.extract_strided_slice %get3A_1 {offsets = [0, 25856], sizes = [32, 128], strides = [1, 1]} : vector<32x65536xf32> to vector<32x128xf32>
    %slice3A_329 = vector.extract_strided_slice %get3A_1 {offsets = [0, 25984], sizes = [32, 128], strides = [1, 1]} : vector<32x65536xf32> to vector<32x128xf32>
    %concatenate3A_330 = tpu.concatenate %slice3A_326, %slice3A_327, %slice3A_328, %slice3A_329 in 0 : vector<32x128xf32>, vector<32x128xf32>, vector<32x128xf32>, vector<32x128xf32> -> vector<128x128xf32>
    %dot_general3A_331 = arith.constant dense<0.000000e+00> : vector<128x128xf32>
    %dot_general3A_332 = tpu.matmul %select_n3A, %concatenate3A_330, %dot_general3A_331 {dimension_numbers = #tpu.dot_dimension_numbers<[1], [1], [0], [0], [0, 0, 1, 0], [], []>, transpose_lhs_hint = false} : vector<128x128xf32>, vector<128x128xf32>, vector<128x128xf32> -> vector<128x128xf32>
    %slice3A_333 = vector.extract_strided_slice %get3A_1 {offsets = [0, 26112], sizes = [32, 128], strides = [1, 1]} : vector<32x65536xf32> to vector<32x128xf32>
    %slice3A_334 = vector.extract_strided_slice %get3A_1 {offsets = [0, 26240], sizes = [32, 128], strides = [1, 1]} : vector<32x65536xf32> to vector<32x128xf32>
    %slice3A_335 = vector.extract_strided_slice %get3A_1 {offsets = [0, 26368], sizes = [32, 128], strides = [1, 1]} : vector<32x65536xf32> to vector<32x128xf32>
    %slice3A_336 = vector.extract_strided_slice %get3A_1 {offsets = [0, 26496], sizes = [32, 128], strides = [1, 1]} : vector<32x65536xf32> to vector<32x128xf32>
    %concatenate3A_337 = tpu.concatenate %slice3A_333, %slice3A_334, %slice3A_335, %slice3A_336 in 0 : vector<32x128xf32>, vector<32x128xf32>, vector<32x128xf32>, vector<32x128xf32> -> vector<128x128xf32>
    %transpose3A_338 = tpu.transpose %concatenate3A_337, [1, 0] : vector<128x128xf32> -> vector<128x128xf32>
    %slice3A_339 = vector.extract_strided_slice %get3A_1 {offsets = [0, 26624], sizes = [32, 128], strides = [1, 1]} : vector<32x65536xf32> to vector<32x128xf32>
    %slice3A_340 = vector.extract_strided_slice %get3A_1 {offsets = [0, 26752], sizes = [32, 128], strides = [1, 1]} : vector<32x65536xf32> to vector<32x128xf32>
    %slice3A_341 = vector.extract_strided_slice %get3A_1 {offsets = [0, 26880], sizes = [32, 128], strides = [1, 1]} : vector<32x65536xf32> to vector<32x128xf32>
    %slice3A_342 = vector.extract_strided_slice %get3A_1 {offsets = [0, 27008], sizes = [32, 128], strides = [1, 1]} : vector<32x65536xf32> to vector<32x128xf32>
    %concatenate3A_343 = tpu.concatenate %slice3A_339, %slice3A_340, %slice3A_341, %slice3A_342 in 0 : vector<32x128xf32>, vector<32x128xf32>, vector<32x128xf32>, vector<32x128xf32> -> vector<128x128xf32>
    %dot_general3A_344 = arith.constant dense<0.000000e+00> : vector<128x128xf32>
    %dot_general3A_345 = tpu.matmul %select_n3A, %concatenate3A_343, %dot_general3A_344 {dimension_numbers = #tpu.dot_dimension_numbers<[1], [1], [0], [0], [0, 0, 1, 0], [], []>, transpose_lhs_hint = false} : vector<128x128xf32>, vector<128x128xf32>, vector<128x128xf32> -> vector<128x128xf32>
    %slice3A_346 = vector.extract_strided_slice %get3A_1 {offsets = [0, 27136], sizes = [32, 128], strides = [1, 1]} : vector<32x65536xf32> to vector<32x128xf32>
    %slice3A_347 = vector.extract_strided_slice %get3A_1 {offsets = [0, 27264], sizes = [32, 128], strides = [1, 1]} : vector<32x65536xf32> to vector<32x128xf32>
    %slice3A_348 = vector.extract_strided_slice %get3A_1 {offsets = [0, 27392], sizes = [32, 128], strides = [1, 1]} : vector<32x65536xf32> to vector<32x128xf32>
    %slice3A_349 = vector.extract_strided_slice %get3A_1 {offsets = [0, 27520], sizes = [32, 128], strides = [1, 1]} : vector<32x65536xf32> to vector<32x128xf32>
    %concatenate3A_350 = tpu.concatenate %slice3A_346, %slice3A_347, %slice3A_348, %slice3A_349 in 0 : vector<32x128xf32>, vector<32x128xf32>, vector<32x128xf32>, vector<32x128xf32> -> vector<128x128xf32>
    %transpose3A_351 = tpu.transpose %concatenate3A_350, [1, 0] : vector<128x128xf32> -> vector<128x128xf32>
    %slice3A_352 = vector.extract_strided_slice %get3A_1 {offsets = [0, 27648], sizes = [32, 128], strides = [1, 1]} : vector<32x65536xf32> to vector<32x128xf32>
    %slice3A_353 = vector.extract_strided_slice %get3A_1 {offsets = [0, 27776], sizes = [32, 128], strides = [1, 1]} : vector<32x65536xf32> to vector<32x128xf32>
    %slice3A_354 = vector.extract_strided_slice %get3A_1 {offsets = [0, 27904], sizes = [32, 128], strides = [1, 1]} : vector<32x65536xf32> to vector<32x128xf32>
    %slice3A_355 = vector.extract_strided_slice %get3A_1 {offsets = [0, 28032], sizes = [32, 128], strides = [1, 1]} : vector<32x65536xf32> to vector<32x128xf32>
    %concatenate3A_356 = tpu.concatenate %slice3A_352, %slice3A_353, %slice3A_354, %slice3A_355 in 0 : vector<32x128xf32>, vector<32x128xf32>, vector<32x128xf32>, vector<32x128xf32> -> vector<128x128xf32>
    %dot_general3A_357 = arith.constant dense<0.000000e+00> : vector<128x128xf32>
    %dot_general3A_358 = tpu.matmul %select_n3A, %concatenate3A_356, %dot_general3A_357 {dimension_numbers = #tpu.dot_dimension_numbers<[1], [1], [0], [0], [0, 0, 1, 0], [], []>, transpose_lhs_hint = false} : vector<128x128xf32>, vector<128x128xf32>, vector<128x128xf32> -> vector<128x128xf32>
    %slice3A_359 = vector.extract_strided_slice %get3A_1 {offsets = [0, 28160], sizes = [32, 128], strides = [1, 1]} : vector<32x65536xf32> to vector<32x128xf32>
    %slice3A_360 = vector.extract_strided_slice %get3A_1 {offsets = [0, 28288], sizes = [32, 128], strides = [1, 1]} : vector<32x65536xf32> to vector<32x128xf32>
    %slice3A_361 = vector.extract_strided_slice %get3A_1 {offsets = [0, 28416], sizes = [32, 128], strides = [1, 1]} : vector<32x65536xf32> to vector<32x128xf32>
    %slice3A_362 = vector.extract_strided_slice %get3A_1 {offsets = [0, 28544], sizes = [32, 128], strides = [1, 1]} : vector<32x65536xf32> to vector<32x128xf32>
    %concatenate3A_363 = tpu.concatenate %slice3A_359, %slice3A_360, %slice3A_361, %slice3A_362 in 0 : vector<32x128xf32>, vector<32x128xf32>, vector<32x128xf32>, vector<32x128xf32> -> vector<128x128xf32>
    %transpose3A_364 = tpu.transpose %concatenate3A_363, [1, 0] : vector<128x128xf32> -> vector<128x128xf32>
    %slice3A_365 = vector.extract_strided_slice %get3A_1 {offsets = [0, 28672], sizes = [32, 128], strides = [1, 1]} : vector<32x65536xf32> to vector<32x128xf32>
    %slice3A_366 = vector.extract_strided_slice %get3A_1 {offsets = [0, 28800], sizes = [32, 128], strides = [1, 1]} : vector<32x65536xf32> to vector<32x128xf32>
    %slice3A_367 = vector.extract_strided_slice %get3A_1 {offsets = [0, 28928], sizes = [32, 128], strides = [1, 1]} : vector<32x65536xf32> to vector<32x128xf32>
    %slice3A_368 = vector.extract_strided_slice %get3A_1 {offsets = [0, 29056], sizes = [32, 128], strides = [1, 1]} : vector<32x65536xf32> to vector<32x128xf32>
    %concatenate3A_369 = tpu.concatenate %slice3A_365, %slice3A_366, %slice3A_367, %slice3A_368 in 0 : vector<32x128xf32>, vector<32x128xf32>, vector<32x128xf32>, vector<32x128xf32> -> vector<128x128xf32>
    %dot_general3A_370 = arith.constant dense<0.000000e+00> : vector<128x128xf32>
    %dot_general3A_371 = tpu.matmul %select_n3A, %concatenate3A_369, %dot_general3A_370 {dimension_numbers = #tpu.dot_dimension_numbers<[1], [1], [0], [0], [0, 0, 1, 0], [], []>, transpose_lhs_hint = false} : vector<128x128xf32>, vector<128x128xf32>, vector<128x128xf32> -> vector<128x128xf32>
    %slice3A_372 = vector.extract_strided_slice %get3A_1 {offsets = [0, 29184], sizes = [32, 128], strides = [1, 1]} : vector<32x65536xf32> to vector<32x128xf32>
    %slice3A_373 = vector.extract_strided_slice %get3A_1 {offsets = [0, 29312], sizes = [32, 128], strides = [1, 1]} : vector<32x65536xf32> to vector<32x128xf32>
    %slice3A_374 = vector.extract_strided_slice %get3A_1 {offsets = [0, 29440], sizes = [32, 128], strides = [1, 1]} : vector<32x65536xf32> to vector<32x128xf32>
    %slice3A_375 = vector.extract_strided_slice %get3A_1 {offsets = [0, 29568], sizes = [32, 128], strides = [1, 1]} : vector<32x65536xf32> to vector<32x128xf32>
    %concatenate3A_376 = tpu.concatenate %slice3A_372, %slice3A_373, %slice3A_374, %slice3A_375 in 0 : vector<32x128xf32>, vector<32x128xf32>, vector<32x128xf32>, vector<32x128xf32> -> vector<128x128xf32>
    %transpose3A_377 = tpu.transpose %concatenate3A_376, [1, 0] : vector<128x128xf32> -> vector<128x128xf32>
    %slice3A_378 = vector.extract_strided_slice %get3A_1 {offsets = [0, 29696], sizes = [32, 128], strides = [1, 1]} : vector<32x65536xf32> to vector<32x128xf32>
    %slice3A_379 = vector.extract_strided_slice %get3A_1 {offsets = [0, 29824], sizes = [32, 128], strides = [1, 1]} : vector<32x65536xf32> to vector<32x128xf32>
    %slice3A_380 = vector.extract_strided_slice %get3A_1 {offsets = [0, 29952], sizes = [32, 128], strides = [1, 1]} : vector<32x65536xf32> to vector<32x128xf32>
    %slice3A_381 = vector.extract_strided_slice %get3A_1 {offsets = [0, 30080], sizes = [32, 128], strides = [1, 1]} : vector<32x65536xf32> to vector<32x128xf32>
    %concatenate3A_382 = tpu.concatenate %slice3A_378, %slice3A_379, %slice3A_380, %slice3A_381 in 0 : vector<32x128xf32>, vector<32x128xf32>, vector<32x128xf32>, vector<32x128xf32> -> vector<128x128xf32>
    %dot_general3A_383 = arith.constant dense<0.000000e+00> : vector<128x128xf32>
    %dot_general3A_384 = tpu.matmul %select_n3A, %concatenate3A_382, %dot_general3A_383 {dimension_numbers = #tpu.dot_dimension_numbers<[1], [1], [0], [0], [0, 0, 1, 0], [], []>, transpose_lhs_hint = false} : vector<128x128xf32>, vector<128x128xf32>, vector<128x128xf32> -> vector<128x128xf32>
    %slice3A_385 = vector.extract_strided_slice %get3A_1 {offsets = [0, 30208], sizes = [32, 128], strides = [1, 1]} : vector<32x65536xf32> to vector<32x128xf32>
    %slice3A_386 = vector.extract_strided_slice %get3A_1 {offsets = [0, 30336], sizes = [32, 128], strides = [1, 1]} : vector<32x65536xf32> to vector<32x128xf32>
    %slice3A_387 = vector.extract_strided_slice %get3A_1 {offsets = [0, 30464], sizes = [32, 128], strides = [1, 1]} : vector<32x65536xf32> to vector<32x128xf32>
    %slice3A_388 = vector.extract_strided_slice %get3A_1 {offsets = [0, 30592], sizes = [32, 128], strides = [1, 1]} : vector<32x65536xf32> to vector<32x128xf32>
    %concatenate3A_389 = tpu.concatenate %slice3A_385, %slice3A_386, %slice3A_387, %slice3A_388 in 0 : vector<32x128xf32>, vector<32x128xf32>, vector<32x128xf32>, vector<32x128xf32> -> vector<128x128xf32>
    %transpose3A_390 = tpu.transpose %concatenate3A_389, [1, 0] : vector<128x128xf32> -> vector<128x128xf32>
    %slice3A_391 = vector.extract_strided_slice %get3A_1 {offsets = [0, 30720], sizes = [32, 128], strides = [1, 1]} : vector<32x65536xf32> to vector<32x128xf32>
    %slice3A_392 = vector.extract_strided_slice %get3A_1 {offsets = [0, 30848], sizes = [32, 128], strides = [1, 1]} : vector<32x65536xf32> to vector<32x128xf32>
    %slice3A_393 = vector.extract_strided_slice %get3A_1 {offsets = [0, 30976], sizes = [32, 128], strides = [1, 1]} : vector<32x65536xf32> to vector<32x128xf32>
    %slice3A_394 = vector.extract_strided_slice %get3A_1 {offsets = [0, 31104], sizes = [32, 128], strides = [1, 1]} : vector<32x65536xf32> to vector<32x128xf32>
    %concatenate3A_395 = tpu.concatenate %slice3A_391, %slice3A_392, %slice3A_393, %slice3A_394 in 0 : vector<32x128xf32>, vector<32x128xf32>, vector<32x128xf32>, vector<32x128xf32> -> vector<128x128xf32>
    %dot_general3A_396 = arith.constant dense<0.000000e+00> : vector<128x128xf32>
    %dot_general3A_397 = tpu.matmul %select_n3A, %concatenate3A_395, %dot_general3A_396 {dimension_numbers = #tpu.dot_dimension_numbers<[1], [1], [0], [0], [0, 0, 1, 0], [], []>, transpose_lhs_hint = false} : vector<128x128xf32>, vector<128x128xf32>, vector<128x128xf32> -> vector<128x128xf32>
    %slice3A_398 = vector.extract_strided_slice %get3A_1 {offsets = [0, 31232], sizes = [32, 128], strides = [1, 1]} : vector<32x65536xf32> to vector<32x128xf32>
    %slice3A_399 = vector.extract_strided_slice %get3A_1 {offsets = [0, 31360], sizes = [32, 128], strides = [1, 1]} : vector<32x65536xf32> to vector<32x128xf32>
    %slice3A_400 = vector.extract_strided_slice %get3A_1 {offsets = [0, 31488], sizes = [32, 128], strides = [1, 1]} : vector<32x65536xf32> to vector<32x128xf32>
    %slice3A_401 = vector.extract_strided_slice %get3A_1 {offsets = [0, 31616], sizes = [32, 128], strides = [1, 1]} : vector<32x65536xf32> to vector<32x128xf32>
    %concatenate3A_402 = tpu.concatenate %slice3A_398, %slice3A_399, %slice3A_400, %slice3A_401 in 0 : vector<32x128xf32>, vector<32x128xf32>, vector<32x128xf32>, vector<32x128xf32> -> vector<128x128xf32>
    %transpose3A_403 = tpu.transpose %concatenate3A_402, [1, 0] : vector<128x128xf32> -> vector<128x128xf32>
    %slice3A_404 = vector.extract_strided_slice %get3A_1 {offsets = [0, 31744], sizes = [32, 128], strides = [1, 1]} : vector<32x65536xf32> to vector<32x128xf32>
    %slice3A_405 = vector.extract_strided_slice %get3A_1 {offsets = [0, 31872], sizes = [32, 128], strides = [1, 1]} : vector<32x65536xf32> to vector<32x128xf32>
    %slice3A_406 = vector.extract_strided_slice %get3A_1 {offsets = [0, 32000], sizes = [32, 128], strides = [1, 1]} : vector<32x65536xf32> to vector<32x128xf32>
    %slice3A_407 = vector.extract_strided_slice %get3A_1 {offsets = [0, 32128], sizes = [32, 128], strides = [1, 1]} : vector<32x65536xf32> to vector<32x128xf32>
    %concatenate3A_408 = tpu.concatenate %slice3A_404, %slice3A_405, %slice3A_406, %slice3A_407 in 0 : vector<32x128xf32>, vector<32x128xf32>, vector<32x128xf32>, vector<32x128xf32> -> vector<128x128xf32>
    %dot_general3A_409 = arith.constant dense<0.000000e+00> : vector<128x128xf32>
    %dot_general3A_410 = tpu.matmul %select_n3A, %concatenate3A_408, %dot_general3A_409 {dimension_numbers = #tpu.dot_dimension_numbers<[1], [1], [0], [0], [0, 0, 1, 0], [], []>, transpose_lhs_hint = false} : vector<128x128xf32>, vector<128x128xf32>, vector<128x128xf32> -> vector<128x128xf32>
    %slice3A_411 = vector.extract_strided_slice %get3A_1 {offsets = [0, 32256], sizes = [32, 128], strides = [1, 1]} : vector<32x65536xf32> to vector<32x128xf32>
    %slice3A_412 = vector.extract_strided_slice %get3A_1 {offsets = [0, 32384], sizes = [32, 128], strides = [1, 1]} : vector<32x65536xf32> to vector<32x128xf32>
    %slice3A_413 = vector.extract_strided_slice %get3A_1 {offsets = [0, 32512], sizes = [32, 128], strides = [1, 1]} : vector<32x65536xf32> to vector<32x128xf32>
    %slice3A_414 = vector.extract_strided_slice %get3A_1 {offsets = [0, 32640], sizes = [32, 128], strides = [1, 1]} : vector<32x65536xf32> to vector<32x128xf32>
    %concatenate3A_415 = tpu.concatenate %slice3A_411, %slice3A_412, %slice3A_413, %slice3A_414 in 0 : vector<32x128xf32>, vector<32x128xf32>, vector<32x128xf32>, vector<32x128xf32> -> vector<128x128xf32>
    %transpose3A_416 = tpu.transpose %concatenate3A_415, [1, 0] : vector<128x128xf32> -> vector<128x128xf32>
    %slice3A_417 = vector.extract_strided_slice %get3A_1 {offsets = [0, 32768], sizes = [32, 128], strides = [1, 1]} : vector<32x65536xf32> to vector<32x128xf32>
    %slice3A_418 = vector.extract_strided_slice %get3A_1 {offsets = [0, 32896], sizes = [32, 128], strides = [1, 1]} : vector<32x65536xf32> to vector<32x128xf32>
    %slice3A_419 = vector.extract_strided_slice %get3A_1 {offsets = [0, 33024], sizes = [32, 128], strides = [1, 1]} : vector<32x65536xf32> to vector<32x128xf32>
    %slice3A_420 = vector.extract_strided_slice %get3A_1 {offsets = [0, 33152], sizes = [32, 128], strides = [1, 1]} : vector<32x65536xf32> to vector<32x128xf32>
    %concatenate3A_421 = tpu.concatenate %slice3A_417, %slice3A_418, %slice3A_419, %slice3A_420 in 0 : vector<32x128xf32>, vector<32x128xf32>, vector<32x128xf32>, vector<32x128xf32> -> vector<128x128xf32>
    %dot_general3A_422 = arith.constant dense<0.000000e+00> : vector<128x128xf32>
    %dot_general3A_423 = tpu.matmul %select_n3A, %concatenate3A_421, %dot_general3A_422 {dimension_numbers = #tpu.dot_dimension_numbers<[1], [1], [0], [0], [0, 0, 1, 0], [], []>, transpose_lhs_hint = false} : vector<128x128xf32>, vector<128x128xf32>, vector<128x128xf32> -> vector<128x128xf32>
    %slice3A_424 = vector.extract_strided_slice %get3A_1 {offsets = [0, 33280], sizes = [32, 128], strides = [1, 1]} : vector<32x65536xf32> to vector<32x128xf32>
    %slice3A_425 = vector.extract_strided_slice %get3A_1 {offsets = [0, 33408], sizes = [32, 128], strides = [1, 1]} : vector<32x65536xf32> to vector<32x128xf32>
    %slice3A_426 = vector.extract_strided_slice %get3A_1 {offsets = [0, 33536], sizes = [32, 128], strides = [1, 1]} : vector<32x65536xf32> to vector<32x128xf32>
    %slice3A_427 = vector.extract_strided_slice %get3A_1 {offsets = [0, 33664], sizes = [32, 128], strides = [1, 1]} : vector<32x65536xf32> to vector<32x128xf32>
    %concatenate3A_428 = tpu.concatenate %slice3A_424, %slice3A_425, %slice3A_426, %slice3A_427 in 0 : vector<32x128xf32>, vector<32x128xf32>, vector<32x128xf32>, vector<32x128xf32> -> vector<128x128xf32>
    %transpose3A_429 = tpu.transpose %concatenate3A_428, [1, 0] : vector<128x128xf32> -> vector<128x128xf32>
    %slice3A_430 = vector.extract_strided_slice %get3A_1 {offsets = [0, 33792], sizes = [32, 128], strides = [1, 1]} : vector<32x65536xf32> to vector<32x128xf32>
    %slice3A_431 = vector.extract_strided_slice %get3A_1 {offsets = [0, 33920], sizes = [32, 128], strides = [1, 1]} : vector<32x65536xf32> to vector<32x128xf32>
    %slice3A_432 = vector.extract_strided_slice %get3A_1 {offsets = [0, 34048], sizes = [32, 128], strides = [1, 1]} : vector<32x65536xf32> to vector<32x128xf32>
    %slice3A_433 = vector.extract_strided_slice %get3A_1 {offsets = [0, 34176], sizes = [32, 128], strides = [1, 1]} : vector<32x65536xf32> to vector<32x128xf32>
    %concatenate3A_434 = tpu.concatenate %slice3A_430, %slice3A_431, %slice3A_432, %slice3A_433 in 0 : vector<32x128xf32>, vector<32x128xf32>, vector<32x128xf32>, vector<32x128xf32> -> vector<128x128xf32>
    %dot_general3A_435 = arith.constant dense<0.000000e+00> : vector<128x128xf32>
    %dot_general3A_436 = tpu.matmul %select_n3A, %concatenate3A_434, %dot_general3A_435 {dimension_numbers = #tpu.dot_dimension_numbers<[1], [1], [0], [0], [0, 0, 1, 0], [], []>, transpose_lhs_hint = false} : vector<128x128xf32>, vector<128x128xf32>, vector<128x128xf32> -> vector<128x128xf32>
    %slice3A_437 = vector.extract_strided_slice %get3A_1 {offsets = [0, 34304], sizes = [32, 128], strides = [1, 1]} : vector<32x65536xf32> to vector<32x128xf32>
    %slice3A_438 = vector.extract_strided_slice %get3A_1 {offsets = [0, 34432], sizes = [32, 128], strides = [1, 1]} : vector<32x65536xf32> to vector<32x128xf32>
    %slice3A_439 = vector.extract_strided_slice %get3A_1 {offsets = [0, 34560], sizes = [32, 128], strides = [1, 1]} : vector<32x65536xf32> to vector<32x128xf32>
    %slice3A_440 = vector.extract_strided_slice %get3A_1 {offsets = [0, 34688], sizes = [32, 128], strides = [1, 1]} : vector<32x65536xf32> to vector<32x128xf32>
    %concatenate3A_441 = tpu.concatenate %slice3A_437, %slice3A_438, %slice3A_439, %slice3A_440 in 0 : vector<32x128xf32>, vector<32x128xf32>, vector<32x128xf32>, vector<32x128xf32> -> vector<128x128xf32>
    %transpose3A_442 = tpu.transpose %concatenate3A_441, [1, 0] : vector<128x128xf32> -> vector<128x128xf32>
    %slice3A_443 = vector.extract_strided_slice %get3A_1 {offsets = [0, 34816], sizes = [32, 128], strides = [1, 1]} : vector<32x65536xf32> to vector<32x128xf32>
    %slice3A_444 = vector.extract_strided_slice %get3A_1 {offsets = [0, 34944], sizes = [32, 128], strides = [1, 1]} : vector<32x65536xf32> to vector<32x128xf32>
    %slice3A_445 = vector.extract_strided_slice %get3A_1 {offsets = [0, 35072], sizes = [32, 128], strides = [1, 1]} : vector<32x65536xf32> to vector<32x128xf32>
    %slice3A_446 = vector.extract_strided_slice %get3A_1 {offsets = [0, 35200], sizes = [32, 128], strides = [1, 1]} : vector<32x65536xf32> to vector<32x128xf32>
    %concatenate3A_447 = tpu.concatenate %slice3A_443, %slice3A_444, %slice3A_445, %slice3A_446 in 0 : vector<32x128xf32>, vector<32x128xf32>, vector<32x128xf32>, vector<32x128xf32> -> vector<128x128xf32>
    %dot_general3A_448 = arith.constant dense<0.000000e+00> : vector<128x128xf32>
    %dot_general3A_449 = tpu.matmul %select_n3A, %concatenate3A_447, %dot_general3A_448 {dimension_numbers = #tpu.dot_dimension_numbers<[1], [1], [0], [0], [0, 0, 1, 0], [], []>, transpose_lhs_hint = false} : vector<128x128xf32>, vector<128x128xf32>, vector<128x128xf32> -> vector<128x128xf32>
    %slice3A_450 = vector.extract_strided_slice %get3A_1 {offsets = [0, 35328], sizes = [32, 128], strides = [1, 1]} : vector<32x65536xf32> to vector<32x128xf32>
    %slice3A_451 = vector.extract_strided_slice %get3A_1 {offsets = [0, 35456], sizes = [32, 128], strides = [1, 1]} : vector<32x65536xf32> to vector<32x128xf32>
    %slice3A_452 = vector.extract_strided_slice %get3A_1 {offsets = [0, 35584], sizes = [32, 128], strides = [1, 1]} : vector<32x65536xf32> to vector<32x128xf32>
    %slice3A_453 = vector.extract_strided_slice %get3A_1 {offsets = [0, 35712], sizes = [32, 128], strides = [1, 1]} : vector<32x65536xf32> to vector<32x128xf32>
    %concatenate3A_454 = tpu.concatenate %slice3A_450, %slice3A_451, %slice3A_452, %slice3A_453 in 0 : vector<32x128xf32>, vector<32x128xf32>, vector<32x128xf32>, vector<32x128xf32> -> vector<128x128xf32>
    %transpose3A_455 = tpu.transpose %concatenate3A_454, [1, 0] : vector<128x128xf32> -> vector<128x128xf32>
    %slice3A_456 = vector.extract_strided_slice %get3A_1 {offsets = [0, 35840], sizes = [32, 128], strides = [1, 1]} : vector<32x65536xf32> to vector<32x128xf32>
    %slice3A_457 = vector.extract_strided_slice %get3A_1 {offsets = [0, 35968], sizes = [32, 128], strides = [1, 1]} : vector<32x65536xf32> to vector<32x128xf32>
    %slice3A_458 = vector.extract_strided_slice %get3A_1 {offsets = [0, 36096], sizes = [32, 128], strides = [1, 1]} : vector<32x65536xf32> to vector<32x128xf32>
    %slice3A_459 = vector.extract_strided_slice %get3A_1 {offsets = [0, 36224], sizes = [32, 128], strides = [1, 1]} : vector<32x65536xf32> to vector<32x128xf32>
    %concatenate3A_460 = tpu.concatenate %slice3A_456, %slice3A_457, %slice3A_458, %slice3A_459 in 0 : vector<32x128xf32>, vector<32x128xf32>, vector<32x128xf32>, vector<32x128xf32> -> vector<128x128xf32>
    %dot_general3A_461 = arith.constant dense<0.000000e+00> : vector<128x128xf32>
    %dot_general3A_462 = tpu.matmul %select_n3A, %concatenate3A_460, %dot_general3A_461 {dimension_numbers = #tpu.dot_dimension_numbers<[1], [1], [0], [0], [0, 0, 1, 0], [], []>, transpose_lhs_hint = false} : vector<128x128xf32>, vector<128x128xf32>, vector<128x128xf32> -> vector<128x128xf32>
    %slice3A_463 = vector.extract_strided_slice %get3A_1 {offsets = [0, 36352], sizes = [32, 128], strides = [1, 1]} : vector<32x65536xf32> to vector<32x128xf32>
    %slice3A_464 = vector.extract_strided_slice %get3A_1 {offsets = [0, 36480], sizes = [32, 128], strides = [1, 1]} : vector<32x65536xf32> to vector<32x128xf32>
    %slice3A_465 = vector.extract_strided_slice %get3A_1 {offsets = [0, 36608], sizes = [32, 128], strides = [1, 1]} : vector<32x65536xf32> to vector<32x128xf32>
    %slice3A_466 = vector.extract_strided_slice %get3A_1 {offsets = [0, 36736], sizes = [32, 128], strides = [1, 1]} : vector<32x65536xf32> to vector<32x128xf32>
    %concatenate3A_467 = tpu.concatenate %slice3A_463, %slice3A_464, %slice3A_465, %slice3A_466 in 0 : vector<32x128xf32>, vector<32x128xf32>, vector<32x128xf32>, vector<32x128xf32> -> vector<128x128xf32>
    %transpose3A_468 = tpu.transpose %concatenate3A_467, [1, 0] : vector<128x128xf32> -> vector<128x128xf32>
    %slice3A_469 = vector.extract_strided_slice %get3A_1 {offsets = [0, 36864], sizes = [32, 128], strides = [1, 1]} : vector<32x65536xf32> to vector<32x128xf32>
    %slice3A_470 = vector.extract_strided_slice %get3A_1 {offsets = [0, 36992], sizes = [32, 128], strides = [1, 1]} : vector<32x65536xf32> to vector<32x128xf32>
    %slice3A_471 = vector.extract_strided_slice %get3A_1 {offsets = [0, 37120], sizes = [32, 128], strides = [1, 1]} : vector<32x65536xf32> to vector<32x128xf32>
    %slice3A_472 = vector.extract_strided_slice %get3A_1 {offsets = [0, 37248], sizes = [32, 128], strides = [1, 1]} : vector<32x65536xf32> to vector<32x128xf32>
    %concatenate3A_473 = tpu.concatenate %slice3A_469, %slice3A_470, %slice3A_471, %slice3A_472 in 0 : vector<32x128xf32>, vector<32x128xf32>, vector<32x128xf32>, vector<32x128xf32> -> vector<128x128xf32>
    %dot_general3A_474 = arith.constant dense<0.000000e+00> : vector<128x128xf32>
    %dot_general3A_475 = tpu.matmul %select_n3A, %concatenate3A_473, %dot_general3A_474 {dimension_numbers = #tpu.dot_dimension_numbers<[1], [1], [0], [0], [0, 0, 1, 0], [], []>, transpose_lhs_hint = false} : vector<128x128xf32>, vector<128x128xf32>, vector<128x128xf32> -> vector<128x128xf32>
    %slice3A_476 = vector.extract_strided_slice %get3A_1 {offsets = [0, 37376], sizes = [32, 128], strides = [1, 1]} : vector<32x65536xf32> to vector<32x128xf32>
    %slice3A_477 = vector.extract_strided_slice %get3A_1 {offsets = [0, 37504], sizes = [32, 128], strides = [1, 1]} : vector<32x65536xf32> to vector<32x128xf32>
    %slice3A_478 = vector.extract_strided_slice %get3A_1 {offsets = [0, 37632], sizes = [32, 128], strides = [1, 1]} : vector<32x65536xf32> to vector<32x128xf32>
    %slice3A_479 = vector.extract_strided_slice %get3A_1 {offsets = [0, 37760], sizes = [32, 128], strides = [1, 1]} : vector<32x65536xf32> to vector<32x128xf32>
    %concatenate3A_480 = tpu.concatenate %slice3A_476, %slice3A_477, %slice3A_478, %slice3A_479 in 0 : vector<32x128xf32>, vector<32x128xf32>, vector<32x128xf32>, vector<32x128xf32> -> vector<128x128xf32>
    %transpose3A_481 = tpu.transpose %concatenate3A_480, [1, 0] : vector<128x128xf32> -> vector<128x128xf32>
    %slice3A_482 = vector.extract_strided_slice %get3A_1 {offsets = [0, 37888], sizes = [32, 128], strides = [1, 1]} : vector<32x65536xf32> to vector<32x128xf32>
    %slice3A_483 = vector.extract_strided_slice %get3A_1 {offsets = [0, 38016], sizes = [32, 128], strides = [1, 1]} : vector<32x65536xf32> to vector<32x128xf32>
    %slice3A_484 = vector.extract_strided_slice %get3A_1 {offsets = [0, 38144], sizes = [32, 128], strides = [1, 1]} : vector<32x65536xf32> to vector<32x128xf32>
    %slice3A_485 = vector.extract_strided_slice %get3A_1 {offsets = [0, 38272], sizes = [32, 128], strides = [1, 1]} : vector<32x65536xf32> to vector<32x128xf32>
    %concatenate3A_486 = tpu.concatenate %slice3A_482, %slice3A_483, %slice3A_484, %slice3A_485 in 0 : vector<32x128xf32>, vector<32x128xf32>, vector<32x128xf32>, vector<32x128xf32> -> vector<128x128xf32>
    %dot_general3A_487 = arith.constant dense<0.000000e+00> : vector<128x128xf32>
    %dot_general3A_488 = tpu.matmul %select_n3A, %concatenate3A_486, %dot_general3A_487 {dimension_numbers = #tpu.dot_dimension_numbers<[1], [1], [0], [0], [0, 0, 1, 0], [], []>, transpose_lhs_hint = false} : vector<128x128xf32>, vector<128x128xf32>, vector<128x128xf32> -> vector<128x128xf32>
    %slice3A_489 = vector.extract_strided_slice %get3A_1 {offsets = [0, 38400], sizes = [32, 128], strides = [1, 1]} : vector<32x65536xf32> to vector<32x128xf32>
    %slice3A_490 = vector.extract_strided_slice %get3A_1 {offsets = [0, 38528], sizes = [32, 128], strides = [1, 1]} : vector<32x65536xf32> to vector<32x128xf32>
    %slice3A_491 = vector.extract_strided_slice %get3A_1 {offsets = [0, 38656], sizes = [32, 128], strides = [1, 1]} : vector<32x65536xf32> to vector<32x128xf32>
    %slice3A_492 = vector.extract_strided_slice %get3A_1 {offsets = [0, 38784], sizes = [32, 128], strides = [1, 1]} : vector<32x65536xf32> to vector<32x128xf32>
    %concatenate3A_493 = tpu.concatenate %slice3A_489, %slice3A_490, %slice3A_491, %slice3A_492 in 0 : vector<32x128xf32>, vector<32x128xf32>, vector<32x128xf32>, vector<32x128xf32> -> vector<128x128xf32>
    %transpose3A_494 = tpu.transpose %concatenate3A_493, [1, 0] : vector<128x128xf32> -> vector<128x128xf32>
    %slice3A_495 = vector.extract_strided_slice %get3A_1 {offsets = [0, 38912], sizes = [32, 128], strides = [1, 1]} : vector<32x65536xf32> to vector<32x128xf32>
    %slice3A_496 = vector.extract_strided_slice %get3A_1 {offsets = [0, 39040], sizes = [32, 128], strides = [1, 1]} : vector<32x65536xf32> to vector<32x128xf32>
    %slice3A_497 = vector.extract_strided_slice %get3A_1 {offsets = [0, 39168], sizes = [32, 128], strides = [1, 1]} : vector<32x65536xf32> to vector<32x128xf32>
    %slice3A_498 = vector.extract_strided_slice %get3A_1 {offsets = [0, 39296], sizes = [32, 128], strides = [1, 1]} : vector<32x65536xf32> to vector<32x128xf32>
    %concatenate3A_499 = tpu.concatenate %slice3A_495, %slice3A_496, %slice3A_497, %slice3A_498 in 0 : vector<32x128xf32>, vector<32x128xf32>, vector<32x128xf32>, vector<32x128xf32> -> vector<128x128xf32>
    %dot_general3A_500 = arith.constant dense<0.000000e+00> : vector<128x128xf32>
    %dot_general3A_501 = tpu.matmul %select_n3A, %concatenate3A_499, %dot_general3A_500 {dimension_numbers = #tpu.dot_dimension_numbers<[1], [1], [0], [0], [0, 0, 1, 0], [], []>, transpose_lhs_hint = false} : vector<128x128xf32>, vector<128x128xf32>, vector<128x128xf32> -> vector<128x128xf32>
    %slice3A_502 = vector.extract_strided_slice %get3A_1 {offsets = [0, 39424], sizes = [32, 128], strides = [1, 1]} : vector<32x65536xf32> to vector<32x128xf32>
    %slice3A_503 = vector.extract_strided_slice %get3A_1 {offsets = [0, 39552], sizes = [32, 128], strides = [1, 1]} : vector<32x65536xf32> to vector<32x128xf32>
    %slice3A_504 = vector.extract_strided_slice %get3A_1 {offsets = [0, 39680], sizes = [32, 128], strides = [1, 1]} : vector<32x65536xf32> to vector<32x128xf32>
    %slice3A_505 = vector.extract_strided_slice %get3A_1 {offsets = [0, 39808], sizes = [32, 128], strides = [1, 1]} : vector<32x65536xf32> to vector<32x128xf32>
    %concatenate3A_506 = tpu.concatenate %slice3A_502, %slice3A_503, %slice3A_504, %slice3A_505 in 0 : vector<32x128xf32>, vector<32x128xf32>, vector<32x128xf32>, vector<32x128xf32> -> vector<128x128xf32>
    %transpose3A_507 = tpu.transpose %concatenate3A_506, [1, 0] : vector<128x128xf32> -> vector<128x128xf32>
    %slice3A_508 = vector.extract_strided_slice %get3A_1 {offsets = [0, 39936], sizes = [32, 128], strides = [1, 1]} : vector<32x65536xf32> to vector<32x128xf32>
    %slice3A_509 = vector.extract_strided_slice %get3A_1 {offsets = [0, 40064], sizes = [32, 128], strides = [1, 1]} : vector<32x65536xf32> to vector<32x128xf32>
    %slice3A_510 = vector.extract_strided_slice %get3A_1 {offsets = [0, 40192], sizes = [32, 128], strides = [1, 1]} : vector<32x65536xf32> to vector<32x128xf32>
    %slice3A_511 = vector.extract_strided_slice %get3A_1 {offsets = [0, 40320], sizes = [32, 128], strides = [1, 1]} : vector<32x65536xf32> to vector<32x128xf32>
    %concatenate3A_512 = tpu.concatenate %slice3A_508, %slice3A_509, %slice3A_510, %slice3A_511 in 0 : vector<32x128xf32>, vector<32x128xf32>, vector<32x128xf32>, vector<32x128xf32> -> vector<128x128xf32>
    %dot_general3A_513 = arith.constant dense<0.000000e+00> : vector<128x128xf32>
    %dot_general3A_514 = tpu.matmul %select_n3A, %concatenate3A_512, %dot_general3A_513 {dimension_numbers = #tpu.dot_dimension_numbers<[1], [1], [0], [0], [0, 0, 1, 0], [], []>, transpose_lhs_hint = false} : vector<128x128xf32>, vector<128x128xf32>, vector<128x128xf32> -> vector<128x128xf32>
    %slice3A_515 = vector.extract_strided_slice %get3A_1 {offsets = [0, 40448], sizes = [32, 128], strides = [1, 1]} : vector<32x65536xf32> to vector<32x128xf32>
    %slice3A_516 = vector.extract_strided_slice %get3A_1 {offsets = [0, 40576], sizes = [32, 128], strides = [1, 1]} : vector<32x65536xf32> to vector<32x128xf32>
    %slice3A_517 = vector.extract_strided_slice %get3A_1 {offsets = [0, 40704], sizes = [32, 128], strides = [1, 1]} : vector<32x65536xf32> to vector<32x128xf32>
    %slice3A_518 = vector.extract_strided_slice %get3A_1 {offsets = [0, 40832], sizes = [32, 128], strides = [1, 1]} : vector<32x65536xf32> to vector<32x128xf32>
    %concatenate3A_519 = tpu.concatenate %slice3A_515, %slice3A_516, %slice3A_517, %slice3A_518 in 0 : vector<32x128xf32>, vector<32x128xf32>, vector<32x128xf32>, vector<32x128xf32> -> vector<128x128xf32>
    %transpose3A_520 = tpu.transpose %concatenate3A_519, [1, 0] : vector<128x128xf32> -> vector<128x128xf32>
    %slice3A_521 = vector.extract_strided_slice %get3A_1 {offsets = [0, 40960], sizes = [32, 128], strides = [1, 1]} : vector<32x65536xf32> to vector<32x128xf32>
    %slice3A_522 = vector.extract_strided_slice %get3A_1 {offsets = [0, 41088], sizes = [32, 128], strides = [1, 1]} : vector<32x65536xf32> to vector<32x128xf32>
    %slice3A_523 = vector.extract_strided_slice %get3A_1 {offsets = [0, 41216], sizes = [32, 128], strides = [1, 1]} : vector<32x65536xf32> to vector<32x128xf32>
    %slice3A_524 = vector.extract_strided_slice %get3A_1 {offsets = [0, 41344], sizes = [32, 128], strides = [1, 1]} : vector<32x65536xf32> to vector<32x128xf32>
    %concatenate3A_525 = tpu.concatenate %slice3A_521, %slice3A_522, %slice3A_523, %slice3A_524 in 0 : vector<32x128xf32>, vector<32x128xf32>, vector<32x128xf32>, vector<32x128xf32> -> vector<128x128xf32>
    %dot_general3A_526 = arith.constant dense<0.000000e+00> : vector<128x128xf32>
    %dot_general3A_527 = tpu.matmul %select_n3A, %concatenate3A_525, %dot_general3A_526 {dimension_numbers = #tpu.dot_dimension_numbers<[1], [1], [0], [0], [0, 0, 1, 0], [], []>, transpose_lhs_hint = false} : vector<128x128xf32>, vector<128x128xf32>, vector<128x128xf32> -> vector<128x128xf32>
    %slice3A_528 = vector.extract_strided_slice %get3A_1 {offsets = [0, 41472], sizes = [32, 128], strides = [1, 1]} : vector<32x65536xf32> to vector<32x128xf32>
    %slice3A_529 = vector.extract_strided_slice %get3A_1 {offsets = [0, 41600], sizes = [32, 128], strides = [1, 1]} : vector<32x65536xf32> to vector<32x128xf32>
    %slice3A_530 = vector.extract_strided_slice %get3A_1 {offsets = [0, 41728], sizes = [32, 128], strides = [1, 1]} : vector<32x65536xf32> to vector<32x128xf32>
    %slice3A_531 = vector.extract_strided_slice %get3A_1 {offsets = [0, 41856], sizes = [32, 128], strides = [1, 1]} : vector<32x65536xf32> to vector<32x128xf32>
    %concatenate3A_532 = tpu.concatenate %slice3A_528, %slice3A_529, %slice3A_530, %slice3A_531 in 0 : vector<32x128xf32>, vector<32x128xf32>, vector<32x128xf32>, vector<32x128xf32> -> vector<128x128xf32>
    %transpose3A_533 = tpu.transpose %concatenate3A_532, [1, 0] : vector<128x128xf32> -> vector<128x128xf32>
    %slice3A_534 = vector.extract_strided_slice %get3A_1 {offsets = [0, 41984], sizes = [32, 128], strides = [1, 1]} : vector<32x65536xf32> to vector<32x128xf32>
    %slice3A_535 = vector.extract_strided_slice %get3A_1 {offsets = [0, 42112], sizes = [32, 128], strides = [1, 1]} : vector<32x65536xf32> to vector<32x128xf32>
    %slice3A_536 = vector.extract_strided_slice %get3A_1 {offsets = [0, 42240], sizes = [32, 128], strides = [1, 1]} : vector<32x65536xf32> to vector<32x128xf32>
    %slice3A_537 = vector.extract_strided_slice %get3A_1 {offsets = [0, 42368], sizes = [32, 128], strides = [1, 1]} : vector<32x65536xf32> to vector<32x128xf32>
    %concatenate3A_538 = tpu.concatenate %slice3A_534, %slice3A_535, %slice3A_536, %slice3A_537 in 0 : vector<32x128xf32>, vector<32x128xf32>, vector<32x128xf32>, vector<32x128xf32> -> vector<128x128xf32>
    %dot_general3A_539 = arith.constant dense<0.000000e+00> : vector<128x128xf32>
    %dot_general3A_540 = tpu.matmul %select_n3A, %concatenate3A_538, %dot_general3A_539 {dimension_numbers = #tpu.dot_dimension_numbers<[1], [1], [0], [0], [0, 0, 1, 0], [], []>, transpose_lhs_hint = false} : vector<128x128xf32>, vector<128x128xf32>, vector<128x128xf32> -> vector<128x128xf32>
    %slice3A_541 = vector.extract_strided_slice %get3A_1 {offsets = [0, 42496], sizes = [32, 128], strides = [1, 1]} : vector<32x65536xf32> to vector<32x128xf32>
    %slice3A_542 = vector.extract_strided_slice %get3A_1 {offsets = [0, 42624], sizes = [32, 128], strides = [1, 1]} : vector<32x65536xf32> to vector<32x128xf32>
    %slice3A_543 = vector.extract_strided_slice %get3A_1 {offsets = [0, 42752], sizes = [32, 128], strides = [1, 1]} : vector<32x65536xf32> to vector<32x128xf32>
    %slice3A_544 = vector.extract_strided_slice %get3A_1 {offsets = [0, 42880], sizes = [32, 128], strides = [1, 1]} : vector<32x65536xf32> to vector<32x128xf32>
    %concatenate3A_545 = tpu.concatenate %slice3A_541, %slice3A_542, %slice3A_543, %slice3A_544 in 0 : vector<32x128xf32>, vector<32x128xf32>, vector<32x128xf32>, vector<32x128xf32> -> vector<128x128xf32>
    %transpose3A_546 = tpu.transpose %concatenate3A_545, [1, 0] : vector<128x128xf32> -> vector<128x128xf32>
    %slice3A_547 = vector.extract_strided_slice %get3A_1 {offsets = [0, 43008], sizes = [32, 128], strides = [1, 1]} : vector<32x65536xf32> to vector<32x128xf32>
    %slice3A_548 = vector.extract_strided_slice %get3A_1 {offsets = [0, 43136], sizes = [32, 128], strides = [1, 1]} : vector<32x65536xf32> to vector<32x128xf32>
    %slice3A_549 = vector.extract_strided_slice %get3A_1 {offsets = [0, 43264], sizes = [32, 128], strides = [1, 1]} : vector<32x65536xf32> to vector<32x128xf32>
    %slice3A_550 = vector.extract_strided_slice %get3A_1 {offsets = [0, 43392], sizes = [32, 128], strides = [1, 1]} : vector<32x65536xf32> to vector<32x128xf32>
    %concatenate3A_551 = tpu.concatenate %slice3A_547, %slice3A_548, %slice3A_549, %slice3A_550 in 0 : vector<32x128xf32>, vector<32x128xf32>, vector<32x128xf32>, vector<32x128xf32> -> vector<128x128xf32>
    %dot_general3A_552 = arith.constant dense<0.000000e+00> : vector<128x128xf32>
    %dot_general3A_553 = tpu.matmul %select_n3A, %concatenate3A_551, %dot_general3A_552 {dimension_numbers = #tpu.dot_dimension_numbers<[1], [1], [0], [0], [0, 0, 1, 0], [], []>, transpose_lhs_hint = false} : vector<128x128xf32>, vector<128x128xf32>, vector<128x128xf32> -> vector<128x128xf32>
    %slice3A_554 = vector.extract_strided_slice %get3A_1 {offsets = [0, 43520], sizes = [32, 128], strides = [1, 1]} : vector<32x65536xf32> to vector<32x128xf32>
    %slice3A_555 = vector.extract_strided_slice %get3A_1 {offsets = [0, 43648], sizes = [32, 128], strides = [1, 1]} : vector<32x65536xf32> to vector<32x128xf32>
    %slice3A_556 = vector.extract_strided_slice %get3A_1 {offsets = [0, 43776], sizes = [32, 128], strides = [1, 1]} : vector<32x65536xf32> to vector<32x128xf32>
    %slice3A_557 = vector.extract_strided_slice %get3A_1 {offsets = [0, 43904], sizes = [32, 128], strides = [1, 1]} : vector<32x65536xf32> to vector<32x128xf32>
    %concatenate3A_558 = tpu.concatenate %slice3A_554, %slice3A_555, %slice3A_556, %slice3A_557 in 0 : vector<32x128xf32>, vector<32x128xf32>, vector<32x128xf32>, vector<32x128xf32> -> vector<128x128xf32>
    %transpose3A_559 = tpu.transpose %concatenate3A_558, [1, 0] : vector<128x128xf32> -> vector<128x128xf32>
    %slice3A_560 = vector.extract_strided_slice %get3A_1 {offsets = [0, 44032], sizes = [32, 128], strides = [1, 1]} : vector<32x65536xf32> to vector<32x128xf32>
    %slice3A_561 = vector.extract_strided_slice %get3A_1 {offsets = [0, 44160], sizes = [32, 128], strides = [1, 1]} : vector<32x65536xf32> to vector<32x128xf32>
    %slice3A_562 = vector.extract_strided_slice %get3A_1 {offsets = [0, 44288], sizes = [32, 128], strides = [1, 1]} : vector<32x65536xf32> to vector<32x128xf32>
    %slice3A_563 = vector.extract_strided_slice %get3A_1 {offsets = [0, 44416], sizes = [32, 128], strides = [1, 1]} : vector<32x65536xf32> to vector<32x128xf32>
    %concatenate3A_564 = tpu.concatenate %slice3A_560, %slice3A_561, %slice3A_562, %slice3A_563 in 0 : vector<32x128xf32>, vector<32x128xf32>, vector<32x128xf32>, vector<32x128xf32> -> vector<128x128xf32>
    %dot_general3A_565 = arith.constant dense<0.000000e+00> : vector<128x128xf32>
    %dot_general3A_566 = tpu.matmul %select_n3A, %concatenate3A_564, %dot_general3A_565 {dimension_numbers = #tpu.dot_dimension_numbers<[1], [1], [0], [0], [0, 0, 1, 0], [], []>, transpose_lhs_hint = false} : vector<128x128xf32>, vector<128x128xf32>, vector<128x128xf32> -> vector<128x128xf32>
    %slice3A_567 = vector.extract_strided_slice %get3A_1 {offsets = [0, 44544], sizes = [32, 128], strides = [1, 1]} : vector<32x65536xf32> to vector<32x128xf32>
    %slice3A_568 = vector.extract_strided_slice %get3A_1 {offsets = [0, 44672], sizes = [32, 128], strides = [1, 1]} : vector<32x65536xf32> to vector<32x128xf32>
    %slice3A_569 = vector.extract_strided_slice %get3A_1 {offsets = [0, 44800], sizes = [32, 128], strides = [1, 1]} : vector<32x65536xf32> to vector<32x128xf32>
    %slice3A_570 = vector.extract_strided_slice %get3A_1 {offsets = [0, 44928], sizes = [32, 128], strides = [1, 1]} : vector<32x65536xf32> to vector<32x128xf32>
    %concatenate3A_571 = tpu.concatenate %slice3A_567, %slice3A_568, %slice3A_569, %slice3A_570 in 0 : vector<32x128xf32>, vector<32x128xf32>, vector<32x128xf32>, vector<32x128xf32> -> vector<128x128xf32>
    %transpose3A_572 = tpu.transpose %concatenate3A_571, [1, 0] : vector<128x128xf32> -> vector<128x128xf32>
    %slice3A_573 = vector.extract_strided_slice %get3A_1 {offsets = [0, 45056], sizes = [32, 128], strides = [1, 1]} : vector<32x65536xf32> to vector<32x128xf32>
    %slice3A_574 = vector.extract_strided_slice %get3A_1 {offsets = [0, 45184], sizes = [32, 128], strides = [1, 1]} : vector<32x65536xf32> to vector<32x128xf32>
    %slice3A_575 = vector.extract_strided_slice %get3A_1 {offsets = [0, 45312], sizes = [32, 128], strides = [1, 1]} : vector<32x65536xf32> to vector<32x128xf32>
    %slice3A_576 = vector.extract_strided_slice %get3A_1 {offsets = [0, 45440], sizes = [32, 128], strides = [1, 1]} : vector<32x65536xf32> to vector<32x128xf32>
    %concatenate3A_577 = tpu.concatenate %slice3A_573, %slice3A_574, %slice3A_575, %slice3A_576 in 0 : vector<32x128xf32>, vector<32x128xf32>, vector<32x128xf32>, vector<32x128xf32> -> vector<128x128xf32>
    %dot_general3A_578 = arith.constant dense<0.000000e+00> : vector<128x128xf32>
    %dot_general3A_579 = tpu.matmul %select_n3A, %concatenate3A_577, %dot_general3A_578 {dimension_numbers = #tpu.dot_dimension_numbers<[1], [1], [0], [0], [0, 0, 1, 0], [], []>, transpose_lhs_hint = false} : vector<128x128xf32>, vector<128x128xf32>, vector<128x128xf32> -> vector<128x128xf32>
    %slice3A_580 = vector.extract_strided_slice %get3A_1 {offsets = [0, 45568], sizes = [32, 128], strides = [1, 1]} : vector<32x65536xf32> to vector<32x128xf32>
    %slice3A_581 = vector.extract_strided_slice %get3A_1 {offsets = [0, 45696], sizes = [32, 128], strides = [1, 1]} : vector<32x65536xf32> to vector<32x128xf32>
    %slice3A_582 = vector.extract_strided_slice %get3A_1 {offsets = [0, 45824], sizes = [32, 128], strides = [1, 1]} : vector<32x65536xf32> to vector<32x128xf32>
    %slice3A_583 = vector.extract_strided_slice %get3A_1 {offsets = [0, 45952], sizes = [32, 128], strides = [1, 1]} : vector<32x65536xf32> to vector<32x128xf32>
    %concatenate3A_584 = tpu.concatenate %slice3A_580, %slice3A_581, %slice3A_582, %slice3A_583 in 0 : vector<32x128xf32>, vector<32x128xf32>, vector<32x128xf32>, vector<32x128xf32> -> vector<128x128xf32>
    %transpose3A_585 = tpu.transpose %concatenate3A_584, [1, 0] : vector<128x128xf32> -> vector<128x128xf32>
    %slice3A_586 = vector.extract_strided_slice %get3A_1 {offsets = [0, 46080], sizes = [32, 128], strides = [1, 1]} : vector<32x65536xf32> to vector<32x128xf32>
    %slice3A_587 = vector.extract_strided_slice %get3A_1 {offsets = [0, 46208], sizes = [32, 128], strides = [1, 1]} : vector<32x65536xf32> to vector<32x128xf32>
    %slice3A_588 = vector.extract_strided_slice %get3A_1 {offsets = [0, 46336], sizes = [32, 128], strides = [1, 1]} : vector<32x65536xf32> to vector<32x128xf32>
    %slice3A_589 = vector.extract_strided_slice %get3A_1 {offsets = [0, 46464], sizes = [32, 128], strides = [1, 1]} : vector<32x65536xf32> to vector<32x128xf32>
    %concatenate3A_590 = tpu.concatenate %slice3A_586, %slice3A_587, %slice3A_588, %slice3A_589 in 0 : vector<32x128xf32>, vector<32x128xf32>, vector<32x128xf32>, vector<32x128xf32> -> vector<128x128xf32>
    %dot_general3A_591 = arith.constant dense<0.000000e+00> : vector<128x128xf32>
    %dot_general3A_592 = tpu.matmul %select_n3A, %concatenate3A_590, %dot_general3A_591 {dimension_numbers = #tpu.dot_dimension_numbers<[1], [1], [0], [0], [0, 0, 1, 0], [], []>, transpose_lhs_hint = false} : vector<128x128xf32>, vector<128x128xf32>, vector<128x128xf32> -> vector<128x128xf32>
    %slice3A_593 = vector.extract_strided_slice %get3A_1 {offsets = [0, 46592], sizes = [32, 128], strides = [1, 1]} : vector<32x65536xf32> to vector<32x128xf32>
    %slice3A_594 = vector.extract_strided_slice %get3A_1 {offsets = [0, 46720], sizes = [32, 128], strides = [1, 1]} : vector<32x65536xf32> to vector<32x128xf32>
    %slice3A_595 = vector.extract_strided_slice %get3A_1 {offsets = [0, 46848], sizes = [32, 128], strides = [1, 1]} : vector<32x65536xf32> to vector<32x128xf32>
    %slice3A_596 = vector.extract_strided_slice %get3A_1 {offsets = [0, 46976], sizes = [32, 128], strides = [1, 1]} : vector<32x65536xf32> to vector<32x128xf32>
    %concatenate3A_597 = tpu.concatenate %slice3A_593, %slice3A_594, %slice3A_595, %slice3A_596 in 0 : vector<32x128xf32>, vector<32x128xf32>, vector<32x128xf32>, vector<32x128xf32> -> vector<128x128xf32>
    %transpose3A_598 = tpu.transpose %concatenate3A_597, [1, 0] : vector<128x128xf32> -> vector<128x128xf32>
    %slice3A_599 = vector.extract_strided_slice %get3A_1 {offsets = [0, 47104], sizes = [32, 128], strides = [1, 1]} : vector<32x65536xf32> to vector<32x128xf32>
    %slice3A_600 = vector.extract_strided_slice %get3A_1 {offsets = [0, 47232], sizes = [32, 128], strides = [1, 1]} : vector<32x65536xf32> to vector<32x128xf32>
    %slice3A_601 = vector.extract_strided_slice %get3A_1 {offsets = [0, 47360], sizes = [32, 128], strides = [1, 1]} : vector<32x65536xf32> to vector<32x128xf32>
    %slice3A_602 = vector.extract_strided_slice %get3A_1 {offsets = [0, 47488], sizes = [32, 128], strides = [1, 1]} : vector<32x65536xf32> to vector<32x128xf32>
    %concatenate3A_603 = tpu.concatenate %slice3A_599, %slice3A_600, %slice3A_601, %slice3A_602 in 0 : vector<32x128xf32>, vector<32x128xf32>, vector<32x128xf32>, vector<32x128xf32> -> vector<128x128xf32>
    %dot_general3A_604 = arith.constant dense<0.000000e+00> : vector<128x128xf32>
    %dot_general3A_605 = tpu.matmul %select_n3A, %concatenate3A_603, %dot_general3A_604 {dimension_numbers = #tpu.dot_dimension_numbers<[1], [1], [0], [0], [0, 0, 1, 0], [], []>, transpose_lhs_hint = false} : vector<128x128xf32>, vector<128x128xf32>, vector<128x128xf32> -> vector<128x128xf32>
    %slice3A_606 = vector.extract_strided_slice %get3A_1 {offsets = [0, 47616], sizes = [32, 128], strides = [1, 1]} : vector<32x65536xf32> to vector<32x128xf32>
    %slice3A_607 = vector.extract_strided_slice %get3A_1 {offsets = [0, 47744], sizes = [32, 128], strides = [1, 1]} : vector<32x65536xf32> to vector<32x128xf32>
    %slice3A_608 = vector.extract_strided_slice %get3A_1 {offsets = [0, 47872], sizes = [32, 128], strides = [1, 1]} : vector<32x65536xf32> to vector<32x128xf32>
    %slice3A_609 = vector.extract_strided_slice %get3A_1 {offsets = [0, 48000], sizes = [32, 128], strides = [1, 1]} : vector<32x65536xf32> to vector<32x128xf32>
    %concatenate3A_610 = tpu.concatenate %slice3A_606, %slice3A_607, %slice3A_608, %slice3A_609 in 0 : vector<32x128xf32>, vector<32x128xf32>, vector<32x128xf32>, vector<32x128xf32> -> vector<128x128xf32>
    %transpose3A_611 = tpu.transpose %concatenate3A_610, [1, 0] : vector<128x128xf32> -> vector<128x128xf32>
    %slice3A_612 = vector.extract_strided_slice %get3A_1 {offsets = [0, 48128], sizes = [32, 128], strides = [1, 1]} : vector<32x65536xf32> to vector<32x128xf32>
    %slice3A_613 = vector.extract_strided_slice %get3A_1 {offsets = [0, 48256], sizes = [32, 128], strides = [1, 1]} : vector<32x65536xf32> to vector<32x128xf32>
    %slice3A_614 = vector.extract_strided_slice %get3A_1 {offsets = [0, 48384], sizes = [32, 128], strides = [1, 1]} : vector<32x65536xf32> to vector<32x128xf32>
    %slice3A_615 = vector.extract_strided_slice %get3A_1 {offsets = [0, 48512], sizes = [32, 128], strides = [1, 1]} : vector<32x65536xf32> to vector<32x128xf32>
    %concatenate3A_616 = tpu.concatenate %slice3A_612, %slice3A_613, %slice3A_614, %slice3A_615 in 0 : vector<32x128xf32>, vector<32x128xf32>, vector<32x128xf32>, vector<32x128xf32> -> vector<128x128xf32>
    %dot_general3A_617 = arith.constant dense<0.000000e+00> : vector<128x128xf32>
    %dot_general3A_618 = tpu.matmul %select_n3A, %concatenate3A_616, %dot_general3A_617 {dimension_numbers = #tpu.dot_dimension_numbers<[1], [1], [0], [0], [0, 0, 1, 0], [], []>, transpose_lhs_hint = false} : vector<128x128xf32>, vector<128x128xf32>, vector<128x128xf32> -> vector<128x128xf32>
    %slice3A_619 = vector.extract_strided_slice %get3A_1 {offsets = [0, 48640], sizes = [32, 128], strides = [1, 1]} : vector<32x65536xf32> to vector<32x128xf32>
    %slice3A_620 = vector.extract_strided_slice %get3A_1 {offsets = [0, 48768], sizes = [32, 128], strides = [1, 1]} : vector<32x65536xf32> to vector<32x128xf32>
    %slice3A_621 = vector.extract_strided_slice %get3A_1 {offsets = [0, 48896], sizes = [32, 128], strides = [1, 1]} : vector<32x65536xf32> to vector<32x128xf32>
    %slice3A_622 = vector.extract_strided_slice %get3A_1 {offsets = [0, 49024], sizes = [32, 128], strides = [1, 1]} : vector<32x65536xf32> to vector<32x128xf32>
    %concatenate3A_623 = tpu.concatenate %slice3A_619, %slice3A_620, %slice3A_621, %slice3A_622 in 0 : vector<32x128xf32>, vector<32x128xf32>, vector<32x128xf32>, vector<32x128xf32> -> vector<128x128xf32>
    %transpose3A_624 = tpu.transpose %concatenate3A_623, [1, 0] : vector<128x128xf32> -> vector<128x128xf32>
    %slice3A_625 = vector.extract_strided_slice %get3A_1 {offsets = [0, 49152], sizes = [32, 128], strides = [1, 1]} : vector<32x65536xf32> to vector<32x128xf32>
    %slice3A_626 = vector.extract_strided_slice %get3A_1 {offsets = [0, 49280], sizes = [32, 128], strides = [1, 1]} : vector<32x65536xf32> to vector<32x128xf32>
    %slice3A_627 = vector.extract_strided_slice %get3A_1 {offsets = [0, 49408], sizes = [32, 128], strides = [1, 1]} : vector<32x65536xf32> to vector<32x128xf32>
    %slice3A_628 = vector.extract_strided_slice %get3A_1 {offsets = [0, 49536], sizes = [32, 128], strides = [1, 1]} : vector<32x65536xf32> to vector<32x128xf32>
    %concatenate3A_629 = tpu.concatenate %slice3A_625, %slice3A_626, %slice3A_627, %slice3A_628 in 0 : vector<32x128xf32>, vector<32x128xf32>, vector<32x128xf32>, vector<32x128xf32> -> vector<128x128xf32>
    %dot_general3A_630 = arith.constant dense<0.000000e+00> : vector<128x128xf32>
    %dot_general3A_631 = tpu.matmul %select_n3A, %concatenate3A_629, %dot_general3A_630 {dimension_numbers = #tpu.dot_dimension_numbers<[1], [1], [0], [0], [0, 0, 1, 0], [], []>, transpose_lhs_hint = false} : vector<128x128xf32>, vector<128x128xf32>, vector<128x128xf32> -> vector<128x128xf32>
    %slice3A_632 = vector.extract_strided_slice %get3A_1 {offsets = [0, 49664], sizes = [32, 128], strides = [1, 1]} : vector<32x65536xf32> to vector<32x128xf32>
    %slice3A_633 = vector.extract_strided_slice %get3A_1 {offsets = [0, 49792], sizes = [32, 128], strides = [1, 1]} : vector<32x65536xf32> to vector<32x128xf32>
    %slice3A_634 = vector.extract_strided_slice %get3A_1 {offsets = [0, 49920], sizes = [32, 128], strides = [1, 1]} : vector<32x65536xf32> to vector<32x128xf32>
    %slice3A_635 = vector.extract_strided_slice %get3A_1 {offsets = [0, 50048], sizes = [32, 128], strides = [1, 1]} : vector<32x65536xf32> to vector<32x128xf32>
    %concatenate3A_636 = tpu.concatenate %slice3A_632, %slice3A_633, %slice3A_634, %slice3A_635 in 0 : vector<32x128xf32>, vector<32x128xf32>, vector<32x128xf32>, vector<32x128xf32> -> vector<128x128xf32>
    %transpose3A_637 = tpu.transpose %concatenate3A_636, [1, 0] : vector<128x128xf32> -> vector<128x128xf32>
    %slice3A_638 = vector.extract_strided_slice %get3A_1 {offsets = [0, 50176], sizes = [32, 128], strides = [1, 1]} : vector<32x65536xf32> to vector<32x128xf32>
    %slice3A_639 = vector.extract_strided_slice %get3A_1 {offsets = [0, 50304], sizes = [32, 128], strides = [1, 1]} : vector<32x65536xf32> to vector<32x128xf32>
    %slice3A_640 = vector.extract_strided_slice %get3A_1 {offsets = [0, 50432], sizes = [32, 128], strides = [1, 1]} : vector<32x65536xf32> to vector<32x128xf32>
    %slice3A_641 = vector.extract_strided_slice %get3A_1 {offsets = [0, 50560], sizes = [32, 128], strides = [1, 1]} : vector<32x65536xf32> to vector<32x128xf32>
    %concatenate3A_642 = tpu.concatenate %slice3A_638, %slice3A_639, %slice3A_640, %slice3A_641 in 0 : vector<32x128xf32>, vector<32x128xf32>, vector<32x128xf32>, vector<32x128xf32> -> vector<128x128xf32>
    %dot_general3A_643 = arith.constant dense<0.000000e+00> : vector<128x128xf32>
    %dot_general3A_644 = tpu.matmul %select_n3A, %concatenate3A_642, %dot_general3A_643 {dimension_numbers = #tpu.dot_dimension_numbers<[1], [1], [0], [0], [0, 0, 1, 0], [], []>, transpose_lhs_hint = false} : vector<128x128xf32>, vector<128x128xf32>, vector<128x128xf32> -> vector<128x128xf32>
    %slice3A_645 = vector.extract_strided_slice %get3A_1 {offsets = [0, 50688], sizes = [32, 128], strides = [1, 1]} : vector<32x65536xf32> to vector<32x128xf32>
    %slice3A_646 = vector.extract_strided_slice %get3A_1 {offsets = [0, 50816], sizes = [32, 128], strides = [1, 1]} : vector<32x65536xf32> to vector<32x128xf32>
    %slice3A_647 = vector.extract_strided_slice %get3A_1 {offsets = [0, 50944], sizes = [32, 128], strides = [1, 1]} : vector<32x65536xf32> to vector<32x128xf32>
    %slice3A_648 = vector.extract_strided_slice %get3A_1 {offsets = [0, 51072], sizes = [32, 128], strides = [1, 1]} : vector<32x65536xf32> to vector<32x128xf32>
    %concatenate3A_649 = tpu.concatenate %slice3A_645, %slice3A_646, %slice3A_647, %slice3A_648 in 0 : vector<32x128xf32>, vector<32x128xf32>, vector<32x128xf32>, vector<32x128xf32> -> vector<128x128xf32>
    %transpose3A_650 = tpu.transpose %concatenate3A_649, [1, 0] : vector<128x128xf32> -> vector<128x128xf32>
    %slice3A_651 = vector.extract_strided_slice %get3A_1 {offsets = [0, 51200], sizes = [32, 128], strides = [1, 1]} : vector<32x65536xf32> to vector<32x128xf32>
    %slice3A_652 = vector.extract_strided_slice %get3A_1 {offsets = [0, 51328], sizes = [32, 128], strides = [1, 1]} : vector<32x65536xf32> to vector<32x128xf32>
    %slice3A_653 = vector.extract_strided_slice %get3A_1 {offsets = [0, 51456], sizes = [32, 128], strides = [1, 1]} : vector<32x65536xf32> to vector<32x128xf32>
    %slice3A_654 = vector.extract_strided_slice %get3A_1 {offsets = [0, 51584], sizes = [32, 128], strides = [1, 1]} : vector<32x65536xf32> to vector<32x128xf32>
    %concatenate3A_655 = tpu.concatenate %slice3A_651, %slice3A_652, %slice3A_653, %slice3A_654 in 0 : vector<32x128xf32>, vector<32x128xf32>, vector<32x128xf32>, vector<32x128xf32> -> vector<128x128xf32>
    %dot_general3A_656 = arith.constant dense<0.000000e+00> : vector<128x128xf32>
    %dot_general3A_657 = tpu.matmul %select_n3A, %concatenate3A_655, %dot_general3A_656 {dimension_numbers = #tpu.dot_dimension_numbers<[1], [1], [0], [0], [0, 0, 1, 0], [], []>, transpose_lhs_hint = false} : vector<128x128xf32>, vector<128x128xf32>, vector<128x128xf32> -> vector<128x128xf32>
    %slice3A_658 = vector.extract_strided_slice %get3A_1 {offsets = [0, 51712], sizes = [32, 128], strides = [1, 1]} : vector<32x65536xf32> to vector<32x128xf32>
    %slice3A_659 = vector.extract_strided_slice %get3A_1 {offsets = [0, 51840], sizes = [32, 128], strides = [1, 1]} : vector<32x65536xf32> to vector<32x128xf32>
    %slice3A_660 = vector.extract_strided_slice %get3A_1 {offsets = [0, 51968], sizes = [32, 128], strides = [1, 1]} : vector<32x65536xf32> to vector<32x128xf32>
    %slice3A_661 = vector.extract_strided_slice %get3A_1 {offsets = [0, 52096], sizes = [32, 128], strides = [1, 1]} : vector<32x65536xf32> to vector<32x128xf32>
    %concatenate3A_662 = tpu.concatenate %slice3A_658, %slice3A_659, %slice3A_660, %slice3A_661 in 0 : vector<32x128xf32>, vector<32x128xf32>, vector<32x128xf32>, vector<32x128xf32> -> vector<128x128xf32>
    %transpose3A_663 = tpu.transpose %concatenate3A_662, [1, 0] : vector<128x128xf32> -> vector<128x128xf32>
    %slice3A_664 = vector.extract_strided_slice %get3A_1 {offsets = [0, 52224], sizes = [32, 128], strides = [1, 1]} : vector<32x65536xf32> to vector<32x128xf32>
    %slice3A_665 = vector.extract_strided_slice %get3A_1 {offsets = [0, 52352], sizes = [32, 128], strides = [1, 1]} : vector<32x65536xf32> to vector<32x128xf32>
    %slice3A_666 = vector.extract_strided_slice %get3A_1 {offsets = [0, 52480], sizes = [32, 128], strides = [1, 1]} : vector<32x65536xf32> to vector<32x128xf32>
    %slice3A_667 = vector.extract_strided_slice %get3A_1 {offsets = [0, 52608], sizes = [32, 128], strides = [1, 1]} : vector<32x65536xf32> to vector<32x128xf32>
    %concatenate3A_668 = tpu.concatenate %slice3A_664, %slice3A_665, %slice3A_666, %slice3A_667 in 0 : vector<32x128xf32>, vector<32x128xf32>, vector<32x128xf32>, vector<32x128xf32> -> vector<128x128xf32>
    %dot_general3A_669 = arith.constant dense<0.000000e+00> : vector<128x128xf32>
    %dot_general3A_670 = tpu.matmul %select_n3A, %concatenate3A_668, %dot_general3A_669 {dimension_numbers = #tpu.dot_dimension_numbers<[1], [1], [0], [0], [0, 0, 1, 0], [], []>, transpose_lhs_hint = false} : vector<128x128xf32>, vector<128x128xf32>, vector<128x128xf32> -> vector<128x128xf32>
    %slice3A_671 = vector.extract_strided_slice %get3A_1 {offsets = [0, 52736], sizes = [32, 128], strides = [1, 1]} : vector<32x65536xf32> to vector<32x128xf32>
    %slice3A_672 = vector.extract_strided_slice %get3A_1 {offsets = [0, 52864], sizes = [32, 128], strides = [1, 1]} : vector<32x65536xf32> to vector<32x128xf32>
    %slice3A_673 = vector.extract_strided_slice %get3A_1 {offsets = [0, 52992], sizes = [32, 128], strides = [1, 1]} : vector<32x65536xf32> to vector<32x128xf32>
    %slice3A_674 = vector.extract_strided_slice %get3A_1 {offsets = [0, 53120], sizes = [32, 128], strides = [1, 1]} : vector<32x65536xf32> to vector<32x128xf32>
    %concatenate3A_675 = tpu.concatenate %slice3A_671, %slice3A_672, %slice3A_673, %slice3A_674 in 0 : vector<32x128xf32>, vector<32x128xf32>, vector<32x128xf32>, vector<32x128xf32> -> vector<128x128xf32>
    %transpose3A_676 = tpu.transpose %concatenate3A_675, [1, 0] : vector<128x128xf32> -> vector<128x128xf32>
    %slice3A_677 = vector.extract_strided_slice %get3A_1 {offsets = [0, 53248], sizes = [32, 128], strides = [1, 1]} : vector<32x65536xf32> to vector<32x128xf32>
    %slice3A_678 = vector.extract_strided_slice %get3A_1 {offsets = [0, 53376], sizes = [32, 128], strides = [1, 1]} : vector<32x65536xf32> to vector<32x128xf32>
    %slice3A_679 = vector.extract_strided_slice %get3A_1 {offsets = [0, 53504], sizes = [32, 128], strides = [1, 1]} : vector<32x65536xf32> to vector<32x128xf32>
    %slice3A_680 = vector.extract_strided_slice %get3A_1 {offsets = [0, 53632], sizes = [32, 128], strides = [1, 1]} : vector<32x65536xf32> to vector<32x128xf32>
    %concatenate3A_681 = tpu.concatenate %slice3A_677, %slice3A_678, %slice3A_679, %slice3A_680 in 0 : vector<32x128xf32>, vector<32x128xf32>, vector<32x128xf32>, vector<32x128xf32> -> vector<128x128xf32>
    %dot_general3A_682 = arith.constant dense<0.000000e+00> : vector<128x128xf32>
    %dot_general3A_683 = tpu.matmul %select_n3A, %concatenate3A_681, %dot_general3A_682 {dimension_numbers = #tpu.dot_dimension_numbers<[1], [1], [0], [0], [0, 0, 1, 0], [], []>, transpose_lhs_hint = false} : vector<128x128xf32>, vector<128x128xf32>, vector<128x128xf32> -> vector<128x128xf32>
    %slice3A_684 = vector.extract_strided_slice %get3A_1 {offsets = [0, 53760], sizes = [32, 128], strides = [1, 1]} : vector<32x65536xf32> to vector<32x128xf32>
    %slice3A_685 = vector.extract_strided_slice %get3A_1 {offsets = [0, 53888], sizes = [32, 128], strides = [1, 1]} : vector<32x65536xf32> to vector<32x128xf32>
    %slice3A_686 = vector.extract_strided_slice %get3A_1 {offsets = [0, 54016], sizes = [32, 128], strides = [1, 1]} : vector<32x65536xf32> to vector<32x128xf32>
    %slice3A_687 = vector.extract_strided_slice %get3A_1 {offsets = [0, 54144], sizes = [32, 128], strides = [1, 1]} : vector<32x65536xf32> to vector<32x128xf32>
    %concatenate3A_688 = tpu.concatenate %slice3A_684, %slice3A_685, %slice3A_686, %slice3A_687 in 0 : vector<32x128xf32>, vector<32x128xf32>, vector<32x128xf32>, vector<32x128xf32> -> vector<128x128xf32>
    %transpose3A_689 = tpu.transpose %concatenate3A_688, [1, 0] : vector<128x128xf32> -> vector<128x128xf32>
    %slice3A_690 = vector.extract_strided_slice %get3A_1 {offsets = [0, 54272], sizes = [32, 128], strides = [1, 1]} : vector<32x65536xf32> to vector<32x128xf32>
    %slice3A_691 = vector.extract_strided_slice %get3A_1 {offsets = [0, 54400], sizes = [32, 128], strides = [1, 1]} : vector<32x65536xf32> to vector<32x128xf32>
    %slice3A_692 = vector.extract_strided_slice %get3A_1 {offsets = [0, 54528], sizes = [32, 128], strides = [1, 1]} : vector<32x65536xf32> to vector<32x128xf32>
    %slice3A_693 = vector.extract_strided_slice %get3A_1 {offsets = [0, 54656], sizes = [32, 128], strides = [1, 1]} : vector<32x65536xf32> to vector<32x128xf32>
    %concatenate3A_694 = tpu.concatenate %slice3A_690, %slice3A_691, %slice3A_692, %slice3A_693 in 0 : vector<32x128xf32>, vector<32x128xf32>, vector<32x128xf32>, vector<32x128xf32> -> vector<128x128xf32>
    %dot_general3A_695 = arith.constant dense<0.000000e+00> : vector<128x128xf32>
    %dot_general3A_696 = tpu.matmul %select_n3A, %concatenate3A_694, %dot_general3A_695 {dimension_numbers = #tpu.dot_dimension_numbers<[1], [1], [0], [0], [0, 0, 1, 0], [], []>, transpose_lhs_hint = false} : vector<128x128xf32>, vector<128x128xf32>, vector<128x128xf32> -> vector<128x128xf32>
    %slice3A_697 = vector.extract_strided_slice %get3A_1 {offsets = [0, 54784], sizes = [32, 128], strides = [1, 1]} : vector<32x65536xf32> to vector<32x128xf32>
    %slice3A_698 = vector.extract_strided_slice %get3A_1 {offsets = [0, 54912], sizes = [32, 128], strides = [1, 1]} : vector<32x65536xf32> to vector<32x128xf32>
    %slice3A_699 = vector.extract_strided_slice %get3A_1 {offsets = [0, 55040], sizes = [32, 128], strides = [1, 1]} : vector<32x65536xf32> to vector<32x128xf32>
    %slice3A_700 = vector.extract_strided_slice %get3A_1 {offsets = [0, 55168], sizes = [32, 128], strides = [1, 1]} : vector<32x65536xf32> to vector<32x128xf32>
    %concatenate3A_701 = tpu.concatenate %slice3A_697, %slice3A_698, %slice3A_699, %slice3A_700 in 0 : vector<32x128xf32>, vector<32x128xf32>, vector<32x128xf32>, vector<32x128xf32> -> vector<128x128xf32>
    %transpose3A_702 = tpu.transpose %concatenate3A_701, [1, 0] : vector<128x128xf32> -> vector<128x128xf32>
    %slice3A_703 = vector.extract_strided_slice %get3A_1 {offsets = [0, 55296], sizes = [32, 128], strides = [1, 1]} : vector<32x65536xf32> to vector<32x128xf32>
    %slice3A_704 = vector.extract_strided_slice %get3A_1 {offsets = [0, 55424], sizes = [32, 128], strides = [1, 1]} : vector<32x65536xf32> to vector<32x128xf32>
    %slice3A_705 = vector.extract_strided_slice %get3A_1 {offsets = [0, 55552], sizes = [32, 128], strides = [1, 1]} : vector<32x65536xf32> to vector<32x128xf32>
    %slice3A_706 = vector.extract_strided_slice %get3A_1 {offsets = [0, 55680], sizes = [32, 128], strides = [1, 1]} : vector<32x65536xf32> to vector<32x128xf32>
    %concatenate3A_707 = tpu.concatenate %slice3A_703, %slice3A_704, %slice3A_705, %slice3A_706 in 0 : vector<32x128xf32>, vector<32x128xf32>, vector<32x128xf32>, vector<32x128xf32> -> vector<128x128xf32>
    %dot_general3A_708 = arith.constant dense<0.000000e+00> : vector<128x128xf32>
    %dot_general3A_709 = tpu.matmul %select_n3A, %concatenate3A_707, %dot_general3A_708 {dimension_numbers = #tpu.dot_dimension_numbers<[1], [1], [0], [0], [0, 0, 1, 0], [], []>, transpose_lhs_hint = false} : vector<128x128xf32>, vector<128x128xf32>, vector<128x128xf32> -> vector<128x128xf32>
    %slice3A_710 = vector.extract_strided_slice %get3A_1 {offsets = [0, 55808], sizes = [32, 128], strides = [1, 1]} : vector<32x65536xf32> to vector<32x128xf32>
    %slice3A_711 = vector.extract_strided_slice %get3A_1 {offsets = [0, 55936], sizes = [32, 128], strides = [1, 1]} : vector<32x65536xf32> to vector<32x128xf32>
    %slice3A_712 = vector.extract_strided_slice %get3A_1 {offsets = [0, 56064], sizes = [32, 128], strides = [1, 1]} : vector<32x65536xf32> to vector<32x128xf32>
    %slice3A_713 = vector.extract_strided_slice %get3A_1 {offsets = [0, 56192], sizes = [32, 128], strides = [1, 1]} : vector<32x65536xf32> to vector<32x128xf32>
    %concatenate3A_714 = tpu.concatenate %slice3A_710, %slice3A_711, %slice3A_712, %slice3A_713 in 0 : vector<32x128xf32>, vector<32x128xf32>, vector<32x128xf32>, vector<32x128xf32> -> vector<128x128xf32>
    %transpose3A_715 = tpu.transpose %concatenate3A_714, [1, 0] : vector<128x128xf32> -> vector<128x128xf32>
    %slice3A_716 = vector.extract_strided_slice %get3A_1 {offsets = [0, 56320], sizes = [32, 128], strides = [1, 1]} : vector<32x65536xf32> to vector<32x128xf32>
    %slice3A_717 = vector.extract_strided_slice %get3A_1 {offsets = [0, 56448], sizes = [32, 128], strides = [1, 1]} : vector<32x65536xf32> to vector<32x128xf32>
    %slice3A_718 = vector.extract_strided_slice %get3A_1 {offsets = [0, 56576], sizes = [32, 128], strides = [1, 1]} : vector<32x65536xf32> to vector<32x128xf32>
    %slice3A_719 = vector.extract_strided_slice %get3A_1 {offsets = [0, 56704], sizes = [32, 128], strides = [1, 1]} : vector<32x65536xf32> to vector<32x128xf32>
    %concatenate3A_720 = tpu.concatenate %slice3A_716, %slice3A_717, %slice3A_718, %slice3A_719 in 0 : vector<32x128xf32>, vector<32x128xf32>, vector<32x128xf32>, vector<32x128xf32> -> vector<128x128xf32>
    %dot_general3A_721 = arith.constant dense<0.000000e+00> : vector<128x128xf32>
    %dot_general3A_722 = tpu.matmul %select_n3A, %concatenate3A_720, %dot_general3A_721 {dimension_numbers = #tpu.dot_dimension_numbers<[1], [1], [0], [0], [0, 0, 1, 0], [], []>, transpose_lhs_hint = false} : vector<128x128xf32>, vector<128x128xf32>, vector<128x128xf32> -> vector<128x128xf32>
    %slice3A_723 = vector.extract_strided_slice %get3A_1 {offsets = [0, 56832], sizes = [32, 128], strides = [1, 1]} : vector<32x65536xf32> to vector<32x128xf32>
    %slice3A_724 = vector.extract_strided_slice %get3A_1 {offsets = [0, 56960], sizes = [32, 128], strides = [1, 1]} : vector<32x65536xf32> to vector<32x128xf32>
    %slice3A_725 = vector.extract_strided_slice %get3A_1 {offsets = [0, 57088], sizes = [32, 128], strides = [1, 1]} : vector<32x65536xf32> to vector<32x128xf32>
    %slice3A_726 = vector.extract_strided_slice %get3A_1 {offsets = [0, 57216], sizes = [32, 128], strides = [1, 1]} : vector<32x65536xf32> to vector<32x128xf32>
    %concatenate3A_727 = tpu.concatenate %slice3A_723, %slice3A_724, %slice3A_725, %slice3A_726 in 0 : vector<32x128xf32>, vector<32x128xf32>, vector<32x128xf32>, vector<32x128xf32> -> vector<128x128xf32>
    %transpose3A_728 = tpu.transpose %concatenate3A_727, [1, 0] : vector<128x128xf32> -> vector<128x128xf32>
    %slice3A_729 = vector.extract_strided_slice %get3A_1 {offsets = [0, 57344], sizes = [32, 128], strides = [1, 1]} : vector<32x65536xf32> to vector<32x128xf32>
    %slice3A_730 = vector.extract_strided_slice %get3A_1 {offsets = [0, 57472], sizes = [32, 128], strides = [1, 1]} : vector<32x65536xf32> to vector<32x128xf32>
    %slice3A_731 = vector.extract_strided_slice %get3A_1 {offsets = [0, 57600], sizes = [32, 128], strides = [1, 1]} : vector<32x65536xf32> to vector<32x128xf32>
    %slice3A_732 = vector.extract_strided_slice %get3A_1 {offsets = [0, 57728], sizes = [32, 128], strides = [1, 1]} : vector<32x65536xf32> to vector<32x128xf32>
    %concatenate3A_733 = tpu.concatenate %slice3A_729, %slice3A_730, %slice3A_731, %slice3A_732 in 0 : vector<32x128xf32>, vector<32x128xf32>, vector<32x128xf32>, vector<32x128xf32> -> vector<128x128xf32>
    %dot_general3A_734 = arith.constant dense<0.000000e+00> : vector<128x128xf32>
    %dot_general3A_735 = tpu.matmul %select_n3A, %concatenate3A_733, %dot_general3A_734 {dimension_numbers = #tpu.dot_dimension_numbers<[1], [1], [0], [0], [0, 0, 1, 0], [], []>, transpose_lhs_hint = false} : vector<128x128xf32>, vector<128x128xf32>, vector<128x128xf32> -> vector<128x128xf32>
    %slice3A_736 = vector.extract_strided_slice %get3A_1 {offsets = [0, 57856], sizes = [32, 128], strides = [1, 1]} : vector<32x65536xf32> to vector<32x128xf32>
    %slice3A_737 = vector.extract_strided_slice %get3A_1 {offsets = [0, 57984], sizes = [32, 128], strides = [1, 1]} : vector<32x65536xf32> to vector<32x128xf32>
    %slice3A_738 = vector.extract_strided_slice %get3A_1 {offsets = [0, 58112], sizes = [32, 128], strides = [1, 1]} : vector<32x65536xf32> to vector<32x128xf32>
    %slice3A_739 = vector.extract_strided_slice %get3A_1 {offsets = [0, 58240], sizes = [32, 128], strides = [1, 1]} : vector<32x65536xf32> to vector<32x128xf32>
    %concatenate3A_740 = tpu.concatenate %slice3A_736, %slice3A_737, %slice3A_738, %slice3A_739 in 0 : vector<32x128xf32>, vector<32x128xf32>, vector<32x128xf32>, vector<32x128xf32> -> vector<128x128xf32>
    %transpose3A_741 = tpu.transpose %concatenate3A_740, [1, 0] : vector<128x128xf32> -> vector<128x128xf32>
    %slice3A_742 = vector.extract_strided_slice %get3A_1 {offsets = [0, 58368], sizes = [32, 128], strides = [1, 1]} : vector<32x65536xf32> to vector<32x128xf32>
    %slice3A_743 = vector.extract_strided_slice %get3A_1 {offsets = [0, 58496], sizes = [32, 128], strides = [1, 1]} : vector<32x65536xf32> to vector<32x128xf32>
    %slice3A_744 = vector.extract_strided_slice %get3A_1 {offsets = [0, 58624], sizes = [32, 128], strides = [1, 1]} : vector<32x65536xf32> to vector<32x128xf32>
    %slice3A_745 = vector.extract_strided_slice %get3A_1 {offsets = [0, 58752], sizes = [32, 128], strides = [1, 1]} : vector<32x65536xf32> to vector<32x128xf32>
    %concatenate3A_746 = tpu.concatenate %slice3A_742, %slice3A_743, %slice3A_744, %slice3A_745 in 0 : vector<32x128xf32>, vector<32x128xf32>, vector<32x128xf32>, vector<32x128xf32> -> vector<128x128xf32>
    %dot_general3A_747 = arith.constant dense<0.000000e+00> : vector<128x128xf32>
    %dot_general3A_748 = tpu.matmul %select_n3A, %concatenate3A_746, %dot_general3A_747 {dimension_numbers = #tpu.dot_dimension_numbers<[1], [1], [0], [0], [0, 0, 1, 0], [], []>, transpose_lhs_hint = false} : vector<128x128xf32>, vector<128x128xf32>, vector<128x128xf32> -> vector<128x128xf32>
    %slice3A_749 = vector.extract_strided_slice %get3A_1 {offsets = [0, 58880], sizes = [32, 128], strides = [1, 1]} : vector<32x65536xf32> to vector<32x128xf32>
    %slice3A_750 = vector.extract_strided_slice %get3A_1 {offsets = [0, 59008], sizes = [32, 128], strides = [1, 1]} : vector<32x65536xf32> to vector<32x128xf32>
    %slice3A_751 = vector.extract_strided_slice %get3A_1 {offsets = [0, 59136], sizes = [32, 128], strides = [1, 1]} : vector<32x65536xf32> to vector<32x128xf32>
    %slice3A_752 = vector.extract_strided_slice %get3A_1 {offsets = [0, 59264], sizes = [32, 128], strides = [1, 1]} : vector<32x65536xf32> to vector<32x128xf32>
    %concatenate3A_753 = tpu.concatenate %slice3A_749, %slice3A_750, %slice3A_751, %slice3A_752 in 0 : vector<32x128xf32>, vector<32x128xf32>, vector<32x128xf32>, vector<32x128xf32> -> vector<128x128xf32>
    %transpose3A_754 = tpu.transpose %concatenate3A_753, [1, 0] : vector<128x128xf32> -> vector<128x128xf32>
    %slice3A_755 = vector.extract_strided_slice %get3A_1 {offsets = [0, 59392], sizes = [32, 128], strides = [1, 1]} : vector<32x65536xf32> to vector<32x128xf32>
    %slice3A_756 = vector.extract_strided_slice %get3A_1 {offsets = [0, 59520], sizes = [32, 128], strides = [1, 1]} : vector<32x65536xf32> to vector<32x128xf32>
    %slice3A_757 = vector.extract_strided_slice %get3A_1 {offsets = [0, 59648], sizes = [32, 128], strides = [1, 1]} : vector<32x65536xf32> to vector<32x128xf32>
    %slice3A_758 = vector.extract_strided_slice %get3A_1 {offsets = [0, 59776], sizes = [32, 128], strides = [1, 1]} : vector<32x65536xf32> to vector<32x128xf32>
    %concatenate3A_759 = tpu.concatenate %slice3A_755, %slice3A_756, %slice3A_757, %slice3A_758 in 0 : vector<32x128xf32>, vector<32x128xf32>, vector<32x128xf32>, vector<32x128xf32> -> vector<128x128xf32>
    %dot_general3A_760 = arith.constant dense<0.000000e+00> : vector<128x128xf32>
    %dot_general3A_761 = tpu.matmul %select_n3A, %concatenate3A_759, %dot_general3A_760 {dimension_numbers = #tpu.dot_dimension_numbers<[1], [1], [0], [0], [0, 0, 1, 0], [], []>, transpose_lhs_hint = false} : vector<128x128xf32>, vector<128x128xf32>, vector<128x128xf32> -> vector<128x128xf32>
    %slice3A_762 = vector.extract_strided_slice %get3A_1 {offsets = [0, 59904], sizes = [32, 128], strides = [1, 1]} : vector<32x65536xf32> to vector<32x128xf32>
    %slice3A_763 = vector.extract_strided_slice %get3A_1 {offsets = [0, 60032], sizes = [32, 128], strides = [1, 1]} : vector<32x65536xf32> to vector<32x128xf32>
    %slice3A_764 = vector.extract_strided_slice %get3A_1 {offsets = [0, 60160], sizes = [32, 128], strides = [1, 1]} : vector<32x65536xf32> to vector<32x128xf32>
    %slice3A_765 = vector.extract_strided_slice %get3A_1 {offsets = [0, 60288], sizes = [32, 128], strides = [1, 1]} : vector<32x65536xf32> to vector<32x128xf32>
    %concatenate3A_766 = tpu.concatenate %slice3A_762, %slice3A_763, %slice3A_764, %slice3A_765 in 0 : vector<32x128xf32>, vector<32x128xf32>, vector<32x128xf32>, vector<32x128xf32> -> vector<128x128xf32>
    %transpose3A_767 = tpu.transpose %concatenate3A_766, [1, 0] : vector<128x128xf32> -> vector<128x128xf32>
    %slice3A_768 = vector.extract_strided_slice %get3A_1 {offsets = [0, 60416], sizes = [32, 128], strides = [1, 1]} : vector<32x65536xf32> to vector<32x128xf32>
    %slice3A_769 = vector.extract_strided_slice %get3A_1 {offsets = [0, 60544], sizes = [32, 128], strides = [1, 1]} : vector<32x65536xf32> to vector<32x128xf32>
    %slice3A_770 = vector.extract_strided_slice %get3A_1 {offsets = [0, 60672], sizes = [32, 128], strides = [1, 1]} : vector<32x65536xf32> to vector<32x128xf32>
    %slice3A_771 = vector.extract_strided_slice %get3A_1 {offsets = [0, 60800], sizes = [32, 128], strides = [1, 1]} : vector<32x65536xf32> to vector<32x128xf32>
    %concatenate3A_772 = tpu.concatenate %slice3A_768, %slice3A_769, %slice3A_770, %slice3A_771 in 0 : vector<32x128xf32>, vector<32x128xf32>, vector<32x128xf32>, vector<32x128xf32> -> vector<128x128xf32>
    %dot_general3A_773 = arith.constant dense<0.000000e+00> : vector<128x128xf32>
    %dot_general3A_774 = tpu.matmul %select_n3A, %concatenate3A_772, %dot_general3A_773 {dimension_numbers = #tpu.dot_dimension_numbers<[1], [1], [0], [0], [0, 0, 1, 0], [], []>, transpose_lhs_hint = false} : vector<128x128xf32>, vector<128x128xf32>, vector<128x128xf32> -> vector<128x128xf32>
    %slice3A_775 = vector.extract_strided_slice %get3A_1 {offsets = [0, 60928], sizes = [32, 128], strides = [1, 1]} : vector<32x65536xf32> to vector<32x128xf32>
    %slice3A_776 = vector.extract_strided_slice %get3A_1 {offsets = [0, 61056], sizes = [32, 128], strides = [1, 1]} : vector<32x65536xf32> to vector<32x128xf32>
    %slice3A_777 = vector.extract_strided_slice %get3A_1 {offsets = [0, 61184], sizes = [32, 128], strides = [1, 1]} : vector<32x65536xf32> to vector<32x128xf32>
    %slice3A_778 = vector.extract_strided_slice %get3A_1 {offsets = [0, 61312], sizes = [32, 128], strides = [1, 1]} : vector<32x65536xf32> to vector<32x128xf32>
    %concatenate3A_779 = tpu.concatenate %slice3A_775, %slice3A_776, %slice3A_777, %slice3A_778 in 0 : vector<32x128xf32>, vector<32x128xf32>, vector<32x128xf32>, vector<32x128xf32> -> vector<128x128xf32>
    %transpose3A_780 = tpu.transpose %concatenate3A_779, [1, 0] : vector<128x128xf32> -> vector<128x128xf32>
    %slice3A_781 = vector.extract_strided_slice %get3A_1 {offsets = [0, 61440], sizes = [32, 128], strides = [1, 1]} : vector<32x65536xf32> to vector<32x128xf32>
    %slice3A_782 = vector.extract_strided_slice %get3A_1 {offsets = [0, 61568], sizes = [32, 128], strides = [1, 1]} : vector<32x65536xf32> to vector<32x128xf32>
    %slice3A_783 = vector.extract_strided_slice %get3A_1 {offsets = [0, 61696], sizes = [32, 128], strides = [1, 1]} : vector<32x65536xf32> to vector<32x128xf32>
    %slice3A_784 = vector.extract_strided_slice %get3A_1 {offsets = [0, 61824], sizes = [32, 128], strides = [1, 1]} : vector<32x65536xf32> to vector<32x128xf32>
    %concatenate3A_785 = tpu.concatenate %slice3A_781, %slice3A_782, %slice3A_783, %slice3A_784 in 0 : vector<32x128xf32>, vector<32x128xf32>, vector<32x128xf32>, vector<32x128xf32> -> vector<128x128xf32>
    %dot_general3A_786 = arith.constant dense<0.000000e+00> : vector<128x128xf32>
    %dot_general3A_787 = tpu.matmul %select_n3A, %concatenate3A_785, %dot_general3A_786 {dimension_numbers = #tpu.dot_dimension_numbers<[1], [1], [0], [0], [0, 0, 1, 0], [], []>, transpose_lhs_hint = false} : vector<128x128xf32>, vector<128x128xf32>, vector<128x128xf32> -> vector<128x128xf32>
    %slice3A_788 = vector.extract_strided_slice %get3A_1 {offsets = [0, 61952], sizes = [32, 128], strides = [1, 1]} : vector<32x65536xf32> to vector<32x128xf32>
    %slice3A_789 = vector.extract_strided_slice %get3A_1 {offsets = [0, 62080], sizes = [32, 128], strides = [1, 1]} : vector<32x65536xf32> to vector<32x128xf32>
    %slice3A_790 = vector.extract_strided_slice %get3A_1 {offsets = [0, 62208], sizes = [32, 128], strides = [1, 1]} : vector<32x65536xf32> to vector<32x128xf32>
    %slice3A_791 = vector.extract_strided_slice %get3A_1 {offsets = [0, 62336], sizes = [32, 128], strides = [1, 1]} : vector<32x65536xf32> to vector<32x128xf32>
    %concatenate3A_792 = tpu.concatenate %slice3A_788, %slice3A_789, %slice3A_790, %slice3A_791 in 0 : vector<32x128xf32>, vector<32x128xf32>, vector<32x128xf32>, vector<32x128xf32> -> vector<128x128xf32>
    %transpose3A_793 = tpu.transpose %concatenate3A_792, [1, 0] : vector<128x128xf32> -> vector<128x128xf32>
    %slice3A_794 = vector.extract_strided_slice %get3A_1 {offsets = [0, 62464], sizes = [32, 128], strides = [1, 1]} : vector<32x65536xf32> to vector<32x128xf32>
    %slice3A_795 = vector.extract_strided_slice %get3A_1 {offsets = [0, 62592], sizes = [32, 128], strides = [1, 1]} : vector<32x65536xf32> to vector<32x128xf32>
    %slice3A_796 = vector.extract_strided_slice %get3A_1 {offsets = [0, 62720], sizes = [32, 128], strides = [1, 1]} : vector<32x65536xf32> to vector<32x128xf32>
    %slice3A_797 = vector.extract_strided_slice %get3A_1 {offsets = [0, 62848], sizes = [32, 128], strides = [1, 1]} : vector<32x65536xf32> to vector<32x128xf32>
    %concatenate3A_798 = tpu.concatenate %slice3A_794, %slice3A_795, %slice3A_796, %slice3A_797 in 0 : vector<32x128xf32>, vector<32x128xf32>, vector<32x128xf32>, vector<32x128xf32> -> vector<128x128xf32>
    %dot_general3A_799 = arith.constant dense<0.000000e+00> : vector<128x128xf32>
    %dot_general3A_800 = tpu.matmul %select_n3A, %concatenate3A_798, %dot_general3A_799 {dimension_numbers = #tpu.dot_dimension_numbers<[1], [1], [0], [0], [0, 0, 1, 0], [], []>, transpose_lhs_hint = false} : vector<128x128xf32>, vector<128x128xf32>, vector<128x128xf32> -> vector<128x128xf32>
    %slice3A_801 = vector.extract_strided_slice %get3A_1 {offsets = [0, 62976], sizes = [32, 128], strides = [1, 1]} : vector<32x65536xf32> to vector<32x128xf32>
    %slice3A_802 = vector.extract_strided_slice %get3A_1 {offsets = [0, 63104], sizes = [32, 128], strides = [1, 1]} : vector<32x65536xf32> to vector<32x128xf32>
    %slice3A_803 = vector.extract_strided_slice %get3A_1 {offsets = [0, 63232], sizes = [32, 128], strides = [1, 1]} : vector<32x65536xf32> to vector<32x128xf32>
    %slice3A_804 = vector.extract_strided_slice %get3A_1 {offsets = [0, 63360], sizes = [32, 128], strides = [1, 1]} : vector<32x65536xf32> to vector<32x128xf32>
    %concatenate3A_805 = tpu.concatenate %slice3A_801, %slice3A_802, %slice3A_803, %slice3A_804 in 0 : vector<32x128xf32>, vector<32x128xf32>, vector<32x128xf32>, vector<32x128xf32> -> vector<128x128xf32>
    %transpose3A_806 = tpu.transpose %concatenate3A_805, [1, 0] : vector<128x128xf32> -> vector<128x128xf32>
    %slice3A_807 = vector.extract_strided_slice %get3A_1 {offsets = [0, 63488], sizes = [32, 128], strides = [1, 1]} : vector<32x65536xf32> to vector<32x128xf32>
    %slice3A_808 = vector.extract_strided_slice %get3A_1 {offsets = [0, 63616], sizes = [32, 128], strides = [1, 1]} : vector<32x65536xf32> to vector<32x128xf32>
    %slice3A_809 = vector.extract_strided_slice %get3A_1 {offsets = [0, 63744], sizes = [32, 128], strides = [1, 1]} : vector<32x65536xf32> to vector<32x128xf32>
    %slice3A_810 = vector.extract_strided_slice %get3A_1 {offsets = [0, 63872], sizes = [32, 128], strides = [1, 1]} : vector<32x65536xf32> to vector<32x128xf32>
    %concatenate3A_811 = tpu.concatenate %slice3A_807, %slice3A_808, %slice3A_809, %slice3A_810 in 0 : vector<32x128xf32>, vector<32x128xf32>, vector<32x128xf32>, vector<32x128xf32> -> vector<128x128xf32>
    %dot_general3A_812 = arith.constant dense<0.000000e+00> : vector<128x128xf32>
    %dot_general3A_813 = tpu.matmul %select_n3A, %concatenate3A_811, %dot_general3A_812 {dimension_numbers = #tpu.dot_dimension_numbers<[1], [1], [0], [0], [0, 0, 1, 0], [], []>, transpose_lhs_hint = false} : vector<128x128xf32>, vector<128x128xf32>, vector<128x128xf32> -> vector<128x128xf32>
    %slice3A_814 = vector.extract_strided_slice %get3A_1 {offsets = [0, 64000], sizes = [32, 128], strides = [1, 1]} : vector<32x65536xf32> to vector<32x128xf32>
    %slice3A_815 = vector.extract_strided_slice %get3A_1 {offsets = [0, 64128], sizes = [32, 128], strides = [1, 1]} : vector<32x65536xf32> to vector<32x128xf32>
    %slice3A_816 = vector.extract_strided_slice %get3A_1 {offsets = [0, 64256], sizes = [32, 128], strides = [1, 1]} : vector<32x65536xf32> to vector<32x128xf32>
    %slice3A_817 = vector.extract_strided_slice %get3A_1 {offsets = [0, 64384], sizes = [32, 128], strides = [1, 1]} : vector<32x65536xf32> to vector<32x128xf32>
    %concatenate3A_818 = tpu.concatenate %slice3A_814, %slice3A_815, %slice3A_816, %slice3A_817 in 0 : vector<32x128xf32>, vector<32x128xf32>, vector<32x128xf32>, vector<32x128xf32> -> vector<128x128xf32>
    %transpose3A_819 = tpu.transpose %concatenate3A_818, [1, 0] : vector<128x128xf32> -> vector<128x128xf32>
    %slice3A_820 = vector.extract_strided_slice %get3A_1 {offsets = [0, 64512], sizes = [32, 128], strides = [1, 1]} : vector<32x65536xf32> to vector<32x128xf32>
    %slice3A_821 = vector.extract_strided_slice %get3A_1 {offsets = [0, 64640], sizes = [32, 128], strides = [1, 1]} : vector<32x65536xf32> to vector<32x128xf32>
    %slice3A_822 = vector.extract_strided_slice %get3A_1 {offsets = [0, 64768], sizes = [32, 128], strides = [1, 1]} : vector<32x65536xf32> to vector<32x128xf32>
    %slice3A_823 = vector.extract_strided_slice %get3A_1 {offsets = [0, 64896], sizes = [32, 128], strides = [1, 1]} : vector<32x65536xf32> to vector<32x128xf32>
    %concatenate3A_824 = tpu.concatenate %slice3A_820, %slice3A_821, %slice3A_822, %slice3A_823 in 0 : vector<32x128xf32>, vector<32x128xf32>, vector<32x128xf32>, vector<32x128xf32> -> vector<128x128xf32>
    %dot_general3A_825 = arith.constant dense<0.000000e+00> : vector<128x128xf32>
    %dot_general3A_826 = tpu.matmul %select_n3A, %concatenate3A_824, %dot_general3A_825 {dimension_numbers = #tpu.dot_dimension_numbers<[1], [1], [0], [0], [0, 0, 1, 0], [], []>, transpose_lhs_hint = false} : vector<128x128xf32>, vector<128x128xf32>, vector<128x128xf32> -> vector<128x128xf32>
    %slice3A_827 = vector.extract_strided_slice %get3A_1 {offsets = [0, 65024], sizes = [32, 128], strides = [1, 1]} : vector<32x65536xf32> to vector<32x128xf32>
    %slice3A_828 = vector.extract_strided_slice %get3A_1 {offsets = [0, 65152], sizes = [32, 128], strides = [1, 1]} : vector<32x65536xf32> to vector<32x128xf32>
    %slice3A_829 = vector.extract_strided_slice %get3A_1 {offsets = [0, 65280], sizes = [32, 128], strides = [1, 1]} : vector<32x65536xf32> to vector<32x128xf32>
    %slice3A_830 = vector.extract_strided_slice %get3A_1 {offsets = [0, 65408], sizes = [32, 128], strides = [1, 1]} : vector<32x65536xf32> to vector<32x128xf32>
    %concatenate3A_831 = tpu.concatenate %slice3A_827, %slice3A_828, %slice3A_829, %slice3A_830 in 0 : vector<32x128xf32>, vector<32x128xf32>, vector<32x128xf32>, vector<32x128xf32> -> vector<128x128xf32>
    %transpose3A_832 = tpu.transpose %concatenate3A_831, [1, 0] : vector<128x128xf32> -> vector<128x128xf32>
    %concatenate3A_833 = tpu.concatenate %dot_general3A_8, %transpose3A, %dot_general3A_20, %transpose3A_26, %dot_general3A_33, %transpose3A_39, %dot_general3A_46, %transpose3A_52, %dot_general3A_59, %transpose3A_65, %dot_general3A_72, %transpose3A_78, %dot_general3A_85, %transpose3A_91, %dot_general3A_98, %transpose3A_104, %dot_general3A_111, %transpose3A_117, %dot_general3A_124, %transpose3A_130, %dot_general3A_137, %transpose3A_143, %dot_general3A_150, %transpose3A_156, %dot_general3A_163, %transpose3A_169, %dot_general3A_176, %transpose3A_182, %dot_general3A_189, %transpose3A_195, %dot_general3A_202, %transpose3A_208, %dot_general3A_215, %transpose3A_221, %dot_general3A_228, %transpose3A_234, %dot_general3A_241, %transpose3A_247, %dot_general3A_254, %transpose3A_260, %dot_general3A_267, %transpose3A_273, %dot_general3A_280, %transpose3A_286, %dot_general3A_293, %transpose3A_299, %dot_general3A_306, %transpose3A_312, %dot_general3A_319, %transpose3A_325, %dot_general3A_332, %transpose3A_338, %dot_general3A_345, %transpose3A_351, %dot_general3A_358, %transpose3A_364, %dot_general3A_371, %transpose3A_377, %dot_general3A_384, %transpose3A_390, %dot_general3A_397, %transpose3A_403, %dot_general3A_410, %transpose3A_416, %dot_general3A_423, %transpose3A_429, %dot_general3A_436, %transpose3A_442, %dot_general3A_449, %transpose3A_455, %dot_general3A_462, %transpose3A_468, %dot_general3A_475, %transpose3A_481, %dot_general3A_488, %transpose3A_494, %dot_general3A_501, %transpose3A_507, %dot_general3A_514, %transpose3A_520, %dot_general3A_527, %transpose3A_533, %dot_general3A_540, %transpose3A_546, %dot_general3A_553, %transpose3A_559, %dot_general3A_566, %transpose3A_572, %dot_general3A_579, %transpose3A_585, %dot_general3A_592, %transpose3A_598, %dot_general3A_605, %transpose3A_611, %dot_general3A_618, %transpose3A_624, %dot_general3A_631, %transpose3A_637, %dot_general3A_644, %transpose3A_650, %dot_general3A_657, %transpose3A_663, %dot_general3A_670, %transpose3A_676, %dot_general3A_683, %transpose3A_689, %dot_general3A_696, %transpose3A_702, %dot_general3A_709, %transpose3A_715, %dot_general3A_722, %transpose3A_728, %dot_general3A_735, %transpose3A_741, %dot_general3A_748, %transpose3A_754, %dot_general3A_761, %transpose3A_767, %dot_general3A_774, %transpose3A_780, %dot_general3A_787, %transpose3A_793, %dot_general3A_800, %transpose3A_806, %dot_general3A_813, %transpose3A_819, %dot_general3A_826, %transpose3A_832 in 0 : vector<128x128xf32>, vector<128x128xf32>, vector<128x128xf32>, vector<128x128xf32>, vector<128x128xf32>, vector<128x128xf32>, vector<128x128xf32>, vector<128x128xf32>, vector<128x128xf32>, vector<128x128xf32>, vector<128x128xf32>, vector<128x128xf32>, vector<128x128xf32>, vector<128x128xf32>, vector<128x128xf32>, vector<128x128xf32>, vector<128x128xf32>, vector<128x128xf32>, vector<128x128xf32>, vector<128x128xf32>, vector<128x128xf32>, vector<128x128xf32>, vector<128x128xf32>, vector<128x128xf32>, vector<128x128xf32>, vector<128x128xf32>, vector<128x128xf32>, vector<128x128xf32>, vector<128x128xf32>, vector<128x128xf32>, vector<128x128xf32>, vector<128x128xf32>, vector<128x128xf32>, vector<128x128xf32>, vector<128x128xf32>, vector<128x128xf32>, vector<128x128xf32>, vector<128x128xf32>, vector<128x128xf32>, vector<128x128xf32>, vector<128x128xf32>, vector<128x128xf32>, vector<128x128xf32>, vector<128x128xf32>, vector<128x128xf32>, vector<128x128xf32>, vector<128x128xf32>, vector<128x128xf32>, vector<128x128xf32>, vector<128x128xf32>, vector<128x128xf32>, vector<128x128xf32>, vector<128x128xf32>, vector<128x128xf32>, vector<128x128xf32>, vector<128x128xf32>, vector<128x128xf32>, vector<128x128xf32>, vector<128x128xf32>, vector<128x128xf32>, vector<128x128xf32>, vector<128x128xf32>, vector<128x128xf32>, vector<128x128xf32>, vector<128x128xf32>, vector<128x128xf32>, vector<128x128xf32>, vector<128x128xf32>, vector<128x128xf32>, vector<128x128xf32>, vector<128x128xf32>, vector<128x128xf32>, vector<128x128xf32>, vector<128x128xf32>, vector<128x128xf32>, vector<128x128xf32>, vector<128x128xf32>, vector<128x128xf32>, vector<128x128xf32>, vector<128x128xf32>, vector<128x128xf32>, vector<128x128xf32>, vector<128x128xf32>, vector<128x128xf32>, vector<128x128xf32>, vector<128x128xf32>, vector<128x128xf32>, vector<128x128xf32>, vector<128x128xf32>, vector<128x128xf32>, vector<128x128xf32>, vector<128x128xf32>, vector<128x128xf32>, vector<128x128xf32>, vector<128x128xf32>, vector<128x128xf32>, vector<128x128xf32>, vector<128x128xf32>, vector<128x128xf32>, vector<128x128xf32>, vector<128x128xf32>, vector<128x128xf32>, vector<128x128xf32>, vector<128x128xf32>, vector<128x128xf32>, vector<128x128xf32>, vector<128x128xf32>, vector<128x128xf32>, vector<128x128xf32>, vector<128x128xf32>, vector<128x128xf32>, vector<128x128xf32>, vector<128x128xf32>, vector<128x128xf32>, vector<128x128xf32>, vector<128x128xf32>, vector<128x128xf32>, vector<128x128xf32>, vector<128x128xf32>, vector<128x128xf32>, vector<128x128xf32>, vector<128x128xf32>, vector<128x128xf32>, vector<128x128xf32>, vector<128x128xf32>, vector<128x128xf32>, vector<128x128xf32>, vector<128x128xf32> -> vector<16384x128xf32>
    %swap3A = arith.constant 0 : index
    %swap3A_834 = arith.constant 0 : index
    %swap3A_835 = vector.load %arg2[%swap3A, %swap3A_834] : memref<16384x128xf32, #tpu.memory_space<vmem>>, vector<16384x128xf32>
    tpu.vector_store %arg2[%swap3A, %swap3A_834], %concatenate3A_833 {strides = array<i32>} : memref<16384x128xf32, #tpu.memory_space<vmem>>, vector<16384x128xf32>,
    return
  }
  func.func @transform_0(%arg0: i32) -> (i32, i32) {
    %c0_i32 = arith.constant 0 : i32
    %c0_i32_0 = arith.constant 0 : i32
    return %c0_i32, %arg0 : i32, i32
  }
  func.func @transform_1(%arg0: i32) -> (i32, i32) {
    %c0_i32 = arith.constant 0 : i32
    %c0_i32_0 = arith.constant 0 : i32
    return %arg0, %c0_i32 : i32, i32
  }
}

</mosaic_0001>

<sc_bundles>
// kernel: kernel.6.cloned.1.call-start
scs
__scs_entry_jumppad:
0x0: {  	(pc) =	sbr.rel $0x88, $3  }
0x1: {  	(tag) =	ssettag $0x0;
	lr =	simm.s32 $0x1  }
0x2: {  	[smem:$0x3F9F] =	sst lr;
	_ =	strace $0xD0000000  }
0x3: {  	_ = 	snop  }
0x4: {  	_ = 	snop  }
0x5: {  	_ = 	snop  }
0x6: {  	_ = 	snop  }
0x7: {  	_ = 	snop  }
__scs_overlays_trampoline_lowered:
0x8: {  	[smem:$0x3FAE] =	sst s0  }
0x9: {  	[smem:$0x3FAF] =	sst s1  }
0xa: {  	[smem:$0x3FB0] =	sst s2  }
0xb: {  	[smem:$0x3FB1] =	sst s3  }
0xc: {  	[smem:$0x3FB2] =	sst s4  }
0xd: {  	[smem:$0x3FB3] =	sst s5  }
0xe: {  	[smem:$0x3FB4] =	sst s6  }
0xf: {  	[smem:$0x3FB5] =	sst s7  }
0x10: {  	[smem:$0x3FB6] =	sst s8  }
0x11: {  	[smem:$0x3FB7] =	sst s9;
	s0 =	simm.s32 @!p0 $0x0  }
0x12: {  	s1 =	sld [smem:$0x3F9D];
	s0 =	simm.s32 @p0 $0x1  }
0x13: {  	[smem:$0x3FB8] =	sst s0;
	s0 =	simm.s32 @!p1 $0x0  }
0x14: {  	s2 =	sld [smem:$0x3F9C];
	s0 =	simm.s32 @p1 $0x1  }
0x15: {  	[smem:$0x3FB9] =	sst s0;
	s0 =	simm.s32 @!p2 $0x0  }
0x16: {  	s3 =	sld [smem:$0x3FDB];
	s0 =	simm.s32 @p2 $0x1  }
0x17: {  	s4 =	simm.s32 $0x1BF5;
	[smem:$0x3FBB] =	sst s0  }
0x18: {  	s0 =	sld [smem:$0x3F9E];
	_ =	swait.ge [sflag:s4], $0x0  }
0x19: {  	s7 =	sld [smem:$0x3F9F]  }
0x1a: {  	s8 =	sadd.s32 $0xFFFFE003, lr  }
0x1b: {  	s9 =	sadd.s32 $0xFFFFFEF7, lr;
	s5 =	simm.s32 $0xFFFFFFFF;
	p2 =	slt.u32 s8, $0xFFFFF086  }
0x1c: {  	p1 =	slt.u32 s9, $0xF7A;
	s5 =	simm.s32 @!p2 $0x0  }
0x1d: {  	s5 =	simm.s32 @p1 $0x1;
	p0 =	seq.s32 s7, s2  }
0x1e: {  	s7 =	smul.u32 @!p0 $0xF7A, s2;
	p2 =	seq.s32 @!p0 s5, $0x0  }
0x1f: {  	s9 =	smul.u32 $0xF7A, s1;
	s8 =	simm.s32 @!p0 $0x1BF5;
	p2 =	por !p2, p0  }
0x20: {  	[sflag:s8] =	ssyncset.s32 @!p0 $0xFFFFF086;
	s6 =	sadd.s32 @!p0 s3, s7;
	s7 =	simm.s32 @!p0 $0x108  }
0x21: {  	s3 =	sadd.s32 s3, s9;
	s6 =	sadd.s32 @!p0 $0x88, s6;
	s7 =	simm.s32 @p2 $0x1082  }
0x22: {  	[simem:s7], [sflag:s8] =	dma.local @!p0 [hbm:s6], $0xF7A  }
0x23: {  	s9 =	sor.u32 $0xD0000000, s2;
	s6 =	simm.s32 $0x108;
	_ =	swait.ge @!p0 [sflag:s8], $0x0  }
0x24: {  	s3 =	sadd.s32 $0x88, s3;
	s6 =	simm.s32 @!p1 $0x1082;
	[sflag:s4] =	ssyncset.s32 $0xFFFFF086  }
0x25: {  	[simem:s6], [sflag:s4] =	dma.local [hbm:s3], $0xF7A  }
0x26: {  	[smem:$0x3F9F] =	sst s1;
	(tag) =	ssettag s2;
	_ =	strace s9  }
0x27: {  	s1 =	sld [smem:$0x3FAF]  }
0x28: {  	s2 =	sld [smem:$0x3FB0]  }
0x29: {  	s4 =	sld [smem:$0x3FB2]  }
0x2a: {  	p0 =	seq.s32 s5, $0x0;
	s5 =	sld [smem:$0x3FB3]  }
0x2b: {  	s6 =	sld [smem:$0x3FB4]  }
0x2c: {  	s7 =	sld [smem:$0x3FB5]  }
0x2d: {  	s3 =	simm.s32 $0x108;
	s8 =	sld [smem:$0x3FB6]  }
0x2e: {  	s3 =	simm.s32 @!p0 $0x1082;
	s9 =	sld [smem:$0x3FB7]  }
0x2f: {  	lr =	sadd.s32 s0, s3;
	s0 =	sld [smem:$0x3FAE]  }
0x30: {  	s3 =	sld [smem:$0x3FB1]  }
0x31: {  	[smem:$0x3FBA] =	sst s10  }
0x32: {  	s10 =	sld [smem:$0x3FB8];
	_ =	sdelay $0x3  }
0x33: {  	p0 =	seq.s32 s10, $0x1;
	s10 =	sld [smem:$0x3FBA];
	_ =	sdelay $0x3  }
0x34: {  	[smem:$0x3FBA] =	sst s10  }
0x35: {  	s10 =	sld [smem:$0x3FB9];
	_ =	sdelay $0x3  }
0x36: {  	p1 =	seq.s32 s10, $0x1;
	s10 =	sld [smem:$0x3FBA];
	_ =	sdelay $0x3  }
0x37: {  	[smem:$0x3FBA] =	sst s10  }
0x38: {  	s10 =	sld [smem:$0x3FBB]  }
0x39: {  	_ = 	snop;
	(pc) =	sbr.ind lr, $3  }
0x3a: {  	_ = 	snop  }
0x3b: {  	_ = 	snop  }
0x3c: {  	p2 =	seq.s32 s10, $0x1;
	s10 =	sld [smem:$0x3FBA]  }
0x3d: {  	_ =	shalt  }
0x3e: {  	_ =	shalt  }
0x3f: {  	_ =	shalt  }
0x40: {  	_ =	shalt  }
0x41: {  	_ =	shalt  }
0x42: {  	_ =	shalt  }
0x43: {  	_ =	shalt  }
0x44: {  	_ =	shalt  }
0x45: {  	_ =	shalt  }
0x46: {  	_ =	shalt  }
0x47: {  	_ =	shalt  }
0x48: {  	_ =	shalt  }
0x49: {  	_ =	shalt  }
0x4a: {  	_ =	shalt  }
0x4b: {  	_ =	shalt  }
0x4c: {  	_ =	shalt  }
0x4d: {  	_ =	shalt  }
0x4e: {  	_ =	shalt  }
0x4f: {  	_ =	shalt  }
0x50: {  	_ =	shalt  }
0x51: {  	_ =	shalt  }
0x52: {  	_ =	shalt  }
0x53: {  	_ =	shalt  }
0x54: {  	_ =	shalt  }
0x55: {  	_ =	shalt  }
0x56: {  	_ =	shalt  }
0x57: {  	_ =	shalt  }
0x58: {  	_ =	shalt  }
0x59: {  	_ =	shalt  }
0x5a: {  	_ =	shalt  }
0x5b: {  	_ =	shalt  }
0x5c: {  	_ =	shalt  }
0x5d: {  	_ =	shalt  }
0x5e: {  	_ =	shalt  }
0x5f: {  	_ =	shalt  }
0x60: {  	_ =	shalt  }
0x61: {  	_ =	shalt  }
0x62: {  	_ =	shalt  }
0x63: {  	_ =	shalt  }
0x64: {  	_ =	shalt  }
0x65: {  	_ =	shalt  }
0x66: {  	_ =	shalt  }
0x67: {  	_ =	shalt  }
0x68: {  	_ =	shalt  }
0x69: {  	_ =	shalt  }
0x6a: {  	_ =	shalt  }
0x6b: {  	_ =	shalt  }
0x6c: {  	_ =	shalt  }
0x6d: {  	_ =	shalt  }
0x6e: {  	_ =	shalt  }
0x6f: {  	_ =	shalt  }
0x70: {  	_ =	shalt  }
0x71: {  	_ =	shalt  }
0x72: {  	_ =	shalt  }
0x73: {  	_ =	shalt  }
0x74: {  	_ =	shalt  }
0x75: {  	_ =	shalt  }
0x76: {  	_ =	shalt  }
0x77: {  	_ =	shalt  }
0x78: {  	_ =	shalt  }
0x79: {  	_ =	shalt  }
0x7a: {  	_ =	shalt  }
0x7b: {  	_ =	shalt  }
0x7c: {  	_ =	shalt  }
0x7d: {  	_ =	shalt  }
0x7e: {  	_ =	shalt  }
0x7f: {  	_ =	shalt  }
0x80: {  	_ =	shalt  }
0x81: {  	_ =	shalt  }
0x82: {  	_ =	shalt  }
0x83: {  	_ =	shalt  }
0x84: {  	_ =	shalt  }
0x85: {  	_ =	shalt  }
0x86: {  	_ =	shalt  }
0x87: {  	_ =	shalt  }
.Lfunc_end0:
.L_simem_size_0:
called_computation_lowered:
.L_overlay_start_0:
0x88: {  	s2 =	sld [smem:$0x3FD9]  }
0x89: {  	s3 =	sld [smem:$0x3FFE];
	_ =	sdelay $0x1  }
0x8a: {  	s1 =	srdreg.scid  }
0x8b: {  	s0 =	sand.u32 $0x1, s1  }
0x8c: {  	s17 =	sshll.u32 s0, $0xA;
	s2 =	sadd.s32 s3, s2  }
0x8d: {  	s2 =	sadd.s32 s2, s17  }
0x8e: {  	[smem:$0x3FC6] =	sst s2  }
0x8f: {  	_ = 	snop  }
0x90: {  	s2 =	sld [smem:$0x3FD0];
	(tm) =	ssettm $0x1  }
0x91: {  	s18 =	sld [smem:$0x3FFB];
	_ =	sdelay $0x3  }
0x92: {  	_ =	strace s18  }
0x93: {  	s3 =	sld [smem:$0x3FFC];
	_ =	sdelay $0x3  }
0x94: {  	_ =	strace s3  }
0x95: {  	s3 =	sld [smem:$0x3FFD];
	_ =	sdelay $0x3  }
0x96: {  	_ =	strace s3  }
0x97: {  	_ =	strace $0x8FFFFFFF  }
0x98: {  	s19 =	sld [smem:$0x3FDB];
	_ =	sdelay $0x1  }
0x99: {  	s4 =	simm.s32 $_scs_section_size  }
0x9a: {  	s5 =	simm.s32 $_size__tile_overlayer_lowered;
	s6 =	simm.s32 $_tile_overlayer_lowered  }
0x9b: {  	s22 =	simm.s32 $0x1BFF;
	s21 =	sshll.u32 s6, $0x1;
	s3 =	sadd.s32 s4, s19  }
0x9c: {  	s7 =	simm.s32 $0x0;
	s20 =	sshll.u32 s5, $0x1;
	s5 =	sadd.s32 s21, s3  }
0x9d: {  	[timem:s7], [sflag:s22] =	dma.local [hbm:s5], s20  }
0x9e: {  	_ =	swait.ge [sflag:s22], s20  }
0x9f: {  	s4 =	ssub.s32 $0x0, s20;
	[sflag:s22] =	ssyncset.done $0x0  }
0xa0: {  	[sflag:s22] =	ssyncadd.s32 s4;
	_ =	sdelay $0x1  }
0xa1: {  	s23 =	simm.s32 $0x1B8B  }
0xa2: {  	_ =	swait.ge [sflag:s23], $0x1  }
0xa3: {  	[sflag:s23] =	ssyncset.done $0x0  }
0xa4: {  	s25 =	simm.s32 $0x1B8E;
	s24 =	sld [smem:$0x3FFE];
	[sflag:s23] =	ssyncadd.s32 $0xFFFFFFFF  }
0xa5: {  	s26 =	simm.s32 $execute0_lowered;
	[smem:$0x3FD2] =	sst s25  }
0xa6: {  	s5 =	sshll.u32 s26, $0x1;
	_ =	strace $0x80000046;
	[dreg:$0x1] =	wrdreg $0xFFFFFFFF  }
0xa7: {  	s28 =	simm.s32 $_size_execute0_lowered;
	s3 =	sadd.s32 s3, s5;
	[dreg:$0x0] =	wrdreg $0x0  }
0xa8: {  	s5 =	sshll.u32 s28, $0x1;
	[dreg:$0x2] =	wrdreg s3  }
0xa9: {  	[dreg:$0x3] =	wrdreg s5  }
0xaa: {  	[dreg:$0x4] =	wrdreg $0xC0  }
0xab: {  	_ =	task [dreg:s7], $0x5FFFF  }
0xac: {  	[dreg:$0x1] =	wrdreg $0xFFFFFFFF  }
0xad: {  	[dreg:$0x0] =	wrdreg $0x60  }
0xae: {  	[dreg:$0x2] =	wrdreg s2  }
0xaf: {  	[dreg:$0x3] =	wrdreg s24  }
0xb0: {  	[dreg:$0x4] =	wrdreg $0x9  }
0xb1: {  	_ =	task.clear_ibuf [dreg:s7], $0x5FFFF;
	_ =	strace $0x90000046  }
0xb2: {  	s29 =	simm.s32 $0x9;
	_ =	strace $0x80000048  }
0xb3: {  	_ =	swait.ge [sflag:s29], $0x1  }
0xb4: {  	[sflag:s29] =	ssyncadd.s32 $0xFFFFFFFF  }
0xb5: {  	_ =	strace $0x90000048  }
0xb6: {  	_ =	sfence  }
0xb7: {  	s30 =	sld [smem:$0x0];
	_ =	sdelay $0x2  }
0xb8: {  	s31 =	sshll.u32 s1, $0xD;
	s1 =	sshrl.u32 s1, $0x2  }
0xb9: {  	s3 =	sand.u32 $0x4000, s31;
	s1 =	sadd.s32 s1, s30  }
0xba: {  	s0 =	sor.u32 s3, s0;
	s1 =	sshll.u32 s1, $0x11  }
0xbb: {  	s0 =	sor.u32 s1, s0  }
0xbc: {  	s0 =	sadd.s32 $0x8F2B, s0  }
0xbd: {  	[sflag:s0] =	ssyncadd.remote.s32 $0x1  }
0xbe: {  	_ =	sfence.sel $0xFFFF  }
0xbf: {  	[dreg:$0x0] =	wrdreg $0xFFFFFFFF;
	(pc) =	sbr.abs _section_cstart, $3  }
0xc0: {  	[dreg:$0x1] =	wrdreg $0xFFFFFFFF  }
0xc1: {  	_ =	task.clear_ibuf [dreg:s7], $0x2FFFF;
	_ =	strace $0x9FFFFFFF  }
0xc2: {  	(tm) =	ssettm $0x7FFFFFFF  }
0xc3: {  	_ =	shalt  }
tec
execute0_lowered:
.L_overlay_start_1:
0x0: {  	(tag) =	ssettag $0x1  }
0x1: {  	s0 =	srdreg.scid;
	s1 =	rddreg [dreg:$0x0]  }
0x2: {  	s3 =	stileid.u32;
	s4 =	rddreg [dreg:$0x1]  }
0x3: {  	s5 =	simm.s32 $0x0;
	s28 =	simm.s32 $0x1;
	s29 =	simm.s32 $0x10400  }
0x4: {  	s30 =	simm.s32 $0x3;
	s31 =	simm.s32 $0x4;
	s0 =	sand.u32 $0x1, s0  }
0x5: {  	s2 =	sshll.u32 s3, $0x1;
	[smem:$0x7FF] =	sst s5;
	s24 =	smul.u32 $0x6800, s3  }
0x6: {  	s3 =	sadd.s32 $0x800, s4;
	s4 =	sadd.s32 $0x400800, s4;
	s6 =	ssub.s32 $0x2, s0  }
0x7: {  	s2 =	sor.u32 s0, s2;
	s0 =	smul.u32 $0x3400, s0;
	s7 =	sshrl.u32 s6, $0x1  }
0x8: {  	_ =	strace $0x80000047;
	s2 =	smul.u32 $0x3400, s2;
	s6 =	ssub.s32 s6, s7  }
0x9: {  	s7 =	sadd.s32 s0, s24;
	s24 =	simm.s32 $0x340;
	s0 =	simm.s32 $0x10740  }
0xa: {  	s2 =	sshrl.u32 s2, $0x3;
	s26 =	smax.u32 s6, $0x1;
	s8 =	sor.u32 $0x340, s7  }
0xb: {  	s9 =	sadd.s32 $0x680, s7;
	s10 =	sadd.s32 $0x9C0, s7;
	s11 =	sadd.s32 $0xD00, s7  }
0xc: {  	s12 =	sadd.s32 $0x1040, s7;
	s13 =	sadd.s32 $0x1380, s7;
	s14 =	sadd.s32 $0x16C0, s7  }
0xd: {  	s15 =	sadd.s32 $0x1A00, s7;
	s16 =	sadd.s32 $0x1D40, s7;
	s17 =	sadd.s32 $0x2080, s7  }
0xe: {  	s18 =	sadd.s32 $0x23C0, s7;
	s19 =	sadd.s32 $0x2700, s7;
	s20 =	sadd.s32 $0x2A40, s7  }
0xf: {  	s21 =	sadd.s32 $0x2D80, s7;
	s22 =	sadd.s32 $0x30C0, s7;
	s25 =	sadd.s32 s1, s2  }
0x10: {  	v0 =	vlaneseq.u32;
	[dreg:$0x4] =	wrdreg s26;
	s26 =	simm.s32 $0x9C00;
	s1 =	simm.s32 $0x2  }
0x11: {  	v0 =	vmul.u32 $0x4, v0;
	s2 =	simm.s32 $0x0;
	[dreg:$0x3] =	wrdreg s25;
	s25 =	simm.s32 $0x3400  }
.LBB2_1:
0x12: {  	s5 =	simm.s32 $0x0;
	s6 =	rddreg [dreg:$0x3];
	s23 =	simm.s32 $0x5  }
0x13: {  	[tilespmem:s5], [sflag:$0x5] =	stream.linear.gather [hbm4b:s6+s5], $0x3400, $0x38;
	[tilespmem:$0x10A80] =	vst v63  }
0x14: {  	v1 =	vmov s7;
	_ =	swait.ge [sflag:s23], $0x3400  }
0x15: {  	v2 =	vshll.u32 v1, $0x2;
	v3 =	vshrl.u32 v1, $0xE;
	[sflag:s23] =	ssyncset.done $0x0  }
0x16: {  	v1 =	vand.u32 $0x7FFF0000, v1;
	v2 =	vor.u32 v0, v2;
	v3 =	vand.u32 $0x3, v3;
	[sflag:s23] =	ssyncadd.s32 $0xFFFFCC00  }
0x17: {  	v2 =	vand.u32 $0xFFFC, v2;
	v1 =	vor.u32 v1, v3;
	[tilespmem:s25], [sflag:$0x1] =	stream.indirect.gather [hbm4b:s3+s24], $0x20, s5, s24, $0xb8;
	[tilespmem:$0x10A80] =	vst v63  }
0x18: {  	s6 =	simm.s32 $0x40;
	v1 =	vor.u32 v2, v1;
	s23 =	simm.s32 $0x0;
	s5 =	smov.u32 s7  }
.LBB2_2:
0x19: {  	p0 =	sne.s32 s6, $0xCC0  }
0x1a: {  	[tilespmem:s23+$0x10400] =	vst v1;
	s5 =	sadd.s32 $0x10, s5;
	s23 =	smov.u32 s6;
	s6 =	sadd.s32 $0x40, s6  }
.Ltmp0:
0x1b: {  	v1 =	vmov s5;
	(pc) =	sbr.rel @p0 .LBB2_2-.Ltmp0, $4  }
0x1c: {  	v2 =	vshll.u32 v1, $0x2;
	v3 =	vshrl.u32 v1, $0xE  }
0x1d: {  	v1 =	vand.u32 $0x7FFF0000, v1;
	v2 =	vor.u32 v0, v2;
	v3 =	vand.u32 $0x3, v3  }
0x1e: {  	v2 =	vand.u32 $0xFFFC, v2;
	v1 =	vor.u32 v1, v3  }
0x1f: {  	s23 =	sshra.s32 s23, $0x2;
	v1 =	vor.u32 v2, v1  }
0x20: {  	v2 =	vmov s8  }
0x21: {  	[tilespmem:s23+$0x10400] =	vst v1;
	v1 =	vshll.u32 v2, $0x2;
	v3 =	vshrl.u32 v2, $0xE  }
0x22: {  	v2 =	vand.u32 $0x7FFF0000, v2;
	v1 =	vor.u32 v0, v1;
	v3 =	vand.u32 $0x3, v3  }
0x23: {  	s6 =	simm.s32 $0x40;
	s23 =	simm.s32 $0x0;
	s5 =	smov.u32 s8;
	v1 =	vand.u32 $0xFFFC, v1;
	v2 =	vor.u32 v2, v3  }
0x24: {  	[tilespmem:s26], [sflag:$0x2] =	stream.indirect.gather [hbm4b:s3+s24], $0x20, s24, s24, $0xb8;
	v1 =	vor.u32 v1, v2;
	[tilespmem:$0x10A80] =	vst v63  }
.LBB2_4:
0x25: {  	p0 =	sne.s32 s6, $0xCC0  }
0x26: {  	[tilespmem:s23+$0x10740] =	vst v1;
	s5 =	sadd.s32 $0x10, s5;
	s23 =	smov.u32 s6;
	s6 =	sadd.s32 $0x40, s6  }
.Ltmp1:
0x27: {  	v1 =	vmov s5;
	(pc) =	sbr.rel @p0 .LBB2_4-.Ltmp1, $4  }
0x28: {  	v2 =	vshll.u32 v1, $0x2;
	v3 =	vshrl.u32 v1, $0xE  }
0x29: {  	v1 =	vand.u32 $0x7FFF0000, v1;
	v2 =	vor.u32 v0, v2;
	v3 =	vand.u32 $0x3, v3  }
0x2a: {  	v2 =	vand.u32 $0xFFFC, v2;
	v1 =	vor.u32 v1, v3  }
0x2b: {  	s23 =	sshra.s32 s23, $0x2;
	v1 =	vor.u32 v2, v1  }
0x2c: {  	[tilespmem:s23+$0x10740] =	vst v1  }
0x2d: {  	_ =	swait.ge [sflag:s28], $0x6800  }
0x2e: {  	[sflag:s28] =	ssyncset.done $0x0  }
0x2f: {  	[sflag:s28] =	ssyncadd.s32 $0xFFFF9800  }
0x30: {  	[hbm4b:s4+s24] =	stream.indirect.scatter [tilespmem:s25], [sflag:$0x3], $0x20, s29, s24, $0xb8;
	[tilespmem:$0x10A80] =	vst v63  }
0x31: {  	v1 =	vmov s9;
	_ =	swait.ge [sflag:s30], $0x6800  }
0x32: {  	v2 =	vshll.u32 v1, $0x2;
	v3 =	vshrl.u32 v1, $0xE;
	[sflag:s30] =	ssyncset.done $0x0  }
0x33: {  	s5 =	simm.s32 $0x680;
	v1 =	vand.u32 $0x7FFF0000, v1;
	v2 =	vor.u32 v0, v2;
	v3 =	vand.u32 $0x3, v3;
	[sflag:s30] =	ssyncadd.s32 $0xFFFF9800  }
0x34: {  	v2 =	vand.u32 $0xFFFC, v2;
	v1 =	vor.u32 v1, v3;
	[tilespmem:s25], [sflag:$0x1] =	stream.indirect.gather [hbm4b:s3+s24], $0x20, s5, s24, $0xb8;
	[tilespmem:$0x10A80] =	vst v63  }
0x35: {  	s6 =	simm.s32 $0x40;
	s23 =	simm.s32 $0x0;
	v1 =	vor.u32 v2, v1;
	s5 =	smov.u32 s9  }
.LBB2_6:
0x36: {  	p0 =	sne.s32 s6, $0xCC0  }
0x37: {  	[tilespmem:s23+$0x10400] =	vst v1;
	s5 =	sadd.s32 $0x10, s5;
	s23 =	smov.u32 s6;
	s6 =	sadd.s32 $0x40, s6  }
.Ltmp2:
0x38: {  	v1 =	vmov s5;
	(pc) =	sbr.rel @p0 .LBB2_6-.Ltmp2, $4  }
0x39: {  	v2 =	vshll.u32 v1, $0x2;
	v3 =	vshrl.u32 v1, $0xE  }
0x3a: {  	v1 =	vand.u32 $0x7FFF0000, v1;
	v2 =	vor.u32 v0, v2;
	v3 =	vand.u32 $0x3, v3  }
0x3b: {  	v2 =	vand.u32 $0xFFFC, v2;
	v1 =	vor.u32 v1, v3  }
0x3c: {  	s23 =	sshra.s32 s23, $0x2;
	v1 =	vor.u32 v2, v1  }
0x3d: {  	[tilespmem:s23+$0x10400] =	vst v1  }
0x3e: {  	_ =	swait.ge [sflag:s1], $0x6800  }
0x3f: {  	[sflag:s1] =	ssyncset.done $0x0  }
0x40: {  	[sflag:s1] =	ssyncadd.s32 $0xFFFF9800  }
0x41: {  	[hbm4b:s4+s24] =	stream.indirect.scatter [tilespmem:s26], [sflag:$0x4], $0x20, s0, s24, $0xb8;
	[tilespmem:$0x10A80] =	vst v63  }
0x42: {  	v1 =	vmov s10;
	_ =	swait.ge [sflag:s31], $0x6800  }
0x43: {  	v2 =	vshll.u32 v1, $0x2;
	v3 =	vshrl.u32 v1, $0xE;
	[sflag:s31] =	ssyncset.done $0x0  }
0x44: {  	s5 =	simm.s32 $0x9C0;
	v1 =	vand.u32 $0x7FFF0000, v1;
	v2 =	vor.u32 v0, v2;
	v3 =	vand.u32 $0x3, v3;
	[sflag:s31] =	ssyncadd.s32 $0xFFFF9800  }
0x45: {  	v2 =	vand.u32 $0xFFFC, v2;
	v1 =	vor.u32 v1, v3;
	[tilespmem:s26], [sflag:$0x2] =	stream.indirect.gather [hbm4b:s3+s24], $0x20, s5, s24, $0xb8;
	[tilespmem:$0x10A80] =	vst v63  }
0x46: {  	s6 =	simm.s32 $0x40;
	s23 =	simm.s32 $0x0;
	v1 =	vor.u32 v2, v1;
	s5 =	smov.u32 s10  }
.LBB2_8:
0x47: {  	p0 =	sne.s32 s6, $0xCC0  }
0x48: {  	[tilespmem:s23+$0x10740] =	vst v1;
	s5 =	sadd.s32 $0x10, s5;
	s23 =	smov.u32 s6;
	s6 =	sadd.s32 $0x40, s6  }
.Ltmp3:
0x49: {  	v1 =	vmov s5;
	(pc) =	sbr.rel @p0 .LBB2_8-.Ltmp3, $4  }
0x4a: {  	v2 =	vshll.u32 v1, $0x2;
	v3 =	vshrl.u32 v1, $0xE  }
0x4b: {  	v1 =	vand.u32 $0x7FFF0000, v1;
	v2 =	vor.u32 v0, v2;
	v3 =	vand.u32 $0x3, v3  }
0x4c: {  	v2 =	vand.u32 $0xFFFC, v2;
	v1 =	vor.u32 v1, v3  }
0x4d: {  	s23 =	sshra.s32 s23, $0x2;
	v1 =	vor.u32 v2, v1  }
0x4e: {  	[tilespmem:s23+$0x10740] =	vst v1  }
0x4f: {  	_ =	swait.ge [sflag:s28], $0x6800  }
0x50: {  	[sflag:s28] =	ssyncset.done $0x0  }
0x51: {  	[sflag:s28] =	ssyncadd.s32 $0xFFFF9800  }
0x52: {  	[hbm4b:s4+s24] =	stream.indirect.scatter [tilespmem:s25], [sflag:$0x3], $0x20, s29, s24, $0xb8;
	[tilespmem:$0x10A80] =	vst v63  }
0x53: {  	v1 =	vmov s11;
	_ =	swait.ge [sflag:s30], $0x6800  }
0x54: {  	v2 =	vshll.u32 v1, $0x2;
	v3 =	vshrl.u32 v1, $0xE;
	[sflag:s30] =	ssyncset.done $0x0  }
0x55: {  	s5 =	simm.s32 $0xD00;
	v1 =	vand.u32 $0x7FFF0000, v1;
	v2 =	vor.u32 v0, v2;
	v3 =	vand.u32 $0x3, v3;
	[sflag:s30] =	ssyncadd.s32 $0xFFFF9800  }
0x56: {  	v2 =	vand.u32 $0xFFFC, v2;
	v1 =	vor.u32 v1, v3;
	[tilespmem:s25], [sflag:$0x1] =	stream.indirect.gather [hbm4b:s3+s24], $0x20, s5, s24, $0xb8;
	[tilespmem:$0x10A80] =	vst v63  }
0x57: {  	s6 =	simm.s32 $0x40;
	s23 =	simm.s32 $0x0;
	v1 =	vor.u32 v2, v1;
	s5 =	smov.u32 s11  }
.LBB2_10:
0x58: {  	p0 =	sne.s32 s6, $0xCC0  }
0x59: {  	[tilespmem:s23+$0x10400] =	vst v1;
	s5 =	sadd.s32 $0x10, s5;
	s23 =	smov.u32 s6;
	s6 =	sadd.s32 $0x40, s6  }
.Ltmp4:
0x5a: {  	v1 =	vmov s5;
	(pc) =	sbr.rel @p0 .LBB2_10-.Ltmp4, $4  }
0x5b: {  	v2 =	vshll.u32 v1, $0x2;
	v3 =	vshrl.u32 v1, $0xE  }
0x5c: {  	v1 =	vand.u32 $0x7FFF0000, v1;
	v2 =	vor.u32 v0, v2;
	v3 =	vand.u32 $0x3, v3  }
0x5d: {  	v2 =	vand.u32 $0xFFFC, v2;
	v1 =	vor.u32 v1, v3  }
0x5e: {  	s23 =	sshra.s32 s23, $0x2;
	v1 =	vor.u32 v2, v1  }
0x5f: {  	[tilespmem:s23+$0x10400] =	vst v1  }
0x60: {  	_ =	swait.ge [sflag:s1], $0x6800  }
0x61: {  	[sflag:s1] =	ssyncset.done $0x0  }
0x62: {  	[sflag:s1] =	ssyncadd.s32 $0xFFFF9800  }
0x63: {  	[hbm4b:s4+s24] =	stream.indirect.scatter [tilespmem:s26], [sflag:$0x4], $0x20, s0, s24, $0xb8;
	[tilespmem:$0x10A80] =	vst v63  }
0x64: {  	v1 =	vmov s12;
	_ =	swait.ge [sflag:s31], $0x6800  }
0x65: {  	v2 =	vshll.u32 v1, $0x2;
	v3 =	vshrl.u32 v1, $0xE;
	[sflag:s31] =	ssyncset.done $0x0  }
0x66: {  	s5 =	simm.s32 $0x1040;
	v1 =	vand.u32 $0x7FFF0000, v1;
	v2 =	vor.u32 v0, v2;
	v3 =	vand.u32 $0x3, v3;
	[sflag:s31] =	ssyncadd.s32 $0xFFFF9800  }
0x67: {  	v2 =	vand.u32 $0xFFFC, v2;
	v1 =	vor.u32 v1, v3;
	[tilespmem:s26], [sflag:$0x2] =	stream.indirect.gather [hbm4b:s3+s24], $0x20, s5, s24, $0xb8;
	[tilespmem:$0x10A80] =	vst v63  }
0x68: {  	s6 =	simm.s32 $0x40;
	s23 =	simm.s32 $0x0;
	v1 =	vor.u32 v2, v1;
	s5 =	smov.u32 s12  }
.LBB2_12:
0x69: {  	p0 =	sne.s32 s6, $0xCC0  }
0x6a: {  	[tilespmem:s23+$0x10740] =	vst v1;
	s5 =	sadd.s32 $0x10, s5;
	s23 =	smov.u32 s6;
	s6 =	sadd.s32 $0x40, s6  }
.Ltmp5:
0x6b: {  	v1 =	vmov s5;
	(pc) =	sbr.rel @p0 .LBB2_12-.Ltmp5, $4  }
0x6c: {  	v2 =	vshll.u32 v1, $0x2;
	v3 =	vshrl.u32 v1, $0xE  }
0x6d: {  	v1 =	vand.u32 $0x7FFF0000, v1;
	v2 =	vor.u32 v0, v2;
	v3 =	vand.u32 $0x3, v3  }
0x6e: {  	v2 =	vand.u32 $0xFFFC, v2;
	v1 =	vor.u32 v1, v3  }
0x6f: {  	s23 =	sshra.s32 s23, $0x2;
	v1 =	vor.u32 v2, v1  }
0x70: {  	[tilespmem:s23+$0x10740] =	vst v1  }
0x71: {  	_ =	swait.ge [sflag:s28], $0x6800  }
0x72: {  	[sflag:s28] =	ssyncset.done $0x0  }
0x73: {  	[sflag:s28] =	ssyncadd.s32 $0xFFFF9800  }
0x74: {  	[hbm4b:s4+s24] =	stream.indirect.scatter [tilespmem:s25], [sflag:$0x3], $0x20, s29, s24, $0xb8;
	[tilespmem:$0x10A80] =	vst v63  }
0x75: {  	v1 =	vmov s13;
	_ =	swait.ge [sflag:s30], $0x6800  }
0x76: {  	v2 =	vshll.u32 v1, $0x2;
	v3 =	vshrl.u32 v1, $0xE;
	[sflag:s30] =	ssyncset.done $0x0  }
0x77: {  	s5 =	simm.s32 $0x1380;
	v1 =	vand.u32 $0x7FFF0000, v1;
	v2 =	vor.u32 v0, v2;
	v3 =	vand.u32 $0x3, v3;
	[sflag:s30] =	ssyncadd.s32 $0xFFFF9800  }
0x78: {  	v2 =	vand.u32 $0xFFFC, v2;
	v1 =	vor.u32 v1, v3;
	[tilespmem:s25], [sflag:$0x1] =	stream.indirect.gather [hbm4b:s3+s24], $0x20, s5, s24, $0xb8;
	[tilespmem:$0x10A80] =	vst v63  }
0x79: {  	s6 =	simm.s32 $0x40;
	s23 =	simm.s32 $0x0;
	v1 =	vor.u32 v2, v1;
	s5 =	smov.u32 s13  }
.LBB2_14:
0x7a: {  	p0 =	sne.s32 s6, $0xCC0  }
0x7b: {  	[tilespmem:s23+$0x10400] =	vst v1;
	s5 =	sadd.s32 $0x10, s5;
	s23 =	smov.u32 s6;
	s6 =	sadd.s32 $0x40, s6  }
.Ltmp6:
0x7c: {  	v1 =	vmov s5;
	(pc) =	sbr.rel @p0 .LBB2_14-.Ltmp6, $4  }
0x7d: {  	v2 =	vshll.u32 v1, $0x2;
	v3 =	vshrl.u32 v1, $0xE  }
0x7e: {  	v1 =	vand.u32 $0x7FFF0000, v1;
	v2 =	vor.u32 v0, v2;
	v3 =	vand.u32 $0x3, v3  }
0x7f: {  	v2 =	vand.u32 $0xFFFC, v2;
	v1 =	vor.u32 v1, v3  }
0x80: {  	s23 =	sshra.s32 s23, $0x2;
	v1 =	vor.u32 v2, v1  }
0x81: {  	[tilespmem:s23+$0x10400] =	vst v1  }
0x82: {  	_ =	swait.ge [sflag:s1], $0x6800  }
0x83: {  	[sflag:s1] =	ssyncset.done $0x0  }
0x84: {  	[sflag:s1] =	ssyncadd.s32 $0xFFFF9800  }
0x85: {  	[hbm4b:s4+s24] =	stream.indirect.scatter [tilespmem:s26], [sflag:$0x4], $0x20, s0, s24, $0xb8;
	[tilespmem:$0x10A80] =	vst v63  }
0x86: {  	v1 =	vmov s14;
	_ =	swait.ge [sflag:s31], $0x6800  }
0x87: {  	v2 =	vshll.u32 v1, $0x2;
	v3 =	vshrl.u32 v1, $0xE;
	[sflag:s31] =	ssyncset.done $0x0  }
0x88: {  	s5 =	simm.s32 $0x16C0;
	v1 =	vand.u32 $0x7FFF0000, v1;
	v2 =	vor.u32 v0, v2;
	v3 =	vand.u32 $0x3, v3;
	[sflag:s31] =	ssyncadd.s32 $0xFFFF9800  }
0x89: {  	v2 =	vand.u32 $0xFFFC, v2;
	v1 =	vor.u32 v1, v3;
	[tilespmem:s26], [sflag:$0x2] =	stream.indirect.gather [hbm4b:s3+s24], $0x20, s5, s24, $0xb8;
	[tilespmem:$0x10A80] =	vst v63  }
0x8a: {  	s6 =	simm.s32 $0x40;
	s23 =	simm.s32 $0x0;
	v1 =	vor.u32 v2, v1;
	s5 =	smov.u32 s14  }
.LBB2_16:
0x8b: {  	p0 =	sne.s32 s6, $0xCC0  }
0x8c: {  	[tilespmem:s23+$0x10740] =	vst v1;
	s5 =	sadd.s32 $0x10, s5;
	s23 =	smov.u32 s6;
	s6 =	sadd.s32 $0x40, s6  }
.Ltmp7:
0x8d: {  	v1 =	vmov s5;
	(pc) =	sbr.rel @p0 .LBB2_16-.Ltmp7, $4  }
0x8e: {  	v2 =	vshll.u32 v1, $0x2;
	v3 =	vshrl.u32 v1, $0xE  }
0x8f: {  	v1 =	vand.u32 $0x7FFF0000, v1;
	v2 =	vor.u32 v0, v2;
	v3 =	vand.u32 $0x3, v3  }
0x90: {  	v2 =	vand.u32 $0xFFFC, v2;
	v1 =	vor.u32 v1, v3  }
0x91: {  	s23 =	sshra.s32 s23, $0x2;
	v1 =	vor.u32 v2, v1  }
0x92: {  	[tilespmem:s23+$0x10740] =	vst v1  }
0x93: {  	_ =	swait.ge [sflag:s28], $0x6800  }
0x94: {  	[sflag:s28] =	ssyncset.done $0x0  }
0x95: {  	[sflag:s28] =	ssyncadd.s32 $0xFFFF9800  }
0x96: {  	[hbm4b:s4+s24] =	stream.indirect.scatter [tilespmem:s25], [sflag:$0x3], $0x20, s29, s24, $0xb8;
	[tilespmem:$0x10A80] =	vst v63  }
0x97: {  	v1 =	vmov s15;
	_ =	swait.ge [sflag:s30], $0x6800  }
0x98: {  	v2 =	vshll.u32 v1, $0x2;
	v3 =	vshrl.u32 v1, $0xE;
	[sflag:s30] =	ssyncset.done $0x0  }
0x99: {  	s5 =	simm.s32 $0x1A00;
	v1 =	vand.u32 $0x7FFF0000, v1;
	v2 =	vor.u32 v0, v2;
	v3 =	vand.u32 $0x3, v3;
	[sflag:s30] =	ssyncadd.s32 $0xFFFF9800  }
0x9a: {  	v2 =	vand.u32 $0xFFFC, v2;
	v1 =	vor.u32 v1, v3;
	[tilespmem:s25], [sflag:$0x1] =	stream.indirect.gather [hbm4b:s3+s24], $0x20, s5, s24, $0xb8;
	[tilespmem:$0x10A80] =	vst v63  }
0x9b: {  	s6 =	simm.s32 $0x40;
	s23 =	simm.s32 $0x0;
	v1 =	vor.u32 v2, v1;
	s5 =	smov.u32 s15  }
.LBB2_18:
0x9c: {  	p0 =	sne.s32 s6, $0xCC0  }
0x9d: {  	[tilespmem:s23+$0x10400] =	vst v1;
	s5 =	sadd.s32 $0x10, s5;
	s23 =	smov.u32 s6;
	s6 =	sadd.s32 $0x40, s6  }
.Ltmp8:
0x9e: {  	v1 =	vmov s5;
	(pc) =	sbr.rel @p0 .LBB2_18-.Ltmp8, $4  }
0x9f: {  	v2 =	vshll.u32 v1, $0x2;
	v3 =	vshrl.u32 v1, $0xE  }
0xa0: {  	v1 =	vand.u32 $0x7FFF0000, v1;
	v2 =	vor.u32 v0, v2;
	v3 =	vand.u32 $0x3, v3  }
0xa1: {  	v2 =	vand.u32 $0xFFFC, v2;
	v1 =	vor.u32 v1, v3  }
0xa2: {  	s23 =	sshra.s32 s23, $0x2;
	v1 =	vor.u32 v2, v1  }
0xa3: {  	[tilespmem:s23+$0x10400] =	vst v1  }
0xa4: {  	_ =	swait.ge [sflag:s1], $0x6800  }
0xa5: {  	[sflag:s1] =	ssyncset.done $0x0  }
0xa6: {  	[sflag:s1] =	ssyncadd.s32 $0xFFFF9800  }
0xa7: {  	[hbm4b:s4+s24] =	stream.indirect.scatter [tilespmem:s26], [sflag:$0x4], $0x20, s0, s24, $0xb8;
	[tilespmem:$0x10A80] =	vst v63  }
0xa8: {  	v1 =	vmov s16;
	_ =	swait.ge [sflag:s31], $0x6800  }
0xa9: {  	v2 =	vshll.u32 v1, $0x2;
	v3 =	vshrl.u32 v1, $0xE;
	[sflag:s31] =	ssyncset.done $0x0  }
0xaa: {  	s5 =	simm.s32 $0x1D40;
	v1 =	vand.u32 $0x7FFF0000, v1;
	v2 =	vor.u32 v0, v2;
	v3 =	vand.u32 $0x3, v3;
	[sflag:s31] =	ssyncadd.s32 $0xFFFF9800  }
0xab: {  	v2 =	vand.u32 $0xFFFC, v2;
	v1 =	vor.u32 v1, v3;
	[tilespmem:s26], [sflag:$0x2] =	stream.indirect.gather [hbm4b:s3+s24], $0x20, s5, s24, $0xb8;
	[tilespmem:$0x10A80] =	vst v63  }
0xac: {  	s6 =	simm.s32 $0x40;
	s23 =	simm.s32 $0x0;
	v1 =	vor.u32 v2, v1;
	s5 =	smov.u32 s16  }
.LBB2_20:
0xad: {  	p0 =	sne.s32 s6, $0xCC0  }
0xae: {  	[tilespmem:s23+$0x10740] =	vst v1;
	s5 =	sadd.s32 $0x10, s5;
	s23 =	smov.u32 s6;
	s6 =	sadd.s32 $0x40, s6  }
.Ltmp9:
0xaf: {  	v1 =	vmov s5;
	(pc) =	sbr.rel @p0 .LBB2_20-.Ltmp9, $4  }
0xb0: {  	v2 =	vshll.u32 v1, $0x2;
	v3 =	vshrl.u32 v1, $0xE  }
0xb1: {  	v1 =	vand.u32 $0x7FFF0000, v1;
	v2 =	vor.u32 v0, v2;
	v3 =	vand.u32 $0x3, v3  }
0xb2: {  	v2 =	vand.u32 $0xFFFC, v2;
	v1 =	vor.u32 v1, v3  }
0xb3: {  	s23 =	sshra.s32 s23, $0x2;
	v1 =	vor.u32 v2, v1  }
0xb4: {  	[tilespmem:s23+$0x10740] =	vst v1  }
0xb5: {  	_ =	swait.ge [sflag:s28], $0x6800  }
0xb6: {  	[sflag:s28] =	ssyncset.done $0x0  }
0xb7: {  	[sflag:s28] =	ssyncadd.s32 $0xFFFF9800  }
0xb8: {  	[hbm4b:s4+s24] =	stream.indirect.scatter [tilespmem:s25], [sflag:$0x3], $0x20, s29, s24, $0xb8;
	[tilespmem:$0x10A80] =	vst v63  }
0xb9: {  	v1 =	vmov s17;
	_ =	swait.ge [sflag:s30], $0x6800  }
0xba: {  	v2 =	vshll.u32 v1, $0x2;
	v3 =	vshrl.u32 v1, $0xE;
	[sflag:s30] =	ssyncset.done $0x0  }
0xbb: {  	s5 =	simm.s32 $0x2080;
	v1 =	vand.u32 $0x7FFF0000, v1;
	v2 =	vor.u32 v0, v2;
	v3 =	vand.u32 $0x3, v3;
	[sflag:s30] =	ssyncadd.s32 $0xFFFF9800  }
0xbc: {  	v2 =	vand.u32 $0xFFFC, v2;
	v1 =	vor.u32 v1, v3;
	[tilespmem:s25], [sflag:$0x1] =	stream.indirect.gather [hbm4b:s3+s24], $0x20, s5, s24, $0xb8;
	[tilespmem:$0x10A80] =	vst v63  }
0xbd: {  	s6 =	simm.s32 $0x40;
	s23 =	simm.s32 $0x0;
	v1 =	vor.u32 v2, v1;
	s5 =	smov.u32 s17  }
.LBB2_22:
0xbe: {  	p0 =	sne.s32 s6, $0xCC0  }
0xbf: {  	[tilespmem:s23+$0x10400] =	vst v1;
	s5 =	sadd.s32 $0x10, s5;
	s23 =	smov.u32 s6;
	s6 =	sadd.s32 $0x40, s6  }
.Ltmp10:
0xc0: {  	v1 =	vmov s5;
	(pc) =	sbr.rel @p0 .LBB2_22-.Ltmp10, $4  }
0xc1: {  	v2 =	vshll.u32 v1, $0x2;
	v3 =	vshrl.u32 v1, $0xE  }
0xc2: {  	v1 =	vand.u32 $0x7FFF0000, v1;
	v2 =	vor.u32 v0, v2;
	v3 =	vand.u32 $0x3, v3  }
0xc3: {  	v2 =	vand.u32 $0xFFFC, v2;
	v1 =	vor.u32 v1, v3  }
0xc4: {  	s23 =	sshra.s32 s23, $0x2;
	v1 =	vor.u32 v2, v1  }
0xc5: {  	[tilespmem:s23+$0x10400] =	vst v1  }
0xc6: {  	_ =	swait.ge [sflag:s1], $0x6800  }
0xc7: {  	[sflag:s1] =	ssyncset.done $0x0  }
0xc8: {  	[sflag:s1] =	ssyncadd.s32 $0xFFFF9800  }
0xc9: {  	[hbm4b:s4+s24] =	stream.indirect.scatter [tilespmem:s26], [sflag:$0x4], $0x20, s0, s24, $0xb8;
	[tilespmem:$0x10A80] =	vst v63  }
0xca: {  	v1 =	vmov s18;
	_ =	swait.ge [sflag:s31], $0x6800  }
0xcb: {  	v2 =	vshll.u32 v1, $0x2;
	v3 =	vshrl.u32 v1, $0xE;
	[sflag:s31] =	ssyncset.done $0x0  }
0xcc: {  	s5 =	simm.s32 $0x23C0;
	v1 =	vand.u32 $0x7FFF0000, v1;
	v2 =	vor.u32 v0, v2;
	v3 =	vand.u32 $0x3, v3;
	[sflag:s31] =	ssyncadd.s32 $0xFFFF9800  }
0xcd: {  	v2 =	vand.u32 $0xFFFC, v2;
	v1 =	vor.u32 v1, v3;
	[tilespmem:s26], [sflag:$0x2] =	stream.indirect.gather [hbm4b:s3+s24], $0x20, s5, s24, $0xb8;
	[tilespmem:$0x10A80] =	vst v63  }
0xce: {  	s6 =	simm.s32 $0x40;
	s23 =	simm.s32 $0x0;
	v1 =	vor.u32 v2, v1;
	s5 =	smov.u32 s18  }
.LBB2_24:
0xcf: {  	p0 =	sne.s32 s6, $0xCC0  }
0xd0: {  	[tilespmem:s23+$0x10740] =	vst v1;
	s5 =	sadd.s32 $0x10, s5;
	s23 =	smov.u32 s6;
	s6 =	sadd.s32 $0x40, s6  }
.Ltmp11:
0xd1: {  	v1 =	vmov s5;
	(pc) =	sbr.rel @p0 .LBB2_24-.Ltmp11, $4  }
0xd2: {  	v2 =	vshll.u32 v1, $0x2;
	v3 =	vshrl.u32 v1, $0xE  }
0xd3: {  	v1 =	vand.u32 $0x7FFF0000, v1;
	v2 =	vor.u32 v0, v2;
	v3 =	vand.u32 $0x3, v3  }
0xd4: {  	v2 =	vand.u32 $0xFFFC, v2;
	v1 =	vor.u32 v1, v3  }
0xd5: {  	s23 =	sshra.s32 s23, $0x2;
	v1 =	vor.u32 v2, v1  }
0xd6: {  	[tilespmem:s23+$0x10740] =	vst v1  }
0xd7: {  	_ =	swait.ge [sflag:s28], $0x6800  }
0xd8: {  	[sflag:s28] =	ssyncset.done $0x0  }
0xd9: {  	[sflag:s28] =	ssyncadd.s32 $0xFFFF9800  }
0xda: {  	[hbm4b:s4+s24] =	stream.indirect.scatter [tilespmem:s25], [sflag:$0x3], $0x20, s29, s24, $0xb8;
	[tilespmem:$0x10A80] =	vst v63  }
0xdb: {  	v1 =	vmov s19;
	_ =	swait.ge [sflag:s30], $0x6800  }
0xdc: {  	v2 =	vshll.u32 v1, $0x2;
	v3 =	vshrl.u32 v1, $0xE;
	[sflag:s30] =	ssyncset.done $0x0  }
0xdd: {  	s5 =	simm.s32 $0x2700;
	v1 =	vand.u32 $0x7FFF0000, v1;
	v2 =	vor.u32 v0, v2;
	v3 =	vand.u32 $0x3, v3;
	[sflag:s30] =	ssyncadd.s32 $0xFFFF9800  }
0xde: {  	v2 =	vand.u32 $0xFFFC, v2;
	v1 =	vor.u32 v1, v3;
	[tilespmem:s25], [sflag:$0x1] =	stream.indirect.gather [hbm4b:s3+s24], $0x20, s5, s24, $0xb8;
	[tilespmem:$0x10A80] =	vst v63  }
0xdf: {  	s6 =	simm.s32 $0x40;
	s23 =	simm.s32 $0x0;
	v1 =	vor.u32 v2, v1;
	s5 =	smov.u32 s19  }
.LBB2_26:
0xe0: {  	p0 =	sne.s32 s6, $0xCC0  }
0xe1: {  	[tilespmem:s23+$0x10400] =	vst v1;
	s5 =	sadd.s32 $0x10, s5;
	s23 =	smov.u32 s6;
	s6 =	sadd.s32 $0x40, s6  }
.Ltmp12:
0xe2: {  	v1 =	vmov s5;
	(pc) =	sbr.rel @p0 .LBB2_26-.Ltmp12, $4  }
0xe3: {  	v2 =	vshll.u32 v1, $0x2;
	v3 =	vshrl.u32 v1, $0xE  }
0xe4: {  	v1 =	vand.u32 $0x7FFF0000, v1;
	v2 =	vor.u32 v0, v2;
	v3 =	vand.u32 $0x3, v3  }
0xe5: {  	v2 =	vand.u32 $0xFFFC, v2;
	v1 =	vor.u32 v1, v3  }
0xe6: {  	s23 =	sshra.s32 s23, $0x2;
	v1 =	vor.u32 v2, v1  }
0xe7: {  	[tilespmem:s23+$0x10400] =	vst v1  }
0xe8: {  	_ =	swait.ge [sflag:s1], $0x6800  }
0xe9: {  	[sflag:s1] =	ssyncset.done $0x0  }
0xea: {  	[sflag:s1] =	ssyncadd.s32 $0xFFFF9800  }
0xeb: {  	[hbm4b:s4+s24] =	stream.indirect.scatter [tilespmem:s26], [sflag:$0x4], $0x20, s0, s24, $0xb8;
	[tilespmem:$0x10A80] =	vst v63  }
0xec: {  	v1 =	vmov s20;
	_ =	swait.ge [sflag:s31], $0x6800  }
0xed: {  	v2 =	vshll.u32 v1, $0x2;
	v3 =	vshrl.u32 v1, $0xE;
	[sflag:s31] =	ssyncset.done $0x0  }
0xee: {  	s5 =	simm.s32 $0x2A40;
	v1 =	vand.u32 $0x7FFF0000, v1;
	v2 =	vor.u32 v0, v2;
	v3 =	vand.u32 $0x3, v3;
	[sflag:s31] =	ssyncadd.s32 $0xFFFF9800  }
0xef: {  	v2 =	vand.u32 $0xFFFC, v2;
	v1 =	vor.u32 v1, v3;
	[tilespmem:s26], [sflag:$0x2] =	stream.indirect.gather [hbm4b:s3+s24], $0x20, s5, s24, $0xb8;
	[tilespmem:$0x10A80] =	vst v63  }
0xf0: {  	s6 =	simm.s32 $0x40;
	s23 =	simm.s32 $0x0;
	v1 =	vor.u32 v2, v1;
	s5 =	smov.u32 s20  }
.LBB2_28:
0xf1: {  	p0 =	sne.s32 s6, $0xCC0  }
0xf2: {  	[tilespmem:s23+$0x10740] =	vst v1;
	s5 =	sadd.s32 $0x10, s5;
	s23 =	smov.u32 s6;
	s6 =	sadd.s32 $0x40, s6  }
.Ltmp13:
0xf3: {  	v1 =	vmov s5;
	(pc) =	sbr.rel @p0 .LBB2_28-.Ltmp13, $4  }
0xf4: {  	v2 =	vshll.u32 v1, $0x2;
	v3 =	vshrl.u32 v1, $0xE  }
0xf5: {  	v1 =	vand.u32 $0x7FFF0000, v1;
	v2 =	vor.u32 v0, v2;
	v3 =	vand.u32 $0x3, v3  }
0xf6: {  	v2 =	vand.u32 $0xFFFC, v2;
	v1 =	vor.u32 v1, v3  }
0xf7: {  	s23 =	sshra.s32 s23, $0x2;
	v1 =	vor.u32 v2, v1  }
0xf8: {  	[tilespmem:s23+$0x10740] =	vst v1  }
0xf9: {  	_ =	swait.ge [sflag:s28], $0x6800  }
0xfa: {  	[sflag:s28] =	ssyncset.done $0x0  }
0xfb: {  	[sflag:s28] =	ssyncadd.s32 $0xFFFF9800  }
0xfc: {  	[hbm4b:s4+s24] =	stream.indirect.scatter [tilespmem:s25], [sflag:$0x3], $0x20, s29, s24, $0xb8;
	[tilespmem:$0x10A80] =	vst v63  }
0xfd: {  	v1 =	vmov s21;
	_ =	swait.ge [sflag:s30], $0x6800  }
0xfe: {  	v2 =	vshll.u32 v1, $0x2;
	v3 =	vshrl.u32 v1, $0xE;
	[sflag:s30] =	ssyncset.done $0x0  }
0xff: {  	s5 =	simm.s32 $0x2D80;
	v1 =	vand.u32 $0x7FFF0000, v1;
	v2 =	vor.u32 v0, v2;
	v3 =	vand.u32 $0x3, v3;
	[sflag:s30] =	ssyncadd.s32 $0xFFFF9800  }
0x100: {  	v2 =	vand.u32 $0xFFFC, v2;
	v1 =	vor.u32 v1, v3;
	[tilespmem:s25], [sflag:$0x1] =	stream.indirect.gather [hbm4b:s3+s24], $0x20, s5, s24, $0xb8;
	[tilespmem:$0x10A80] =	vst v63  }
0x101: {  	s6 =	simm.s32 $0x40;
	s23 =	simm.s32 $0x0;
	v1 =	vor.u32 v2, v1;
	s5 =	smov.u32 s21  }
.LBB2_30:
0x102: {  	p0 =	sne.s32 s6, $0xCC0  }
0x103: {  	[tilespmem:s23+$0x10400] =	vst v1;
	s5 =	sadd.s32 $0x10, s5;
	s23 =	smov.u32 s6;
	s6 =	sadd.s32 $0x40, s6  }
.Ltmp14:
0x104: {  	v1 =	vmov s5;
	(pc) =	sbr.rel @p0 .LBB2_30-.Ltmp14, $4  }
0x105: {  	v2 =	vshll.u32 v1, $0x2;
	v3 =	vshrl.u32 v1, $0xE  }
0x106: {  	v1 =	vand.u32 $0x7FFF0000, v1;
	v2 =	vor.u32 v0, v2;
	v3 =	vand.u32 $0x3, v3  }
0x107: {  	v2 =	vand.u32 $0xFFFC, v2;
	v1 =	vor.u32 v1, v3  }
0x108: {  	s23 =	sshra.s32 s23, $0x2;
	v1 =	vor.u32 v2, v1  }
0x109: {  	[tilespmem:s23+$0x10400] =	vst v1  }
0x10a: {  	_ =	swait.ge [sflag:s1], $0x6800  }
0x10b: {  	[sflag:s1] =	ssyncset.done $0x0  }
0x10c: {  	[sflag:s1] =	ssyncadd.s32 $0xFFFF9800  }
0x10d: {  	[hbm4b:s4+s24] =	stream.indirect.scatter [tilespmem:s26], [sflag:$0x4], $0x20, s0, s24, $0xb8;
	[tilespmem:$0x10A80] =	vst v63  }
0x10e: {  	v1 =	vmov s22;
	_ =	swait.ge [sflag:s31], $0x6800  }
0x10f: {  	v2 =	vshll.u32 v1, $0x2;
	v3 =	vshrl.u32 v1, $0xE;
	[sflag:s31] =	ssyncset.done $0x0  }
0x110: {  	s5 =	simm.s32 $0x30C0;
	v1 =	vand.u32 $0x7FFF0000, v1;
	v2 =	vor.u32 v0, v2;
	v3 =	vand.u32 $0x3, v3;
	[sflag:s31] =	ssyncadd.s32 $0xFFFF9800  }
0x111: {  	v2 =	vand.u32 $0xFFFC, v2;
	v1 =	vor.u32 v1, v3;
	[tilespmem:s26], [sflag:$0x2] =	stream.indirect.gather [hbm4b:s3+s24], $0x20, s5, s24, $0xb8;
	[tilespmem:$0x10A80] =	vst v63  }
0x112: {  	s6 =	simm.s32 $0x40;
	s23 =	simm.s32 $0x0;
	v1 =	vor.u32 v2, v1;
	s5 =	smov.u32 s22  }
.LBB2_32:
0x113: {  	p0 =	sne.s32 s6, $0xCC0  }
0x114: {  	[tilespmem:s23+$0x10740] =	vst v1;
	s5 =	sadd.s32 $0x10, s5;
	s23 =	smov.u32 s6;
	s6 =	sadd.s32 $0x40, s6  }
.Ltmp15:
0x115: {  	v1 =	vmov s5;
	(pc) =	sbr.rel @p0 .LBB2_32-.Ltmp15, $4  }
0x116: {  	v2 =	vshll.u32 v1, $0x2;
	v3 =	vshrl.u32 v1, $0xE  }
0x117: {  	v1 =	vand.u32 $0x7FFF0000, v1;
	v2 =	vor.u32 v0, v2;
	v3 =	vand.u32 $0x3, v3  }
0x118: {  	v2 =	vand.u32 $0xFFFC, v2;
	v1 =	vor.u32 v1, v3  }
0x119: {  	s23 =	sshra.s32 s23, $0x2;
	v1 =	vor.u32 v2, v1  }
0x11a: {  	[tilespmem:s23+$0x10740] =	vst v1  }
0x11b: {  	_ =	swait.ge [sflag:s28], $0x6800  }
0x11c: {  	[sflag:s28] =	ssyncset.done $0x0  }
0x11d: {  	[sflag:s28] =	ssyncadd.s32 $0xFFFF9800  }
0x11e: {  	[hbm4b:s4+s24] =	stream.indirect.scatter [tilespmem:s25], [sflag:$0x3], $0x20, s29, s24, $0xb8;
	[tilespmem:$0x10A80] =	vst v63  }
0x11f: {  	_ =	swait.ge [sflag:s1], $0x6800  }
0x120: {  	[sflag:s1] =	ssyncset.done $0x0  }
0x121: {  	[sflag:s1] =	ssyncadd.s32 $0xFFFF9800  }
0x122: {  	[hbm4b:s4+s24] =	stream.indirect.scatter [tilespmem:s26], [sflag:$0x4], $0x20, s0, s24, $0xb8;
	[tilespmem:$0x10A80] =	vst v63  }
0x123: {  	_ =	swait.ge [sflag:s30], $0x6800  }
0x124: {  	[sflag:s30] =	ssyncset.done $0x0  }
0x125: {  	[sflag:s30] =	ssyncadd.s32 $0xFFFF9800  }
0x126: {  	_ =	swait.ge [sflag:s31], $0x6800  }
0x127: {  	s2 =	sadd.s32 $0x1, s2;
	s5 =	rddreg [dreg:$0x4]  }
0x128: {  	p0 =	sne.s32 s2, s5  }
.Ltmp16:
0x129: {  	_ = 	snop;
	(pc) =	sbr.rel @p0 .LBB2_1-.Ltmp16, $3  }
0x12a: {  	_ =	sdelay $0x1  }
0x12b: {  	[sflag:s31] =	ssyncset.done $0x0  }
0x12c: {  	[sflag:s31] =	ssyncadd.s32 $0xFFFF9800  }
0x12d: {  	_ =	sfence.sel $0x180000  }
0x12e: {  	[bflag:$0x0] =	sbarrier.arrive $0xFFFF  }
0x12f: {  	_ =	strace $0x90000047  }
0x130: {  	s0 =	stileid.u32;
	[bflag:$0x2] =	sbarrier.arrive $0xFFFF  }
0x131: {  	p0 =	sne.s32 s0, $0x0;
	s0 =	rddreg [dreg:$0x2]  }
0x132: {  	s0 =	sadd.s32 @!p0 $0x100000, s0  }
0x133: {  	[sflag:s0] =	ssyncadd.tile.s32 @!p0 $0x1;
	_ =	shalt  }
.Lfunc_end2:
_tile_overlayer_lowered:
.L_overlay_start_2:
0x134: {  	(tag) =	ssettag $0x2  }
0x135: {  	s0 =	rddreg [dreg:$0x0];
	s2 =	stileid.u32  }
0x136: {  	s1 =	rddreg [dreg:$0x1];
	p0 =	sne.s32 s2, $0x0  }
0x137: {  	s3 =	rddreg [dreg:$0x2];
	[bflag:$0x3] =	sbarrier.arrive $0xFFFF;
	s2 =	simm.s32 @!p0 $0x1C05  }
0x138: {  	[timem:s3], [sflag:s2] =	dma.local @!p0 [hbm:s0], s1  }
0x139: {  	s0 =	simm.s32 @!p0 $0x5  }
0x13a: {  	_ =	swait.ge @!p0 [sflag:s0], s1  }
0x13b: {  	s1 =	ssub.s32 @!p0 $0x0, s1;
	[sflag:s0] =	ssyncset.done @!p0 $0x0  }
0x13c: {  	[sflag:s0] =	ssyncadd.s32 @!p0 s1  }
0x13d: {  	[bflag:$0x3] =	sbarrier.arrive $0xFFFF  }
0x13e: {  	_ =	shalt  }

</sc_bundles>
